<compile_context>
chip_gen: v7x
topology: tpu7x:2x2x1
jax: 0.10.2.dev20260603
libtpu: 0.0.44.dev20260713+nightly
codegen_flags: <defaults>
</compile_context>

<pallas_src>
import functools

import jax
import jax.numpy as jnp
from jax import lax
from jax.experimental import pallas as pl
from jax.experimental.pallas import tpu as pltpu
from jax.experimental.pallas import tpu_sc as plsc

_NC = 2
_NS = 16
_NW = _NC * _NS


def _sc_gather(table, ids2d, *, flat_base, rows, chunk):
    d = table.shape[1]
    s = ids2d.shape[1]
    per_w = rows // _NW
    nchunks = per_w // chunk
    mesh = plsc.VectorSubcoreMesh(core_axis_name="c", subcore_axis_name="s")

    @functools.partial(
        pl.kernel,
        out_type=jax.ShapeDtypeStruct((rows, d), jnp.float32),
        mesh=mesh,
        scratch_types=[
            pltpu.VMEM((per_w,), jnp.int32),
            pltpu.VMEM((chunk, d), jnp.float32),
            pltpu.VMEM((chunk, d), jnp.float32),
            pltpu.SemaphoreType.DMA,
            pltpu.SemaphoreType.DMA,
            pltpu.SemaphoreType.DMA,
            pltpu.SemaphoreType.DMA,
        ],
    )
    def gather_kernel(table_hbm, ids_hbm, out_hbm,
                      idx_all, buf0, buf1, g0, g1, o0, o1):
        wid = lax.axis_index("s") * _NC + lax.axis_index("c")
        base = wid * per_w
        flat = flat_base + base
        row = flat // s
        col = flat % s
        buf = (buf0, buf1)
        gsem = (g0, g1)
        osem = (o0, o1)

        pltpu.sync_copy(ids_hbm.at[row, pl.ds(col, per_w)], idx_all)

        def start_gather(c, p):
            pltpu.async_copy(
                table_hbm.at[idx_all.at[pl.ds(c * chunk, chunk)]],
                buf[p], gsem[p])

        def wait_gather(c, p):
            pltpu.make_async_copy(
                table_hbm.at[idx_all.at[pl.ds(c * chunk, chunk)]],
                buf[p], gsem[p]).wait()

        def start_out(c, p):
            pltpu.async_copy(
                buf[p], out_hbm.at[pl.ds(base + c * chunk, chunk), :], osem[p])

        start_gather(0, 0)
        for c in range(1, nchunks):
            p = c % 2
            q = (c - 1) % 2
            if c >= 2:
                pltpu.make_async_copy(
                    buf[p], out_hbm.at[pl.ds(0, chunk), :], osem[p]).wait()
            start_gather(c, p)
            wait_gather(c - 1, q)
            start_out(c - 1, q)
        last = nchunks - 1
        wait_gather(last, last % 2)
        start_out(last, last % 2)
        pltpu.make_async_copy(
            buf[0], out_hbm.at[pl.ds(0, chunk), :], osem[0]).wait()
        pltpu.make_async_copy(
            buf[1], out_hbm.at[pl.ds(0, chunk), :], osem[1]).wait()

    return gather_kernel(table, ids2d)


def _ln_body_aliased(buf_ref, seg_ref, g_ref, pos_ref, segtab_ref, gamma_ref,
                     beta_ref, o_ref):
    del buf_ref
    _ln_body(seg_ref, g_ref, pos_ref, segtab_ref, gamma_ref, beta_ref, o_ref)


def _ln_body(seg_ref, g_ref, pos_ref, segtab_ref, gamma_ref, beta_ref, o_ref):
    m, _, s = seg_ref.shape
    d = g_ref.shape[1]
    x = g_ref[...].reshape(m, s, d) + pos_ref[...][None]
    srow = seg_ref[:, 0, :]
    w = (srow == 1).astype(jnp.float32).reshape(m, s, 1)
    s0 = segtab_ref[0:1, :]
    s1 = segtab_ref[1:2, :]
    x = x + s0 + w * (s1 - s0)
    mean = jnp.mean(x, axis=-1, keepdims=True)
    xc = x - mean
    var = jnp.mean(xc * xc, axis=-1, keepdims=True)
    y = xc * lax.rsqrt(var + 1e-12)
    o_ref[...] = (y * gamma_ref[...] + beta_ref[...]).reshape(m * s, d)


def _tc_ln(gathered, seg3d, pos_table, seg_table, gamma, beta, *, tile,
           total_rows, base_block, out_buf=None):
    rows, d = gathered.shape
    s = pos_table.shape[0]
    nseg = seg_table.shape[0]
    m = tile // s
    grid = (rows // tile,)
    data_specs = [
        pl.BlockSpec((m, 1, s), lambda i: (i, 0, 0)),
        pl.BlockSpec((tile, d), lambda i: (i, 0)),
        pl.BlockSpec((s, d), lambda i: (0, 0)),
        pl.BlockSpec((nseg, d), lambda i: (0, 0)),
        pl.BlockSpec((1, d), lambda i: (0, 0)),
        pl.BlockSpec((1, d), lambda i: (0, 0)),
    ]
    out_spec = pl.BlockSpec((tile, d), lambda i: (base_block + i, 0))
    out_shape = jax.ShapeDtypeStruct((total_rows, d), jnp.float32)
    args = (seg3d, gathered, pos_table, seg_table, gamma, beta)
    if out_buf is None:
        return pl.pallas_call(
            _ln_body, grid=grid, in_specs=data_specs, out_specs=out_spec,
            out_shape=out_shape,
        )(*args)
    return pl.pallas_call(
        _ln_body_aliased, grid=grid,
        in_specs=[pl.BlockSpec(memory_space=pl.ANY)] + data_specs,
        out_specs=out_spec, out_shape=out_shape,
        input_output_aliases={0: 0},
    )(out_buf, *args)


def kernel(input_ids, segment_ids, token_table, pos_table, seg_table, gamma, beta):
    b, s = input_ids.shape
    d = token_table.shape[1]
    bs = b * s
    seg3d = segment_ids.reshape(b, 1, s)
    gamma2 = gamma.reshape(1, -1)
    beta2 = beta.reshape(1, -1)
    nch = 4
    tc_tile = 2048
    csz = bs // nch
    brows = b // nch
    out = None
    for i in range(nch):
        g = _sc_gather(token_table, input_ids,
                       flat_base=i * csz, rows=csz, chunk=64)
        out = _tc_ln(g, seg3d[i * brows:(i + 1) * brows], pos_table, seg_table,
                     gamma2, beta2, tile=tc_tile, total_rows=bs,
                     base_block=i * (csz // tc_tile), out_buf=out)
    return out.reshape(b, s, d)

# --- scband reference (transcript-rebuilt; emitter-appended) ---
"""Pipeline reference for scband-bertembedding-67095979098737 (READ-ONLY COPY).

The authoritative reference and input builder live on the scoring server;
editing this copy changes nothing except your own understanding.
"""

import jax, jax.numpy as jnp
import numpy as np

VOCAB = 30522
D = 768
MAXLEN = 512
NSEG = 2
B = 64
S = 512


def setup_inputs(seed: int = 0) -> dict:
    key = jax.random.key(seed)
    k1, k2, k3, k4, k5 = jax.random.split(key, 5)
    input_ids = jax.random.randint(k1, (B, S), 0, VOCAB, dtype=jnp.int32)
    segment_ids = jax.random.randint(k2, (B, S), 0, NSEG, dtype=jnp.int32)
    token_table = jax.random.normal(k3, (VOCAB, D), dtype=jnp.float32) * 0.02
    token_table = token_table.at[0].set(0.0)  # padding_idx=0
    pos_table = jax.random.normal(k4, (MAXLEN, D), dtype=jnp.float32) * 0.02
    seg_table = jax.random.normal(k5, (NSEG, D), dtype=jnp.float32) * 0.02
    gamma = jnp.ones((D,), dtype=jnp.float32)
    beta = jnp.zeros((D,), dtype=jnp.float32)
    return {
        "input_ids": input_ids,
        "segment_ids": segment_ids,
        "token_table": token_table,
        "pos_table": pos_table,
        "seg_table": seg_table,
        "gamma": gamma,
        "beta": beta,
    }


def reference(input_ids, segment_ids, token_table, pos_table, seg_table, gamma, beta):
    seq_len = input_ids.shape[1]
    position_ids = jnp.broadcast_to(jnp.arange(seq_len, dtype=jnp.int32)[None, :], input_ids.shape)
    token_emb = jnp.take(token_table, input_ids, axis=0)
    position_emb = jnp.take(pos_table, position_ids, axis=0)
    segment_emb = jnp.take(seg_table, segment_ids, axis=0)
    emb = token_emb + position_emb + segment_emb
    mean = jnp.mean(emb, axis=-1, keepdims=True)
    var = jnp.mean((emb - mean) ** 2, axis=-1, keepdims=True)
    normed = (emb - mean) / jnp.sqrt(var + 1e-12)
    out = normed * gamma + beta
    # dropout: identity in eval/inference mode
    return out

if __name__ == "__main__":
    import jax
    _d = setup_inputs()
    print(jax.jit(kernel)(*tuple(_d.values())))

</pallas_src>

<mosaic_0001>
#map = affine_map<(d0, d1) -> (0, 0)>
module attributes {stable_mosaic.version = 14 : i64} {
  func.func @gather_kernel(%arg0: i32, %arg1: i32, %arg2: memref<30522x768xf32, #tpu.memory_space<hbm>>, %arg3: memref<64x512xi32, #tpu.memory_space<hbm>>, %arg4: memref<8192x768xf32, #tpu.memory_space<hbm>>, %arg5: memref<256xi32, #tpu.memory_space<vmem>>, %arg6: memref<64x768xf32, #tpu.memory_space<vmem>>, %arg7: memref<64x768xf32, #tpu.memory_space<vmem>>, %arg8: memref<!tpu.dma_semaphore, #tpu.memory_space<semaphore_mem>>, %arg9: memref<!tpu.dma_semaphore, #tpu.memory_space<semaphore_mem>>, %arg10: memref<!tpu.dma_semaphore, #tpu.memory_space<semaphore_mem>>, %arg11: memref<!tpu.dma_semaphore, #tpu.memory_space<semaphore_mem>>) attributes {dimension_semantics = [#tpu.dimension_semantics<core_parallel>, #tpu.dimension_semantics<subcore_parallel>], iteration_bounds = array<i64: 2, 16>, scalar_prefetch = 0 : i64, scratch_operands = 7 : i64, tpu.core_type = #tpu.core_type<sc_vector_subcore>, window_params = [{transform_indices = #map}, {transform_indices = #map}, {transform_indices = #map}]} {
    %mul3A = arith.constant 2 : i32
    %mul3A_0 = arith.muli %arg1, %mul3A : i32
    %add3A = arith.addi %mul3A_0, %arg0 : i32
    %mul3A_1 = arith.constant 256 : i32
    %mul3A_2 = arith.muli %add3A, %mul3A_1 : i32
    %add3A_3 = arith.constant 24576 : i32
    %add3A_4 = arith.addi %add3A_3, %mul3A_2 : i32
    %jit3A = arith.constant 512 : i32
    %div3A = arith.divsi %add3A_4, %jit3A : i32
    %sign3A = arith.constant 0 : i32
    %sign3A_5 = arith.cmpi sgt, %add3A_4, %sign3A : i32
    %sign3A_6 = arith.extui %sign3A_5 : i1 to i32
    %sign3A_7 = arith.constant 0 : i32
    %sign3A_8 = arith.cmpi slt, %add3A_4, %sign3A_7 : i32
    %sign3A_9 = arith.extui %sign3A_8 : i1 to i32
    %sign3A_10 = arith.subi %sign3A_6, %sign3A_9 : i32
    %sign3A_11 = arith.constant 0 : i32
    %sign3A_12 = arith.cmpi sgt, %jit3A, %sign3A_11 : i32
    %sign3A_13 = arith.extui %sign3A_12 : i1 to i32
    %sign3A_14 = arith.constant 0 : i32
    %sign3A_15 = arith.cmpi slt, %jit3A, %sign3A_14 : i32
    %sign3A_16 = arith.extui %sign3A_15 : i1 to i32
    %sign3A_17 = arith.subi %sign3A_13, %sign3A_16 : i32
    %ne3A = arith.cmpi ne, %sign3A_10, %sign3A_17 : i32
    %rem3A = arith.remsi %add3A_4, %jit3A : i32
    %ne3A_18 = arith.constant 0 : i32
    %ne3A_19 = arith.cmpi ne, %rem3A, %ne3A_18 : i32
    %and3A = arith.andi %ne3A, %ne3A_19 : i1
    %sub3A = arith.constant 1 : i32
    %sub3A_20 = arith.subi %div3A, %sub3A : i32
    %select_n3A = arith.select %and3A, %sub3A_20, %div3A : i32
    %jit3A_21 = arith.constant 512 : i32
    %eq3A = arith.constant 0 : i32
    %eq3A_22 = arith.cmpi eq, %jit3A_21, %eq3A : i32
    %jit3A_23 = arith.constant 1 : i32
    %select_n3A_24 = arith.select %eq3A_22, %jit3A_23, %jit3A_21 : i32
    %rem3A_25 = arith.remsi %add3A_4, %select_n3A_24 : i32
    %ne3A_26 = arith.constant 0 : i32
    %ne3A_27 = arith.cmpi ne, %rem3A_25, %ne3A_26 : i32
    %lt3A = arith.constant 0 : i32
    %lt3A_28 = arith.cmpi slt, %rem3A_25, %lt3A : i32
    %lt3A_29 = arith.constant 0 : i32
    %lt3A_30 = arith.cmpi slt, %select_n3A_24, %lt3A_29 : i32
    %ne3A_31 = arith.xori %lt3A_28, %lt3A_30 : i1
    %and3A_32 = arith.andi %ne3A_31, %ne3A_27 : i1
    %add3A_33 = arith.addi %rem3A_25, %select_n3A_24 : i32
    %select_n3A_34 = arith.select %and3A_32, %add3A_33, %rem3A_25 : i32
    "tpu.region"() ({
      %run_scoped3A = tpu.sem_alloc : memref<!tpu.dma_semaphore, #tpu.memory_space<semaphore_mem>>
      %dma_start3A_121 = tpu.memref_slice %arg3[%select_n3A, %select_n3A_34] : memref<64x512xi32, #tpu.memory_space<hbm>> -> memref<1x256xi32, #tpu.memory_space<hbm>>
      %dma_start3A_122 = tpu.memref_squeeze %dma_start3A_121 : memref<1x256xi32, #tpu.memory_space<hbm>> -> memref<256xi32, #tpu.memory_space<hbm>>
      %dma_start3A_123 = tpu.memref_slice %arg3[%select_n3A, %select_n3A_34] : memref<64x512xi32, #tpu.memory_space<hbm>> -> memref<1x256xi32, #tpu.memory_space<hbm>>
      %dma_start3A_124 = tpu.memref_squeeze %dma_start3A_123 : memref<1x256xi32, #tpu.memory_space<hbm>> -> memref<256xi32, #tpu.memory_space<hbm>>
      tpu.enqueue_dma source(%dma_start3A_124 : memref<256xi32, #tpu.memory_space<hbm>>) target(%arg5 : memref<256xi32, #tpu.memory_space<vmem>>) target_semaphore(%run_scoped3A : memref<!tpu.dma_semaphore, #tpu.memory_space<semaphore_mem>>)
      %dma_wait3A_125 = tpu.memref_slice %arg3[%select_n3A, %select_n3A_34] : memref<64x512xi32, #tpu.memory_space<hbm>> -> memref<1x256xi32, #tpu.memory_space<hbm>>
      %dma_wait3A_126 = tpu.memref_squeeze %dma_wait3A_125 : memref<1x256xi32, #tpu.memory_space<hbm>> -> memref<256xi32, #tpu.memory_space<hbm>>
      %dma_wait3A_127 = tpu.memref_slice %arg3[%select_n3A, %select_n3A_34] : memref<64x512xi32, #tpu.memory_space<hbm>> -> memref<1x256xi32, #tpu.memory_space<hbm>>
      %dma_wait3A_128 = tpu.memref_squeeze %dma_wait3A_127 : memref<1x256xi32, #tpu.memory_space<hbm>> -> memref<256xi32, #tpu.memory_space<hbm>>
      tpu.wait_dma2 semaphore(%run_scoped3A : memref<!tpu.dma_semaphore, #tpu.memory_space<semaphore_mem>>) src(%dma_wait3A_128 : memref<256xi32, #tpu.memory_space<hbm>>) dst(%arg5 : memref<256xi32, #tpu.memory_space<vmem>>)
      tpu.yield
    }) : () -> ()
    %dma_start3A = arith.constant 0 : i32
    %dma_start3A_35 = tpu.memref_slice %arg5[%dma_start3A] : memref<256xi32, #tpu.memory_space<vmem>> -> memref<64xi32, #tpu.memory_space<vmem>>
    %dma_start3A_36 = arith.constant 0 : i32
    %dma_start3A_37 = arith.constant 0 : i32
    %dma_start3A_38 = tpu.memref_slice %arg2[%dma_start3A_36, %dma_start3A_37] : memref<30522x768xf32, #tpu.memory_space<hbm>> -> memref<30522x768xf32, #tpu.memory_space<hbm>>
    tpu.enqueue_indirect_dma source(%dma_start3A_38 : memref<30522x768xf32, #tpu.memory_space<hbm>>) target(%arg6 : memref<64x768xf32, #tpu.memory_space<vmem>>) offsets(%dma_start3A_35 : memref<64xi32, #tpu.memory_space<vmem>>) semaphore(%arg8 : memref<!tpu.dma_semaphore, #tpu.memory_space<semaphore_mem>>)
    %dma_start3A_39 = arith.constant 64 : i32
    %dma_start3A_40 = tpu.memref_slice %arg5[%dma_start3A_39] : memref<256xi32, #tpu.memory_space<vmem>> -> memref<64xi32, #tpu.memory_space<vmem>>
    %dma_start3A_41 = arith.constant 0 : i32
    %dma_start3A_42 = arith.constant 0 : i32
    %dma_start3A_43 = tpu.memref_slice %arg2[%dma_start3A_41, %dma_start3A_42] : memref<30522x768xf32, #tpu.memory_space<hbm>> -> memref<30522x768xf32, #tpu.memory_space<hbm>>
    tpu.enqueue_indirect_dma source(%dma_start3A_43 : memref<30522x768xf32, #tpu.memory_space<hbm>>) target(%arg7 : memref<64x768xf32, #tpu.memory_space<vmem>>) offsets(%dma_start3A_40 : memref<64xi32, #tpu.memory_space<vmem>>) semaphore(%arg9 : memref<!tpu.dma_semaphore, #tpu.memory_space<semaphore_mem>>)
    %dma_wait3A = arith.constant 0 : i32
    %dma_wait3A_44 = tpu.memref_slice %arg5[%dma_wait3A] : memref<256xi32, #tpu.memory_space<vmem>> -> memref<64xi32, #tpu.memory_space<vmem>>
    %dma_wait3A_45 = arith.constant 0 : i32
    %dma_wait3A_46 = arith.constant 0 : i32
    %dma_wait3A_47 = tpu.memref_slice %arg2[%dma_wait3A_45, %dma_wait3A_46] : memref<30522x768xf32, #tpu.memory_space<hbm>> -> memref<30522x768xf32, #tpu.memory_space<hbm>>
    tpu.wait_indirect_dma semaphore(%arg8 : memref<!tpu.dma_semaphore, #tpu.memory_space<semaphore_mem>>) src(%dma_wait3A_47 : memref<30522x768xf32, #tpu.memory_space<hbm>>) dst(%arg6 : memref<64x768xf32, #tpu.memory_space<vmem>>)
    %add3A_48 = arith.constant 0 : i32
    %add3A_49 = arith.addi %mul3A_2, %add3A_48 : i32
    %dma_start3A_50 = arith.constant 0 : i32
    %dma_start3A_51 = tpu.memref_slice %arg4[%add3A_49, %dma_start3A_50] : memref<8192x768xf32, #tpu.memory_space<hbm>> -> memref<64x768xf32, #tpu.memory_space<hbm>>
    %dma_start3A_52 = arith.constant 0 : i32
    %dma_start3A_53 = tpu.memref_slice %arg4[%add3A_49, %dma_start3A_52] : memref<8192x768xf32, #tpu.memory_space<hbm>> -> memref<64x768xf32, #tpu.memory_space<hbm>>
    tpu.enqueue_dma source(%arg6 : memref<64x768xf32, #tpu.memory_space<vmem>>) target(%dma_start3A_53 : memref<64x768xf32, #tpu.memory_space<hbm>>) target_semaphore(%arg10 : memref<!tpu.dma_semaphore, #tpu.memory_space<semaphore_mem>>)
    %dma_wait3A_54 = arith.constant 0 : i32
    %dma_wait3A_55 = arith.constant 0 : i32
    %dma_wait3A_56 = tpu.memref_slice %arg4[%dma_wait3A_54, %dma_wait3A_55] : memref<8192x768xf32, #tpu.memory_space<hbm>> -> memref<64x768xf32, #tpu.memory_space<hbm>>
    %dma_wait3A_57 = arith.constant 0 : i32
    %dma_wait3A_58 = arith.constant 0 : i32
    %dma_wait3A_59 = tpu.memref_slice %arg4[%dma_wait3A_57, %dma_wait3A_58] : memref<8192x768xf32, #tpu.memory_space<hbm>> -> memref<64x768xf32, #tpu.memory_space<hbm>>
    tpu.wait_dma2 semaphore(%arg10 : memref<!tpu.dma_semaphore, #tpu.memory_space<semaphore_mem>>) src(%arg6 : memref<64x768xf32, #tpu.memory_space<vmem>>) dst(%dma_wait3A_59 : memref<64x768xf32, #tpu.memory_space<hbm>>)
    %dma_start3A_60 = arith.constant 128 : i32
    %dma_start3A_61 = tpu.memref_slice %arg5[%dma_start3A_60] : memref<256xi32, #tpu.memory_space<vmem>> -> memref<64xi32, #tpu.memory_space<vmem>>
    %dma_start3A_62 = arith.constant 0 : i32
    %dma_start3A_63 = arith.constant 0 : i32
    %dma_start3A_64 = tpu.memref_slice %arg2[%dma_start3A_62, %dma_start3A_63] : memref<30522x768xf32, #tpu.memory_space<hbm>> -> memref<30522x768xf32, #tpu.memory_space<hbm>>
    tpu.enqueue_indirect_dma source(%dma_start3A_64 : memref<30522x768xf32, #tpu.memory_space<hbm>>) target(%arg6 : memref<64x768xf32, #tpu.memory_space<vmem>>) offsets(%dma_start3A_61 : memref<64xi32, #tpu.memory_space<vmem>>) semaphore(%arg8 : memref<!tpu.dma_semaphore, #tpu.memory_space<semaphore_mem>>)
    %dma_wait3A_65 = arith.constant 64 : i32
    %dma_wait3A_66 = tpu.memref_slice %arg5[%dma_wait3A_65] : memref<256xi32, #tpu.memory_space<vmem>> -> memref<64xi32, #tpu.memory_space<vmem>>
    %dma_wait3A_67 = arith.constant 0 : i32
    %dma_wait3A_68 = arith.constant 0 : i32
    %dma_wait3A_69 = tpu.memref_slice %arg2[%dma_wait3A_67, %dma_wait3A_68] : memref<30522x768xf32, #tpu.memory_space<hbm>> -> memref<30522x768xf32, #tpu.memory_space<hbm>>
    tpu.wait_indirect_dma semaphore(%arg9 : memref<!tpu.dma_semaphore, #tpu.memory_space<semaphore_mem>>) src(%dma_wait3A_69 : memref<30522x768xf32, #tpu.memory_space<hbm>>) dst(%arg7 : memref<64x768xf32, #tpu.memory_space<vmem>>)
    %add3A_70 = arith.constant 64 : i32
    %add3A_71 = arith.addi %mul3A_2, %add3A_70 : i32
    %dma_start3A_72 = arith.constant 0 : i32
    %dma_start3A_73 = tpu.memref_slice %arg4[%add3A_71, %dma_start3A_72] : memref<8192x768xf32, #tpu.memory_space<hbm>> -> memref<64x768xf32, #tpu.memory_space<hbm>>
    %dma_start3A_74 = arith.constant 0 : i32
    %dma_start3A_75 = tpu.memref_slice %arg4[%add3A_71, %dma_start3A_74] : memref<8192x768xf32, #tpu.memory_space<hbm>> -> memref<64x768xf32, #tpu.memory_space<hbm>>
    tpu.enqueue_dma source(%arg7 : memref<64x768xf32, #tpu.memory_space<vmem>>) target(%dma_start3A_75 : memref<64x768xf32, #tpu.memory_space<hbm>>) target_semaphore(%arg11 : memref<!tpu.dma_semaphore, #tpu.memory_space<semaphore_mem>>)
    %dma_wait3A_76 = arith.constant 0 : i32
    %dma_wait3A_77 = arith.constant 0 : i32
    %dma_wait3A_78 = tpu.memref_slice %arg4[%dma_wait3A_76, %dma_wait3A_77] : memref<8192x768xf32, #tpu.memory_space<hbm>> -> memref<64x768xf32, #tpu.memory_space<hbm>>
    %dma_wait3A_79 = arith.constant 0 : i32
    %dma_wait3A_80 = arith.constant 0 : i32
    %dma_wait3A_81 = tpu.memref_slice %arg4[%dma_wait3A_79, %dma_wait3A_80] : memref<8192x768xf32, #tpu.memory_space<hbm>> -> memref<64x768xf32, #tpu.memory_space<hbm>>
    tpu.wait_dma2 semaphore(%arg11 : memref<!tpu.dma_semaphore, #tpu.memory_space<semaphore_mem>>) src(%arg7 : memref<64x768xf32, #tpu.memory_space<vmem>>) dst(%dma_wait3A_81 : memref<64x768xf32, #tpu.memory_space<hbm>>)
    %dma_start3A_82 = arith.constant 192 : i32
    %dma_start3A_83 = tpu.memref_slice %arg5[%dma_start3A_82] : memref<256xi32, #tpu.memory_space<vmem>> -> memref<64xi32, #tpu.memory_space<vmem>>
    %dma_start3A_84 = arith.constant 0 : i32
    %dma_start3A_85 = arith.constant 0 : i32
    %dma_start3A_86 = tpu.memref_slice %arg2[%dma_start3A_84, %dma_start3A_85] : memref<30522x768xf32, #tpu.memory_space<hbm>> -> memref<30522x768xf32, #tpu.memory_space<hbm>>
    tpu.enqueue_indirect_dma source(%dma_start3A_86 : memref<30522x768xf32, #tpu.memory_space<hbm>>) target(%arg7 : memref<64x768xf32, #tpu.memory_space<vmem>>) offsets(%dma_start3A_83 : memref<64xi32, #tpu.memory_space<vmem>>) semaphore(%arg9 : memref<!tpu.dma_semaphore, #tpu.memory_space<semaphore_mem>>)
    %dma_wait3A_87 = arith.constant 128 : i32
    %dma_wait3A_88 = tpu.memref_slice %arg5[%dma_wait3A_87] : memref<256xi32, #tpu.memory_space<vmem>> -> memref<64xi32, #tpu.memory_space<vmem>>
    %dma_wait3A_89 = arith.constant 0 : i32
    %dma_wait3A_90 = arith.constant 0 : i32
    %dma_wait3A_91 = tpu.memref_slice %arg2[%dma_wait3A_89, %dma_wait3A_90] : memref<30522x768xf32, #tpu.memory_space<hbm>> -> memref<30522x768xf32, #tpu.memory_space<hbm>>
    tpu.wait_indirect_dma semaphore(%arg8 : memref<!tpu.dma_semaphore, #tpu.memory_space<semaphore_mem>>) src(%dma_wait3A_91 : memref<30522x768xf32, #tpu.memory_space<hbm>>) dst(%arg6 : memref<64x768xf32, #tpu.memory_space<vmem>>)
    %add3A_92 = arith.constant 128 : i32
    %add3A_93 = arith.addi %mul3A_2, %add3A_92 : i32
    %dma_start3A_94 = arith.constant 0 : i32
    %dma_start3A_95 = tpu.memref_slice %arg4[%add3A_93, %dma_start3A_94] : memref<8192x768xf32, #tpu.memory_space<hbm>> -> memref<64x768xf32, #tpu.memory_space<hbm>>
    %dma_start3A_96 = arith.constant 0 : i32
    %dma_start3A_97 = tpu.memref_slice %arg4[%add3A_93, %dma_start3A_96] : memref<8192x768xf32, #tpu.memory_space<hbm>> -> memref<64x768xf32, #tpu.memory_space<hbm>>
    tpu.enqueue_dma source(%arg6 : memref<64x768xf32, #tpu.memory_space<vmem>>) target(%dma_start3A_97 : memref<64x768xf32, #tpu.memory_space<hbm>>) target_semaphore(%arg10 : memref<!tpu.dma_semaphore, #tpu.memory_space<semaphore_mem>>)
    %dma_wait3A_98 = arith.constant 192 : i32
    %dma_wait3A_99 = tpu.memref_slice %arg5[%dma_wait3A_98] : memref<256xi32, #tpu.memory_space<vmem>> -> memref<64xi32, #tpu.memory_space<vmem>>
    %dma_wait3A_100 = arith.constant 0 : i32
    %dma_wait3A_101 = arith.constant 0 : i32
    %dma_wait3A_102 = tpu.memref_slice %arg2[%dma_wait3A_100, %dma_wait3A_101] : memref<30522x768xf32, #tpu.memory_space<hbm>> -> memref<30522x768xf32, #tpu.memory_space<hbm>>
    tpu.wait_indirect_dma semaphore(%arg9 : memref<!tpu.dma_semaphore, #tpu.memory_space<semaphore_mem>>) src(%dma_wait3A_102 : memref<30522x768xf32, #tpu.memory_space<hbm>>) dst(%arg7 : memref<64x768xf32, #tpu.memory_space<vmem>>)
    %add3A_103 = arith.constant 192 : i32
    %add3A_104 = arith.addi %mul3A_2, %add3A_103 : i32
    %dma_start3A_105 = arith.constant 0 : i32
    %dma_start3A_106 = tpu.memref_slice %arg4[%add3A_104, %dma_start3A_105] : memref<8192x768xf32, #tpu.memory_space<hbm>> -> memref<64x768xf32, #tpu.memory_space<hbm>>
    %dma_start3A_107 = arith.constant 0 : i32
    %dma_start3A_108 = tpu.memref_slice %arg4[%add3A_104, %dma_start3A_107] : memref<8192x768xf32, #tpu.memory_space<hbm>> -> memref<64x768xf32, #tpu.memory_space<hbm>>
    tpu.enqueue_dma source(%arg7 : memref<64x768xf32, #tpu.memory_space<vmem>>) target(%dma_start3A_108 : memref<64x768xf32, #tpu.memory_space<hbm>>) target_semaphore(%arg11 : memref<!tpu.dma_semaphore, #tpu.memory_space<semaphore_mem>>)
    %dma_wait3A_109 = arith.constant 0 : i32
    %dma_wait3A_110 = arith.constant 0 : i32
    %dma_wait3A_111 = tpu.memref_slice %arg4[%dma_wait3A_109, %dma_wait3A_110] : memref<8192x768xf32, #tpu.memory_space<hbm>> -> memref<64x768xf32, #tpu.memory_space<hbm>>
    %dma_wait3A_112 = arith.constant 0 : i32
    %dma_wait3A_113 = arith.constant 0 : i32
    %dma_wait3A_114 = tpu.memref_slice %arg4[%dma_wait3A_112, %dma_wait3A_113] : memref<8192x768xf32, #tpu.memory_space<hbm>> -> memref<64x768xf32, #tpu.memory_space<hbm>>
    tpu.wait_dma2 semaphore(%arg10 : memref<!tpu.dma_semaphore, #tpu.memory_space<semaphore_mem>>) src(%arg6 : memref<64x768xf32, #tpu.memory_space<vmem>>) dst(%dma_wait3A_114 : memref<64x768xf32, #tpu.memory_space<hbm>>)
    %dma_wait3A_115 = arith.constant 0 : i32
    %dma_wait3A_116 = arith.constant 0 : i32
    %dma_wait3A_117 = tpu.memref_slice %arg4[%dma_wait3A_115, %dma_wait3A_116] : memref<8192x768xf32, #tpu.memory_space<hbm>> -> memref<64x768xf32, #tpu.memory_space<hbm>>
    %dma_wait3A_118 = arith.constant 0 : i32
    %dma_wait3A_119 = arith.constant 0 : i32
    %dma_wait3A_120 = tpu.memref_slice %arg4[%dma_wait3A_118, %dma_wait3A_119] : memref<8192x768xf32, #tpu.memory_space<hbm>> -> memref<64x768xf32, #tpu.memory_space<hbm>>
    tpu.wait_dma2 semaphore(%arg11 : memref<!tpu.dma_semaphore, #tpu.memory_space<semaphore_mem>>) src(%arg7 : memref<64x768xf32, #tpu.memory_space<vmem>>) dst(%dma_wait3A_120 : memref<64x768xf32, #tpu.memory_space<hbm>>)
    return
  }
}

#map = affine_map<(d0, d1) -> (0, 0)>
module attributes {stable_mosaic.version = 14 : i64} {
  func.func @gather_kernel(%arg0: i32, %arg1: i32, %arg2: memref<30522x768xf32, #tpu.memory_space<hbm>>, %arg3: memref<64x512xi32, #tpu.memory_space<hbm>>, %arg4: memref<8192x768xf32, #tpu.memory_space<hbm>>, %arg5: memref<256xi32, #tpu.memory_space<vmem>>, %arg6: memref<64x768xf32, #tpu.memory_space<vmem>>, %arg7: memref<64x768xf32, #tpu.memory_space<vmem>>, %arg8: memref<!tpu.dma_semaphore, #tpu.memory_space<semaphore_mem>>, %arg9: memref<!tpu.dma_semaphore, #tpu.memory_space<semaphore_mem>>, %arg10: memref<!tpu.dma_semaphore, #tpu.memory_space<semaphore_mem>>, %arg11: memref<!tpu.dma_semaphore, #tpu.memory_space<semaphore_mem>>) attributes {dimension_semantics = [#tpu.dimension_semantics<core_parallel>, #tpu.dimension_semantics<subcore_parallel>], iteration_bounds = array<i64: 2, 16>, scalar_prefetch = 0 : i64, scratch_operands = 7 : i64, tpu.core_type = #tpu.core_type<sc_vector_subcore>, window_params = [{transform_indices = #map}, {transform_indices = #map}, {transform_indices = #map}]} {
    %mul3A = arith.constant 2 : i32
    %mul3A_0 = arith.muli %arg1, %mul3A : i32
    %add3A = arith.addi %mul3A_0, %arg0 : i32
    %mul3A_1 = arith.constant 256 : i32
    %mul3A_2 = arith.muli %add3A, %mul3A_1 : i32
    %add3A_3 = arith.constant 8192 : i32
    %add3A_4 = arith.addi %add3A_3, %mul3A_2 : i32
    %jit3A = arith.constant 512 : i32
    %div3A = arith.divsi %add3A_4, %jit3A : i32
    %sign3A = arith.constant 0 : i32
    %sign3A_5 = arith.cmpi sgt, %add3A_4, %sign3A : i32
    %sign3A_6 = arith.extui %sign3A_5 : i1 to i32
    %sign3A_7 = arith.constant 0 : i32
    %sign3A_8 = arith.cmpi slt, %add3A_4, %sign3A_7 : i32
    %sign3A_9 = arith.extui %sign3A_8 : i1 to i32
    %sign3A_10 = arith.subi %sign3A_6, %sign3A_9 : i32
    %sign3A_11 = arith.constant 0 : i32
    %sign3A_12 = arith.cmpi sgt, %jit3A, %sign3A_11 : i32
    %sign3A_13 = arith.extui %sign3A_12 : i1 to i32
    %sign3A_14 = arith.constant 0 : i32
    %sign3A_15 = arith.cmpi slt, %jit3A, %sign3A_14 : i32
    %sign3A_16 = arith.extui %sign3A_15 : i1 to i32
    %sign3A_17 = arith.subi %sign3A_13, %sign3A_16 : i32
    %ne3A = arith.cmpi ne, %sign3A_10, %sign3A_17 : i32
    %rem3A = arith.remsi %add3A_4, %jit3A : i32
    %ne3A_18 = arith.constant 0 : i32
    %ne3A_19 = arith.cmpi ne, %rem3A, %ne3A_18 : i32
    %and3A = arith.andi %ne3A, %ne3A_19 : i1
    %sub3A = arith.constant 1 : i32
    %sub3A_20 = arith.subi %div3A, %sub3A : i32
    %select_n3A = arith.select %and3A, %sub3A_20, %div3A : i32
    %jit3A_21 = arith.constant 512 : i32
    %eq3A = arith.constant 0 : i32
    %eq3A_22 = arith.cmpi eq, %jit3A_21, %eq3A : i32
    %jit3A_23 = arith.constant 1 : i32
    %select_n3A_24 = arith.select %eq3A_22, %jit3A_23, %jit3A_21 : i32
    %rem3A_25 = arith.remsi %add3A_4, %select_n3A_24 : i32
    %ne3A_26 = arith.constant 0 : i32
    %ne3A_27 = arith.cmpi ne, %rem3A_25, %ne3A_26 : i32
    %lt3A = arith.constant 0 : i32
    %lt3A_28 = arith.cmpi slt, %rem3A_25, %lt3A : i32
    %lt3A_29 = arith.constant 0 : i32
    %lt3A_30 = arith.cmpi slt, %select_n3A_24, %lt3A_29 : i32
    %ne3A_31 = arith.xori %lt3A_28, %lt3A_30 : i1
    %and3A_32 = arith.andi %ne3A_31, %ne3A_27 : i1
    %add3A_33 = arith.addi %rem3A_25, %select_n3A_24 : i32
    %select_n3A_34 = arith.select %and3A_32, %add3A_33, %rem3A_25 : i32
    "tpu.region"() ({
      %run_scoped3A = tpu.sem_alloc : memref<!tpu.dma_semaphore, #tpu.memory_space<semaphore_mem>>
      %dma_start3A_121 = tpu.memref_slice %arg3[%select_n3A, %select_n3A_34] : memref<64x512xi32, #tpu.memory_space<hbm>> -> memref<1x256xi32, #tpu.memory_space<hbm>>
      %dma_start3A_122 = tpu.memref_squeeze %dma_start3A_121 : memref<1x256xi32, #tpu.memory_space<hbm>> -> memref<256xi32, #tpu.memory_space<hbm>>
      %dma_start3A_123 = tpu.memref_slice %arg3[%select_n3A, %select_n3A_34] : memref<64x512xi32, #tpu.memory_space<hbm>> -> memref<1x256xi32, #tpu.memory_space<hbm>>
      %dma_start3A_124 = tpu.memref_squeeze %dma_start3A_123 : memref<1x256xi32, #tpu.memory_space<hbm>> -> memref<256xi32, #tpu.memory_space<hbm>>
      tpu.enqueue_dma source(%dma_start3A_124 : memref<256xi32, #tpu.memory_space<hbm>>) target(%arg5 : memref<256xi32, #tpu.memory_space<vmem>>) target_semaphore(%run_scoped3A : memref<!tpu.dma_semaphore, #tpu.memory_space<semaphore_mem>>)
      %dma_wait3A_125 = tpu.memref_slice %arg3[%select_n3A, %select_n3A_34] : memref<64x512xi32, #tpu.memory_space<hbm>> -> memref<1x256xi32, #tpu.memory_space<hbm>>
      %dma_wait3A_126 = tpu.memref_squeeze %dma_wait3A_125 : memref<1x256xi32, #tpu.memory_space<hbm>> -> memref<256xi32, #tpu.memory_space<hbm>>
      %dma_wait3A_127 = tpu.memref_slice %arg3[%select_n3A, %select_n3A_34] : memref<64x512xi32, #tpu.memory_space<hbm>> -> memref<1x256xi32, #tpu.memory_space<hbm>>
      %dma_wait3A_128 = tpu.memref_squeeze %dma_wait3A_127 : memref<1x256xi32, #tpu.memory_space<hbm>> -> memref<256xi32, #tpu.memory_space<hbm>>
      tpu.wait_dma2 semaphore(%run_scoped3A : memref<!tpu.dma_semaphore, #tpu.memory_space<semaphore_mem>>) src(%dma_wait3A_128 : memref<256xi32, #tpu.memory_space<hbm>>) dst(%arg5 : memref<256xi32, #tpu.memory_space<vmem>>)
      tpu.yield
    }) : () -> ()
    %dma_start3A = arith.constant 0 : i32
    %dma_start3A_35 = tpu.memref_slice %arg5[%dma_start3A] : memref<256xi32, #tpu.memory_space<vmem>> -> memref<64xi32, #tpu.memory_space<vmem>>
    %dma_start3A_36 = arith.constant 0 : i32
    %dma_start3A_37 = arith.constant 0 : i32
    %dma_start3A_38 = tpu.memref_slice %arg2[%dma_start3A_36, %dma_start3A_37] : memref<30522x768xf32, #tpu.memory_space<hbm>> -> memref<30522x768xf32, #tpu.memory_space<hbm>>
    tpu.enqueue_indirect_dma source(%dma_start3A_38 : memref<30522x768xf32, #tpu.memory_space<hbm>>) target(%arg6 : memref<64x768xf32, #tpu.memory_space<vmem>>) offsets(%dma_start3A_35 : memref<64xi32, #tpu.memory_space<vmem>>) semaphore(%arg8 : memref<!tpu.dma_semaphore, #tpu.memory_space<semaphore_mem>>)
    %dma_start3A_39 = arith.constant 64 : i32
    %dma_start3A_40 = tpu.memref_slice %arg5[%dma_start3A_39] : memref<256xi32, #tpu.memory_space<vmem>> -> memref<64xi32, #tpu.memory_space<vmem>>
    %dma_start3A_41 = arith.constant 0 : i32
    %dma_start3A_42 = arith.constant 0 : i32
    %dma_start3A_43 = tpu.memref_slice %arg2[%dma_start3A_41, %dma_start3A_42] : memref<30522x768xf32, #tpu.memory_space<hbm>> -> memref<30522x768xf32, #tpu.memory_space<hbm>>
    tpu.enqueue_indirect_dma source(%dma_start3A_43 : memref<30522x768xf32, #tpu.memory_space<hbm>>) target(%arg7 : memref<64x768xf32, #tpu.memory_space<vmem>>) offsets(%dma_start3A_40 : memref<64xi32, #tpu.memory_space<vmem>>) semaphore(%arg9 : memref<!tpu.dma_semaphore, #tpu.memory_space<semaphore_mem>>)
    %dma_wait3A = arith.constant 0 : i32
    %dma_wait3A_44 = tpu.memref_slice %arg5[%dma_wait3A] : memref<256xi32, #tpu.memory_space<vmem>> -> memref<64xi32, #tpu.memory_space<vmem>>
    %dma_wait3A_45 = arith.constant 0 : i32
    %dma_wait3A_46 = arith.constant 0 : i32
    %dma_wait3A_47 = tpu.memref_slice %arg2[%dma_wait3A_45, %dma_wait3A_46] : memref<30522x768xf32, #tpu.memory_space<hbm>> -> memref<30522x768xf32, #tpu.memory_space<hbm>>
    tpu.wait_indirect_dma semaphore(%arg8 : memref<!tpu.dma_semaphore, #tpu.memory_space<semaphore_mem>>) src(%dma_wait3A_47 : memref<30522x768xf32, #tpu.memory_space<hbm>>) dst(%arg6 : memref<64x768xf32, #tpu.memory_space<vmem>>)
    %add3A_48 = arith.constant 0 : i32
    %add3A_49 = arith.addi %mul3A_2, %add3A_48 : i32
    %dma_start3A_50 = arith.constant 0 : i32
    %dma_start3A_51 = tpu.memref_slice %arg4[%add3A_49, %dma_start3A_50] : memref<8192x768xf32, #tpu.memory_space<hbm>> -> memref<64x768xf32, #tpu.memory_space<hbm>>
    %dma_start3A_52 = arith.constant 0 : i32
    %dma_start3A_53 = tpu.memref_slice %arg4[%add3A_49, %dma_start3A_52] : memref<8192x768xf32, #tpu.memory_space<hbm>> -> memref<64x768xf32, #tpu.memory_space<hbm>>
    tpu.enqueue_dma source(%arg6 : memref<64x768xf32, #tpu.memory_space<vmem>>) target(%dma_start3A_53 : memref<64x768xf32, #tpu.memory_space<hbm>>) target_semaphore(%arg10 : memref<!tpu.dma_semaphore, #tpu.memory_space<semaphore_mem>>)
    %dma_wait3A_54 = arith.constant 0 : i32
    %dma_wait3A_55 = arith.constant 0 : i32
    %dma_wait3A_56 = tpu.memref_slice %arg4[%dma_wait3A_54, %dma_wait3A_55] : memref<8192x768xf32, #tpu.memory_space<hbm>> -> memref<64x768xf32, #tpu.memory_space<hbm>>
    %dma_wait3A_57 = arith.constant 0 : i32
    %dma_wait3A_58 = arith.constant 0 : i32
    %dma_wait3A_59 = tpu.memref_slice %arg4[%dma_wait3A_57, %dma_wait3A_58] : memref<8192x768xf32, #tpu.memory_space<hbm>> -> memref<64x768xf32, #tpu.memory_space<hbm>>
    tpu.wait_dma2 semaphore(%arg10 : memref<!tpu.dma_semaphore, #tpu.memory_space<semaphore_mem>>) src(%arg6 : memref<64x768xf32, #tpu.memory_space<vmem>>) dst(%dma_wait3A_59 : memref<64x768xf32, #tpu.memory_space<hbm>>)
    %dma_start3A_60 = arith.constant 128 : i32
    %dma_start3A_61 = tpu.memref_slice %arg5[%dma_start3A_60] : memref<256xi32, #tpu.memory_space<vmem>> -> memref<64xi32, #tpu.memory_space<vmem>>
    %dma_start3A_62 = arith.constant 0 : i32
    %dma_start3A_63 = arith.constant 0 : i32
    %dma_start3A_64 = tpu.memref_slice %arg2[%dma_start3A_62, %dma_start3A_63] : memref<30522x768xf32, #tpu.memory_space<hbm>> -> memref<30522x768xf32, #tpu.memory_space<hbm>>
    tpu.enqueue_indirect_dma source(%dma_start3A_64 : memref<30522x768xf32, #tpu.memory_space<hbm>>) target(%arg6 : memref<64x768xf32, #tpu.memory_space<vmem>>) offsets(%dma_start3A_61 : memref<64xi32, #tpu.memory_space<vmem>>) semaphore(%arg8 : memref<!tpu.dma_semaphore, #tpu.memory_space<semaphore_mem>>)
    %dma_wait3A_65 = arith.constant 64 : i32
    %dma_wait3A_66 = tpu.memref_slice %arg5[%dma_wait3A_65] : memref<256xi32, #tpu.memory_space<vmem>> -> memref<64xi32, #tpu.memory_space<vmem>>
    %dma_wait3A_67 = arith.constant 0 : i32
    %dma_wait3A_68 = arith.constant 0 : i32
    %dma_wait3A_69 = tpu.memref_slice %arg2[%dma_wait3A_67, %dma_wait3A_68] : memref<30522x768xf32, #tpu.memory_space<hbm>> -> memref<30522x768xf32, #tpu.memory_space<hbm>>
    tpu.wait_indirect_dma semaphore(%arg9 : memref<!tpu.dma_semaphore, #tpu.memory_space<semaphore_mem>>) src(%dma_wait3A_69 : memref<30522x768xf32, #tpu.memory_space<hbm>>) dst(%arg7 : memref<64x768xf32, #tpu.memory_space<vmem>>)
    %add3A_70 = arith.constant 64 : i32
    %add3A_71 = arith.addi %mul3A_2, %add3A_70 : i32
    %dma_start3A_72 = arith.constant 0 : i32
    %dma_start3A_73 = tpu.memref_slice %arg4[%add3A_71, %dma_start3A_72] : memref<8192x768xf32, #tpu.memory_space<hbm>> -> memref<64x768xf32, #tpu.memory_space<hbm>>
    %dma_start3A_74 = arith.constant 0 : i32
    %dma_start3A_75 = tpu.memref_slice %arg4[%add3A_71, %dma_start3A_74] : memref<8192x768xf32, #tpu.memory_space<hbm>> -> memref<64x768xf32, #tpu.memory_space<hbm>>
    tpu.enqueue_dma source(%arg7 : memref<64x768xf32, #tpu.memory_space<vmem>>) target(%dma_start3A_75 : memref<64x768xf32, #tpu.memory_space<hbm>>) target_semaphore(%arg11 : memref<!tpu.dma_semaphore, #tpu.memory_space<semaphore_mem>>)
    %dma_wait3A_76 = arith.constant 0 : i32
    %dma_wait3A_77 = arith.constant 0 : i32
    %dma_wait3A_78 = tpu.memref_slice %arg4[%dma_wait3A_76, %dma_wait3A_77] : memref<8192x768xf32, #tpu.memory_space<hbm>> -> memref<64x768xf32, #tpu.memory_space<hbm>>
    %dma_wait3A_79 = arith.constant 0 : i32
    %dma_wait3A_80 = arith.constant 0 : i32
    %dma_wait3A_81 = tpu.memref_slice %arg4[%dma_wait3A_79, %dma_wait3A_80] : memref<8192x768xf32, #tpu.memory_space<hbm>> -> memref<64x768xf32, #tpu.memory_space<hbm>>
    tpu.wait_dma2 semaphore(%arg11 : memref<!tpu.dma_semaphore, #tpu.memory_space<semaphore_mem>>) src(%arg7 : memref<64x768xf32, #tpu.memory_space<vmem>>) dst(%dma_wait3A_81 : memref<64x768xf32, #tpu.memory_space<hbm>>)
    %dma_start3A_82 = arith.constant 192 : i32
    %dma_start3A_83 = tpu.memref_slice %arg5[%dma_start3A_82] : memref<256xi32, #tpu.memory_space<vmem>> -> memref<64xi32, #tpu.memory_space<vmem>>
    %dma_start3A_84 = arith.constant 0 : i32
    %dma_start3A_85 = arith.constant 0 : i32
    %dma_start3A_86 = tpu.memref_slice %arg2[%dma_start3A_84, %dma_start3A_85] : memref<30522x768xf32, #tpu.memory_space<hbm>> -> memref<30522x768xf32, #tpu.memory_space<hbm>>
    tpu.enqueue_indirect_dma source(%dma_start3A_86 : memref<30522x768xf32, #tpu.memory_space<hbm>>) target(%arg7 : memref<64x768xf32, #tpu.memory_space<vmem>>) offsets(%dma_start3A_83 : memref<64xi32, #tpu.memory_space<vmem>>) semaphore(%arg9 : memref<!tpu.dma_semaphore, #tpu.memory_space<semaphore_mem>>)
    %dma_wait3A_87 = arith.constant 128 : i32
    %dma_wait3A_88 = tpu.memref_slice %arg5[%dma_wait3A_87] : memref<256xi32, #tpu.memory_space<vmem>> -> memref<64xi32, #tpu.memory_space<vmem>>
    %dma_wait3A_89 = arith.constant 0 : i32
    %dma_wait3A_90 = arith.constant 0 : i32
    %dma_wait3A_91 = tpu.memref_slice %arg2[%dma_wait3A_89, %dma_wait3A_90] : memref<30522x768xf32, #tpu.memory_space<hbm>> -> memref<30522x768xf32, #tpu.memory_space<hbm>>
    tpu.wait_indirect_dma semaphore(%arg8 : memref<!tpu.dma_semaphore, #tpu.memory_space<semaphore_mem>>) src(%dma_wait3A_91 : memref<30522x768xf32, #tpu.memory_space<hbm>>) dst(%arg6 : memref<64x768xf32, #tpu.memory_space<vmem>>)
    %add3A_92 = arith.constant 128 : i32
    %add3A_93 = arith.addi %mul3A_2, %add3A_92 : i32
    %dma_start3A_94 = arith.constant 0 : i32
    %dma_start3A_95 = tpu.memref_slice %arg4[%add3A_93, %dma_start3A_94] : memref<8192x768xf32, #tpu.memory_space<hbm>> -> memref<64x768xf32, #tpu.memory_space<hbm>>
    %dma_start3A_96 = arith.constant 0 : i32
    %dma_start3A_97 = tpu.memref_slice %arg4[%add3A_93, %dma_start3A_96] : memref<8192x768xf32, #tpu.memory_space<hbm>> -> memref<64x768xf32, #tpu.memory_space<hbm>>
    tpu.enqueue_dma source(%arg6 : memref<64x768xf32, #tpu.memory_space<vmem>>) target(%dma_start3A_97 : memref<64x768xf32, #tpu.memory_space<hbm>>) target_semaphore(%arg10 : memref<!tpu.dma_semaphore, #tpu.memory_space<semaphore_mem>>)
    %dma_wait3A_98 = arith.constant 192 : i32
    %dma_wait3A_99 = tpu.memref_slice %arg5[%dma_wait3A_98] : memref<256xi32, #tpu.memory_space<vmem>> -> memref<64xi32, #tpu.memory_space<vmem>>
    %dma_wait3A_100 = arith.constant 0 : i32
    %dma_wait3A_101 = arith.constant 0 : i32
    %dma_wait3A_102 = tpu.memref_slice %arg2[%dma_wait3A_100, %dma_wait3A_101] : memref<30522x768xf32, #tpu.memory_space<hbm>> -> memref<30522x768xf32, #tpu.memory_space<hbm>>
    tpu.wait_indirect_dma semaphore(%arg9 : memref<!tpu.dma_semaphore, #tpu.memory_space<semaphore_mem>>) src(%dma_wait3A_102 : memref<30522x768xf32, #tpu.memory_space<hbm>>) dst(%arg7 : memref<64x768xf32, #tpu.memory_space<vmem>>)
    %add3A_103 = arith.constant 192 : i32
    %add3A_104 = arith.addi %mul3A_2, %add3A_103 : i32
    %dma_start3A_105 = arith.constant 0 : i32
    %dma_start3A_106 = tpu.memref_slice %arg4[%add3A_104, %dma_start3A_105] : memref<8192x768xf32, #tpu.memory_space<hbm>> -> memref<64x768xf32, #tpu.memory_space<hbm>>
    %dma_start3A_107 = arith.constant 0 : i32
    %dma_start3A_108 = tpu.memref_slice %arg4[%add3A_104, %dma_start3A_107] : memref<8192x768xf32, #tpu.memory_space<hbm>> -> memref<64x768xf32, #tpu.memory_space<hbm>>
    tpu.enqueue_dma source(%arg7 : memref<64x768xf32, #tpu.memory_space<vmem>>) target(%dma_start3A_108 : memref<64x768xf32, #tpu.memory_space<hbm>>) target_semaphore(%arg11 : memref<!tpu.dma_semaphore, #tpu.memory_space<semaphore_mem>>)
    %dma_wait3A_109 = arith.constant 0 : i32
    %dma_wait3A_110 = arith.constant 0 : i32
    %dma_wait3A_111 = tpu.memref_slice %arg4[%dma_wait3A_109, %dma_wait3A_110] : memref<8192x768xf32, #tpu.memory_space<hbm>> -> memref<64x768xf32, #tpu.memory_space<hbm>>
    %dma_wait3A_112 = arith.constant 0 : i32
    %dma_wait3A_113 = arith.constant 0 : i32
    %dma_wait3A_114 = tpu.memref_slice %arg4[%dma_wait3A_112, %dma_wait3A_113] : memref<8192x768xf32, #tpu.memory_space<hbm>> -> memref<64x768xf32, #tpu.memory_space<hbm>>
    tpu.wait_dma2 semaphore(%arg10 : memref<!tpu.dma_semaphore, #tpu.memory_space<semaphore_mem>>) src(%arg6 : memref<64x768xf32, #tpu.memory_space<vmem>>) dst(%dma_wait3A_114 : memref<64x768xf32, #tpu.memory_space<hbm>>)
    %dma_wait3A_115 = arith.constant 0 : i32
    %dma_wait3A_116 = arith.constant 0 : i32
    %dma_wait3A_117 = tpu.memref_slice %arg4[%dma_wait3A_115, %dma_wait3A_116] : memref<8192x768xf32, #tpu.memory_space<hbm>> -> memref<64x768xf32, #tpu.memory_space<hbm>>
    %dma_wait3A_118 = arith.constant 0 : i32
    %dma_wait3A_119 = arith.constant 0 : i32
    %dma_wait3A_120 = tpu.memref_slice %arg4[%dma_wait3A_118, %dma_wait3A_119] : memref<8192x768xf32, #tpu.memory_space<hbm>> -> memref<64x768xf32, #tpu.memory_space<hbm>>
    tpu.wait_dma2 semaphore(%arg11 : memref<!tpu.dma_semaphore, #tpu.memory_space<semaphore_mem>>) src(%arg7 : memref<64x768xf32, #tpu.memory_space<vmem>>) dst(%dma_wait3A_120 : memref<64x768xf32, #tpu.memory_space<hbm>>)
    return
  }
}

#map = affine_map<(d0, d1) -> (0, 0)>
module attributes {stable_mosaic.version = 14 : i64} {
  func.func @gather_kernel(%arg0: i32, %arg1: i32, %arg2: memref<30522x768xf32, #tpu.memory_space<hbm>>, %arg3: memref<64x512xi32, #tpu.memory_space<hbm>>, %arg4: memref<8192x768xf32, #tpu.memory_space<hbm>>, %arg5: memref<256xi32, #tpu.memory_space<vmem>>, %arg6: memref<64x768xf32, #tpu.memory_space<vmem>>, %arg7: memref<64x768xf32, #tpu.memory_space<vmem>>, %arg8: memref<!tpu.dma_semaphore, #tpu.memory_space<semaphore_mem>>, %arg9: memref<!tpu.dma_semaphore, #tpu.memory_space<semaphore_mem>>, %arg10: memref<!tpu.dma_semaphore, #tpu.memory_space<semaphore_mem>>, %arg11: memref<!tpu.dma_semaphore, #tpu.memory_space<semaphore_mem>>) attributes {dimension_semantics = [#tpu.dimension_semantics<core_parallel>, #tpu.dimension_semantics<subcore_parallel>], iteration_bounds = array<i64: 2, 16>, scalar_prefetch = 0 : i64, scratch_operands = 7 : i64, tpu.core_type = #tpu.core_type<sc_vector_subcore>, window_params = [{transform_indices = #map}, {transform_indices = #map}, {transform_indices = #map}]} {
    %mul3A = arith.constant 2 : i32
    %mul3A_0 = arith.muli %arg1, %mul3A : i32
    %add3A = arith.addi %mul3A_0, %arg0 : i32
    %mul3A_1 = arith.constant 256 : i32
    %mul3A_2 = arith.muli %add3A, %mul3A_1 : i32
    %add3A_3 = arith.constant 16384 : i32
    %add3A_4 = arith.addi %add3A_3, %mul3A_2 : i32
    %jit3A = arith.constant 512 : i32
    %div3A = arith.divsi %add3A_4, %jit3A : i32
    %sign3A = arith.constant 0 : i32
    %sign3A_5 = arith.cmpi sgt, %add3A_4, %sign3A : i32
    %sign3A_6 = arith.extui %sign3A_5 : i1 to i32
    %sign3A_7 = arith.constant 0 : i32
    %sign3A_8 = arith.cmpi slt, %add3A_4, %sign3A_7 : i32
    %sign3A_9 = arith.extui %sign3A_8 : i1 to i32
    %sign3A_10 = arith.subi %sign3A_6, %sign3A_9 : i32
    %sign3A_11 = arith.constant 0 : i32
    %sign3A_12 = arith.cmpi sgt, %jit3A, %sign3A_11 : i32
    %sign3A_13 = arith.extui %sign3A_12 : i1 to i32
    %sign3A_14 = arith.constant 0 : i32
    %sign3A_15 = arith.cmpi slt, %jit3A, %sign3A_14 : i32
    %sign3A_16 = arith.extui %sign3A_15 : i1 to i32
    %sign3A_17 = arith.subi %sign3A_13, %sign3A_16 : i32
    %ne3A = arith.cmpi ne, %sign3A_10, %sign3A_17 : i32
    %rem3A = arith.remsi %add3A_4, %jit3A : i32
    %ne3A_18 = arith.constant 0 : i32
    %ne3A_19 = arith.cmpi ne, %rem3A, %ne3A_18 : i32
    %and3A = arith.andi %ne3A, %ne3A_19 : i1
    %sub3A = arith.constant 1 : i32
    %sub3A_20 = arith.subi %div3A, %sub3A : i32
    %select_n3A = arith.select %and3A, %sub3A_20, %div3A : i32
    %jit3A_21 = arith.constant 512 : i32
    %eq3A = arith.constant 0 : i32
    %eq3A_22 = arith.cmpi eq, %jit3A_21, %eq3A : i32
    %jit3A_23 = arith.constant 1 : i32
    %select_n3A_24 = arith.select %eq3A_22, %jit3A_23, %jit3A_21 : i32
    %rem3A_25 = arith.remsi %add3A_4, %select_n3A_24 : i32
    %ne3A_26 = arith.constant 0 : i32
    %ne3A_27 = arith.cmpi ne, %rem3A_25, %ne3A_26 : i32
    %lt3A = arith.constant 0 : i32
    %lt3A_28 = arith.cmpi slt, %rem3A_25, %lt3A : i32
    %lt3A_29 = arith.constant 0 : i32
    %lt3A_30 = arith.cmpi slt, %select_n3A_24, %lt3A_29 : i32
    %ne3A_31 = arith.xori %lt3A_28, %lt3A_30 : i1
    %and3A_32 = arith.andi %ne3A_31, %ne3A_27 : i1
    %add3A_33 = arith.addi %rem3A_25, %select_n3A_24 : i32
    %select_n3A_34 = arith.select %and3A_32, %add3A_33, %rem3A_25 : i32
    "tpu.region"() ({
      %run_scoped3A = tpu.sem_alloc : memref<!tpu.dma_semaphore, #tpu.memory_space<semaphore_mem>>
      %dma_start3A_121 = tpu.memref_slice %arg3[%select_n3A, %select_n3A_34] : memref<64x512xi32, #tpu.memory_space<hbm>> -> memref<1x256xi32, #tpu.memory_space<hbm>>
      %dma_start3A_122 = tpu.memref_squeeze %dma_start3A_121 : memref<1x256xi32, #tpu.memory_space<hbm>> -> memref<256xi32, #tpu.memory_space<hbm>>
      %dma_start3A_123 = tpu.memref_slice %arg3[%select_n3A, %select_n3A_34] : memref<64x512xi32, #tpu.memory_space<hbm>> -> memref<1x256xi32, #tpu.memory_space<hbm>>
      %dma_start3A_124 = tpu.memref_squeeze %dma_start3A_123 : memref<1x256xi32, #tpu.memory_space<hbm>> -> memref<256xi32, #tpu.memory_space<hbm>>
      tpu.enqueue_dma source(%dma_start3A_124 : memref<256xi32, #tpu.memory_space<hbm>>) target(%arg5 : memref<256xi32, #tpu.memory_space<vmem>>) target_semaphore(%run_scoped3A : memref<!tpu.dma_semaphore, #tpu.memory_space<semaphore_mem>>)
      %dma_wait3A_125 = tpu.memref_slice %arg3[%select_n3A, %select_n3A_34] : memref<64x512xi32, #tpu.memory_space<hbm>> -> memref<1x256xi32, #tpu.memory_space<hbm>>
      %dma_wait3A_126 = tpu.memref_squeeze %dma_wait3A_125 : memref<1x256xi32, #tpu.memory_space<hbm>> -> memref<256xi32, #tpu.memory_space<hbm>>
      %dma_wait3A_127 = tpu.memref_slice %arg3[%select_n3A, %select_n3A_34] : memref<64x512xi32, #tpu.memory_space<hbm>> -> memref<1x256xi32, #tpu.memory_space<hbm>>
      %dma_wait3A_128 = tpu.memref_squeeze %dma_wait3A_127 : memref<1x256xi32, #tpu.memory_space<hbm>> -> memref<256xi32, #tpu.memory_space<hbm>>
      tpu.wait_dma2 semaphore(%run_scoped3A : memref<!tpu.dma_semaphore, #tpu.memory_space<semaphore_mem>>) src(%dma_wait3A_128 : memref<256xi32, #tpu.memory_space<hbm>>) dst(%arg5 : memref<256xi32, #tpu.memory_space<vmem>>)
      tpu.yield
    }) : () -> ()
    %dma_start3A = arith.constant 0 : i32
    %dma_start3A_35 = tpu.memref_slice %arg5[%dma_start3A] : memref<256xi32, #tpu.memory_space<vmem>> -> memref<64xi32, #tpu.memory_space<vmem>>
    %dma_start3A_36 = arith.constant 0 : i32
    %dma_start3A_37 = arith.constant 0 : i32
    %dma_start3A_38 = tpu.memref_slice %arg2[%dma_start3A_36, %dma_start3A_37] : memref<30522x768xf32, #tpu.memory_space<hbm>> -> memref<30522x768xf32, #tpu.memory_space<hbm>>
    tpu.enqueue_indirect_dma source(%dma_start3A_38 : memref<30522x768xf32, #tpu.memory_space<hbm>>) target(%arg6 : memref<64x768xf32, #tpu.memory_space<vmem>>) offsets(%dma_start3A_35 : memref<64xi32, #tpu.memory_space<vmem>>) semaphore(%arg8 : memref<!tpu.dma_semaphore, #tpu.memory_space<semaphore_mem>>)
    %dma_start3A_39 = arith.constant 64 : i32
    %dma_start3A_40 = tpu.memref_slice %arg5[%dma_start3A_39] : memref<256xi32, #tpu.memory_space<vmem>> -> memref<64xi32, #tpu.memory_space<vmem>>
    %dma_start3A_41 = arith.constant 0 : i32
    %dma_start3A_42 = arith.constant 0 : i32
    %dma_start3A_43 = tpu.memref_slice %arg2[%dma_start3A_41, %dma_start3A_42] : memref<30522x768xf32, #tpu.memory_space<hbm>> -> memref<30522x768xf32, #tpu.memory_space<hbm>>
    tpu.enqueue_indirect_dma source(%dma_start3A_43 : memref<30522x768xf32, #tpu.memory_space<hbm>>) target(%arg7 : memref<64x768xf32, #tpu.memory_space<vmem>>) offsets(%dma_start3A_40 : memref<64xi32, #tpu.memory_space<vmem>>) semaphore(%arg9 : memref<!tpu.dma_semaphore, #tpu.memory_space<semaphore_mem>>)
    %dma_wait3A = arith.constant 0 : i32
    %dma_wait3A_44 = tpu.memref_slice %arg5[%dma_wait3A] : memref<256xi32, #tpu.memory_space<vmem>> -> memref<64xi32, #tpu.memory_space<vmem>>
    %dma_wait3A_45 = arith.constant 0 : i32
    %dma_wait3A_46 = arith.constant 0 : i32
    %dma_wait3A_47 = tpu.memref_slice %arg2[%dma_wait3A_45, %dma_wait3A_46] : memref<30522x768xf32, #tpu.memory_space<hbm>> -> memref<30522x768xf32, #tpu.memory_space<hbm>>
    tpu.wait_indirect_dma semaphore(%arg8 : memref<!tpu.dma_semaphore, #tpu.memory_space<semaphore_mem>>) src(%dma_wait3A_47 : memref<30522x768xf32, #tpu.memory_space<hbm>>) dst(%arg6 : memref<64x768xf32, #tpu.memory_space<vmem>>)
    %add3A_48 = arith.constant 0 : i32
    %add3A_49 = arith.addi %mul3A_2, %add3A_48 : i32
    %dma_start3A_50 = arith.constant 0 : i32
    %dma_start3A_51 = tpu.memref_slice %arg4[%add3A_49, %dma_start3A_50] : memref<8192x768xf32, #tpu.memory_space<hbm>> -> memref<64x768xf32, #tpu.memory_space<hbm>>
    %dma_start3A_52 = arith.constant 0 : i32
    %dma_start3A_53 = tpu.memref_slice %arg4[%add3A_49, %dma_start3A_52] : memref<8192x768xf32, #tpu.memory_space<hbm>> -> memref<64x768xf32, #tpu.memory_space<hbm>>
    tpu.enqueue_dma source(%arg6 : memref<64x768xf32, #tpu.memory_space<vmem>>) target(%dma_start3A_53 : memref<64x768xf32, #tpu.memory_space<hbm>>) target_semaphore(%arg10 : memref<!tpu.dma_semaphore, #tpu.memory_space<semaphore_mem>>)
    %dma_wait3A_54 = arith.constant 0 : i32
    %dma_wait3A_55 = arith.constant 0 : i32
    %dma_wait3A_56 = tpu.memref_slice %arg4[%dma_wait3A_54, %dma_wait3A_55] : memref<8192x768xf32, #tpu.memory_space<hbm>> -> memref<64x768xf32, #tpu.memory_space<hbm>>
    %dma_wait3A_57 = arith.constant 0 : i32
    %dma_wait3A_58 = arith.constant 0 : i32
    %dma_wait3A_59 = tpu.memref_slice %arg4[%dma_wait3A_57, %dma_wait3A_58] : memref<8192x768xf32, #tpu.memory_space<hbm>> -> memref<64x768xf32, #tpu.memory_space<hbm>>
    tpu.wait_dma2 semaphore(%arg10 : memref<!tpu.dma_semaphore, #tpu.memory_space<semaphore_mem>>) src(%arg6 : memref<64x768xf32, #tpu.memory_space<vmem>>) dst(%dma_wait3A_59 : memref<64x768xf32, #tpu.memory_space<hbm>>)
    %dma_start3A_60 = arith.constant 128 : i32
    %dma_start3A_61 = tpu.memref_slice %arg5[%dma_start3A_60] : memref<256xi32, #tpu.memory_space<vmem>> -> memref<64xi32, #tpu.memory_space<vmem>>
    %dma_start3A_62 = arith.constant 0 : i32
    %dma_start3A_63 = arith.constant 0 : i32
    %dma_start3A_64 = tpu.memref_slice %arg2[%dma_start3A_62, %dma_start3A_63] : memref<30522x768xf32, #tpu.memory_space<hbm>> -> memref<30522x768xf32, #tpu.memory_space<hbm>>
    tpu.enqueue_indirect_dma source(%dma_start3A_64 : memref<30522x768xf32, #tpu.memory_space<hbm>>) target(%arg6 : memref<64x768xf32, #tpu.memory_space<vmem>>) offsets(%dma_start3A_61 : memref<64xi32, #tpu.memory_space<vmem>>) semaphore(%arg8 : memref<!tpu.dma_semaphore, #tpu.memory_space<semaphore_mem>>)
    %dma_wait3A_65 = arith.constant 64 : i32
    %dma_wait3A_66 = tpu.memref_slice %arg5[%dma_wait3A_65] : memref<256xi32, #tpu.memory_space<vmem>> -> memref<64xi32, #tpu.memory_space<vmem>>
    %dma_wait3A_67 = arith.constant 0 : i32
    %dma_wait3A_68 = arith.constant 0 : i32
    %dma_wait3A_69 = tpu.memref_slice %arg2[%dma_wait3A_67, %dma_wait3A_68] : memref<30522x768xf32, #tpu.memory_space<hbm>> -> memref<30522x768xf32, #tpu.memory_space<hbm>>
    tpu.wait_indirect_dma semaphore(%arg9 : memref<!tpu.dma_semaphore, #tpu.memory_space<semaphore_mem>>) src(%dma_wait3A_69 : memref<30522x768xf32, #tpu.memory_space<hbm>>) dst(%arg7 : memref<64x768xf32, #tpu.memory_space<vmem>>)
    %add3A_70 = arith.constant 64 : i32
    %add3A_71 = arith.addi %mul3A_2, %add3A_70 : i32
    %dma_start3A_72 = arith.constant 0 : i32
    %dma_start3A_73 = tpu.memref_slice %arg4[%add3A_71, %dma_start3A_72] : memref<8192x768xf32, #tpu.memory_space<hbm>> -> memref<64x768xf32, #tpu.memory_space<hbm>>
    %dma_start3A_74 = arith.constant 0 : i32
    %dma_start3A_75 = tpu.memref_slice %arg4[%add3A_71, %dma_start3A_74] : memref<8192x768xf32, #tpu.memory_space<hbm>> -> memref<64x768xf32, #tpu.memory_space<hbm>>
    tpu.enqueue_dma source(%arg7 : memref<64x768xf32, #tpu.memory_space<vmem>>) target(%dma_start3A_75 : memref<64x768xf32, #tpu.memory_space<hbm>>) target_semaphore(%arg11 : memref<!tpu.dma_semaphore, #tpu.memory_space<semaphore_mem>>)
    %dma_wait3A_76 = arith.constant 0 : i32
    %dma_wait3A_77 = arith.constant 0 : i32
    %dma_wait3A_78 = tpu.memref_slice %arg4[%dma_wait3A_76, %dma_wait3A_77] : memref<8192x768xf32, #tpu.memory_space<hbm>> -> memref<64x768xf32, #tpu.memory_space<hbm>>
    %dma_wait3A_79 = arith.constant 0 : i32
    %dma_wait3A_80 = arith.constant 0 : i32
    %dma_wait3A_81 = tpu.memref_slice %arg4[%dma_wait3A_79, %dma_wait3A_80] : memref<8192x768xf32, #tpu.memory_space<hbm>> -> memref<64x768xf32, #tpu.memory_space<hbm>>
    tpu.wait_dma2 semaphore(%arg11 : memref<!tpu.dma_semaphore, #tpu.memory_space<semaphore_mem>>) src(%arg7 : memref<64x768xf32, #tpu.memory_space<vmem>>) dst(%dma_wait3A_81 : memref<64x768xf32, #tpu.memory_space<hbm>>)
    %dma_start3A_82 = arith.constant 192 : i32
    %dma_start3A_83 = tpu.memref_slice %arg5[%dma_start3A_82] : memref<256xi32, #tpu.memory_space<vmem>> -> memref<64xi32, #tpu.memory_space<vmem>>
    %dma_start3A_84 = arith.constant 0 : i32
    %dma_start3A_85 = arith.constant 0 : i32
    %dma_start3A_86 = tpu.memref_slice %arg2[%dma_start3A_84, %dma_start3A_85] : memref<30522x768xf32, #tpu.memory_space<hbm>> -> memref<30522x768xf32, #tpu.memory_space<hbm>>
    tpu.enqueue_indirect_dma source(%dma_start3A_86 : memref<30522x768xf32, #tpu.memory_space<hbm>>) target(%arg7 : memref<64x768xf32, #tpu.memory_space<vmem>>) offsets(%dma_start3A_83 : memref<64xi32, #tpu.memory_space<vmem>>) semaphore(%arg9 : memref<!tpu.dma_semaphore, #tpu.memory_space<semaphore_mem>>)
    %dma_wait3A_87 = arith.constant 128 : i32
    %dma_wait3A_88 = tpu.memref_slice %arg5[%dma_wait3A_87] : memref<256xi32, #tpu.memory_space<vmem>> -> memref<64xi32, #tpu.memory_space<vmem>>
    %dma_wait3A_89 = arith.constant 0 : i32
    %dma_wait3A_90 = arith.constant 0 : i32
    %dma_wait3A_91 = tpu.memref_slice %arg2[%dma_wait3A_89, %dma_wait3A_90] : memref<30522x768xf32, #tpu.memory_space<hbm>> -> memref<30522x768xf32, #tpu.memory_space<hbm>>
    tpu.wait_indirect_dma semaphore(%arg8 : memref<!tpu.dma_semaphore, #tpu.memory_space<semaphore_mem>>) src(%dma_wait3A_91 : memref<30522x768xf32, #tpu.memory_space<hbm>>) dst(%arg6 : memref<64x768xf32, #tpu.memory_space<vmem>>)
    %add3A_92 = arith.constant 128 : i32
    %add3A_93 = arith.addi %mul3A_2, %add3A_92 : i32
    %dma_start3A_94 = arith.constant 0 : i32
    %dma_start3A_95 = tpu.memref_slice %arg4[%add3A_93, %dma_start3A_94] : memref<8192x768xf32, #tpu.memory_space<hbm>> -> memref<64x768xf32, #tpu.memory_space<hbm>>
    %dma_start3A_96 = arith.constant 0 : i32
    %dma_start3A_97 = tpu.memref_slice %arg4[%add3A_93, %dma_start3A_96] : memref<8192x768xf32, #tpu.memory_space<hbm>> -> memref<64x768xf32, #tpu.memory_space<hbm>>
    tpu.enqueue_dma source(%arg6 : memref<64x768xf32, #tpu.memory_space<vmem>>) target(%dma_start3A_97 : memref<64x768xf32, #tpu.memory_space<hbm>>) target_semaphore(%arg10 : memref<!tpu.dma_semaphore, #tpu.memory_space<semaphore_mem>>)
    %dma_wait3A_98 = arith.constant 192 : i32
    %dma_wait3A_99 = tpu.memref_slice %arg5[%dma_wait3A_98] : memref<256xi32, #tpu.memory_space<vmem>> -> memref<64xi32, #tpu.memory_space<vmem>>
    %dma_wait3A_100 = arith.constant 0 : i32
    %dma_wait3A_101 = arith.constant 0 : i32
    %dma_wait3A_102 = tpu.memref_slice %arg2[%dma_wait3A_100, %dma_wait3A_101] : memref<30522x768xf32, #tpu.memory_space<hbm>> -> memref<30522x768xf32, #tpu.memory_space<hbm>>
    tpu.wait_indirect_dma semaphore(%arg9 : memref<!tpu.dma_semaphore, #tpu.memory_space<semaphore_mem>>) src(%dma_wait3A_102 : memref<30522x768xf32, #tpu.memory_space<hbm>>) dst(%arg7 : memref<64x768xf32, #tpu.memory_space<vmem>>)
    %add3A_103 = arith.constant 192 : i32
    %add3A_104 = arith.addi %mul3A_2, %add3A_103 : i32
    %dma_start3A_105 = arith.constant 0 : i32
    %dma_start3A_106 = tpu.memref_slice %arg4[%add3A_104, %dma_start3A_105] : memref<8192x768xf32, #tpu.memory_space<hbm>> -> memref<64x768xf32, #tpu.memory_space<hbm>>
    %dma_start3A_107 = arith.constant 0 : i32
    %dma_start3A_108 = tpu.memref_slice %arg4[%add3A_104, %dma_start3A_107] : memref<8192x768xf32, #tpu.memory_space<hbm>> -> memref<64x768xf32, #tpu.memory_space<hbm>>
    tpu.enqueue_dma source(%arg7 : memref<64x768xf32, #tpu.memory_space<vmem>>) target(%dma_start3A_108 : memref<64x768xf32, #tpu.memory_space<hbm>>) target_semaphore(%arg11 : memref<!tpu.dma_semaphore, #tpu.memory_space<semaphore_mem>>)
    %dma_wait3A_109 = arith.constant 0 : i32
    %dma_wait3A_110 = arith.constant 0 : i32
    %dma_wait3A_111 = tpu.memref_slice %arg4[%dma_wait3A_109, %dma_wait3A_110] : memref<8192x768xf32, #tpu.memory_space<hbm>> -> memref<64x768xf32, #tpu.memory_space<hbm>>
    %dma_wait3A_112 = arith.constant 0 : i32
    %dma_wait3A_113 = arith.constant 0 : i32
    %dma_wait3A_114 = tpu.memref_slice %arg4[%dma_wait3A_112, %dma_wait3A_113] : memref<8192x768xf32, #tpu.memory_space<hbm>> -> memref<64x768xf32, #tpu.memory_space<hbm>>
    tpu.wait_dma2 semaphore(%arg10 : memref<!tpu.dma_semaphore, #tpu.memory_space<semaphore_mem>>) src(%arg6 : memref<64x768xf32, #tpu.memory_space<vmem>>) dst(%dma_wait3A_114 : memref<64x768xf32, #tpu.memory_space<hbm>>)
    %dma_wait3A_115 = arith.constant 0 : i32
    %dma_wait3A_116 = arith.constant 0 : i32
    %dma_wait3A_117 = tpu.memref_slice %arg4[%dma_wait3A_115, %dma_wait3A_116] : memref<8192x768xf32, #tpu.memory_space<hbm>> -> memref<64x768xf32, #tpu.memory_space<hbm>>
    %dma_wait3A_118 = arith.constant 0 : i32
    %dma_wait3A_119 = arith.constant 0 : i32
    %dma_wait3A_120 = tpu.memref_slice %arg4[%dma_wait3A_118, %dma_wait3A_119] : memref<8192x768xf32, #tpu.memory_space<hbm>> -> memref<64x768xf32, #tpu.memory_space<hbm>>
    tpu.wait_dma2 semaphore(%arg11 : memref<!tpu.dma_semaphore, #tpu.memory_space<semaphore_mem>>) src(%arg7 : memref<64x768xf32, #tpu.memory_space<vmem>>) dst(%dma_wait3A_120 : memref<64x768xf32, #tpu.memory_space<hbm>>)
    return
  }
}

#map = affine_map<(d0, d1) -> (0, 0)>
module attributes {stable_mosaic.version = 14 : i64} {
  func.func @gather_kernel(%arg0: i32, %arg1: i32, %arg2: memref<30522x768xf32, #tpu.memory_space<hbm>>, %arg3: memref<64x512xi32, #tpu.memory_space<hbm>>, %arg4: memref<8192x768xf32, #tpu.memory_space<hbm>>, %arg5: memref<256xi32, #tpu.memory_space<vmem>>, %arg6: memref<64x768xf32, #tpu.memory_space<vmem>>, %arg7: memref<64x768xf32, #tpu.memory_space<vmem>>, %arg8: memref<!tpu.dma_semaphore, #tpu.memory_space<semaphore_mem>>, %arg9: memref<!tpu.dma_semaphore, #tpu.memory_space<semaphore_mem>>, %arg10: memref<!tpu.dma_semaphore, #tpu.memory_space<semaphore_mem>>, %arg11: memref<!tpu.dma_semaphore, #tpu.memory_space<semaphore_mem>>) attributes {dimension_semantics = [#tpu.dimension_semantics<core_parallel>, #tpu.dimension_semantics<subcore_parallel>], iteration_bounds = array<i64: 2, 16>, scalar_prefetch = 0 : i64, scratch_operands = 7 : i64, tpu.core_type = #tpu.core_type<sc_vector_subcore>, window_params = [{transform_indices = #map}, {transform_indices = #map}, {transform_indices = #map}]} {
    %mul3A = arith.constant 2 : i32
    %mul3A_0 = arith.muli %arg1, %mul3A : i32
    %add3A = arith.addi %mul3A_0, %arg0 : i32
    %mul3A_1 = arith.constant 256 : i32
    %mul3A_2 = arith.muli %add3A, %mul3A_1 : i32
    %add3A_3 = arith.constant 0 : i32
    %add3A_4 = arith.addi %add3A_3, %mul3A_2 : i32
    %jit3A = arith.constant 512 : i32
    %div3A = arith.divsi %add3A_4, %jit3A : i32
    %sign3A = arith.constant 0 : i32
    %sign3A_5 = arith.cmpi sgt, %add3A_4, %sign3A : i32
    %sign3A_6 = arith.extui %sign3A_5 : i1 to i32
    %sign3A_7 = arith.constant 0 : i32
    %sign3A_8 = arith.cmpi slt, %add3A_4, %sign3A_7 : i32
    %sign3A_9 = arith.extui %sign3A_8 : i1 to i32
    %sign3A_10 = arith.subi %sign3A_6, %sign3A_9 : i32
    %sign3A_11 = arith.constant 0 : i32
    %sign3A_12 = arith.cmpi sgt, %jit3A, %sign3A_11 : i32
    %sign3A_13 = arith.extui %sign3A_12 : i1 to i32
    %sign3A_14 = arith.constant 0 : i32
    %sign3A_15 = arith.cmpi slt, %jit3A, %sign3A_14 : i32
    %sign3A_16 = arith.extui %sign3A_15 : i1 to i32
    %sign3A_17 = arith.subi %sign3A_13, %sign3A_16 : i32
    %ne3A = arith.cmpi ne, %sign3A_10, %sign3A_17 : i32
    %rem3A = arith.remsi %add3A_4, %jit3A : i32
    %ne3A_18 = arith.constant 0 : i32
    %ne3A_19 = arith.cmpi ne, %rem3A, %ne3A_18 : i32
    %and3A = arith.andi %ne3A, %ne3A_19 : i1
    %sub3A = arith.constant 1 : i32
    %sub3A_20 = arith.subi %div3A, %sub3A : i32
    %select_n3A = arith.select %and3A, %sub3A_20, %div3A : i32
    %jit3A_21 = arith.constant 512 : i32
    %eq3A = arith.constant 0 : i32
    %eq3A_22 = arith.cmpi eq, %jit3A_21, %eq3A : i32
    %jit3A_23 = arith.constant 1 : i32
    %select_n3A_24 = arith.select %eq3A_22, %jit3A_23, %jit3A_21 : i32
    %rem3A_25 = arith.remsi %add3A_4, %select_n3A_24 : i32
    %ne3A_26 = arith.constant 0 : i32
    %ne3A_27 = arith.cmpi ne, %rem3A_25, %ne3A_26 : i32
    %lt3A = arith.constant 0 : i32
    %lt3A_28 = arith.cmpi slt, %rem3A_25, %lt3A : i32
    %lt3A_29 = arith.constant 0 : i32
    %lt3A_30 = arith.cmpi slt, %select_n3A_24, %lt3A_29 : i32
    %ne3A_31 = arith.xori %lt3A_28, %lt3A_30 : i1
    %and3A_32 = arith.andi %ne3A_31, %ne3A_27 : i1
    %add3A_33 = arith.addi %rem3A_25, %select_n3A_24 : i32
    %select_n3A_34 = arith.select %and3A_32, %add3A_33, %rem3A_25 : i32
    "tpu.region"() ({
      %run_scoped3A = tpu.sem_alloc : memref<!tpu.dma_semaphore, #tpu.memory_space<semaphore_mem>>
      %dma_start3A_121 = tpu.memref_slice %arg3[%select_n3A, %select_n3A_34] : memref<64x512xi32, #tpu.memory_space<hbm>> -> memref<1x256xi32, #tpu.memory_space<hbm>>
      %dma_start3A_122 = tpu.memref_squeeze %dma_start3A_121 : memref<1x256xi32, #tpu.memory_space<hbm>> -> memref<256xi32, #tpu.memory_space<hbm>>
      %dma_start3A_123 = tpu.memref_slice %arg3[%select_n3A, %select_n3A_34] : memref<64x512xi32, #tpu.memory_space<hbm>> -> memref<1x256xi32, #tpu.memory_space<hbm>>
      %dma_start3A_124 = tpu.memref_squeeze %dma_start3A_123 : memref<1x256xi32, #tpu.memory_space<hbm>> -> memref<256xi32, #tpu.memory_space<hbm>>
      tpu.enqueue_dma source(%dma_start3A_124 : memref<256xi32, #tpu.memory_space<hbm>>) target(%arg5 : memref<256xi32, #tpu.memory_space<vmem>>) target_semaphore(%run_scoped3A : memref<!tpu.dma_semaphore, #tpu.memory_space<semaphore_mem>>)
      %dma_wait3A_125 = tpu.memref_slice %arg3[%select_n3A, %select_n3A_34] : memref<64x512xi32, #tpu.memory_space<hbm>> -> memref<1x256xi32, #tpu.memory_space<hbm>>
      %dma_wait3A_126 = tpu.memref_squeeze %dma_wait3A_125 : memref<1x256xi32, #tpu.memory_space<hbm>> -> memref<256xi32, #tpu.memory_space<hbm>>
      %dma_wait3A_127 = tpu.memref_slice %arg3[%select_n3A, %select_n3A_34] : memref<64x512xi32, #tpu.memory_space<hbm>> -> memref<1x256xi32, #tpu.memory_space<hbm>>
      %dma_wait3A_128 = tpu.memref_squeeze %dma_wait3A_127 : memref<1x256xi32, #tpu.memory_space<hbm>> -> memref<256xi32, #tpu.memory_space<hbm>>
      tpu.wait_dma2 semaphore(%run_scoped3A : memref<!tpu.dma_semaphore, #tpu.memory_space<semaphore_mem>>) src(%dma_wait3A_128 : memref<256xi32, #tpu.memory_space<hbm>>) dst(%arg5 : memref<256xi32, #tpu.memory_space<vmem>>)
      tpu.yield
    }) : () -> ()
    %dma_start3A = arith.constant 0 : i32
    %dma_start3A_35 = tpu.memref_slice %arg5[%dma_start3A] : memref<256xi32, #tpu.memory_space<vmem>> -> memref<64xi32, #tpu.memory_space<vmem>>
    %dma_start3A_36 = arith.constant 0 : i32
    %dma_start3A_37 = arith.constant 0 : i32
    %dma_start3A_38 = tpu.memref_slice %arg2[%dma_start3A_36, %dma_start3A_37] : memref<30522x768xf32, #tpu.memory_space<hbm>> -> memref<30522x768xf32, #tpu.memory_space<hbm>>
    tpu.enqueue_indirect_dma source(%dma_start3A_38 : memref<30522x768xf32, #tpu.memory_space<hbm>>) target(%arg6 : memref<64x768xf32, #tpu.memory_space<vmem>>) offsets(%dma_start3A_35 : memref<64xi32, #tpu.memory_space<vmem>>) semaphore(%arg8 : memref<!tpu.dma_semaphore, #tpu.memory_space<semaphore_mem>>)
    %dma_start3A_39 = arith.constant 64 : i32
    %dma_start3A_40 = tpu.memref_slice %arg5[%dma_start3A_39] : memref<256xi32, #tpu.memory_space<vmem>> -> memref<64xi32, #tpu.memory_space<vmem>>
    %dma_start3A_41 = arith.constant 0 : i32
    %dma_start3A_42 = arith.constant 0 : i32
    %dma_start3A_43 = tpu.memref_slice %arg2[%dma_start3A_41, %dma_start3A_42] : memref<30522x768xf32, #tpu.memory_space<hbm>> -> memref<30522x768xf32, #tpu.memory_space<hbm>>
    tpu.enqueue_indirect_dma source(%dma_start3A_43 : memref<30522x768xf32, #tpu.memory_space<hbm>>) target(%arg7 : memref<64x768xf32, #tpu.memory_space<vmem>>) offsets(%dma_start3A_40 : memref<64xi32, #tpu.memory_space<vmem>>) semaphore(%arg9 : memref<!tpu.dma_semaphore, #tpu.memory_space<semaphore_mem>>)
    %dma_wait3A = arith.constant 0 : i32
    %dma_wait3A_44 = tpu.memref_slice %arg5[%dma_wait3A] : memref<256xi32, #tpu.memory_space<vmem>> -> memref<64xi32, #tpu.memory_space<vmem>>
    %dma_wait3A_45 = arith.constant 0 : i32
    %dma_wait3A_46 = arith.constant 0 : i32
    %dma_wait3A_47 = tpu.memref_slice %arg2[%dma_wait3A_45, %dma_wait3A_46] : memref<30522x768xf32, #tpu.memory_space<hbm>> -> memref<30522x768xf32, #tpu.memory_space<hbm>>
    tpu.wait_indirect_dma semaphore(%arg8 : memref<!tpu.dma_semaphore, #tpu.memory_space<semaphore_mem>>) src(%dma_wait3A_47 : memref<30522x768xf32, #tpu.memory_space<hbm>>) dst(%arg6 : memref<64x768xf32, #tpu.memory_space<vmem>>)
    %add3A_48 = arith.constant 0 : i32
    %add3A_49 = arith.addi %mul3A_2, %add3A_48 : i32
    %dma_start3A_50 = arith.constant 0 : i32
    %dma_start3A_51 = tpu.memref_slice %arg4[%add3A_49, %dma_start3A_50] : memref<8192x768xf32, #tpu.memory_space<hbm>> -> memref<64x768xf32, #tpu.memory_space<hbm>>
    %dma_start3A_52 = arith.constant 0 : i32
    %dma_start3A_53 = tpu.memref_slice %arg4[%add3A_49, %dma_start3A_52] : memref<8192x768xf32, #tpu.memory_space<hbm>> -> memref<64x768xf32, #tpu.memory_space<hbm>>
    tpu.enqueue_dma source(%arg6 : memref<64x768xf32, #tpu.memory_space<vmem>>) target(%dma_start3A_53 : memref<64x768xf32, #tpu.memory_space<hbm>>) target_semaphore(%arg10 : memref<!tpu.dma_semaphore, #tpu.memory_space<semaphore_mem>>)
    %dma_wait3A_54 = arith.constant 0 : i32
    %dma_wait3A_55 = arith.constant 0 : i32
    %dma_wait3A_56 = tpu.memref_slice %arg4[%dma_wait3A_54, %dma_wait3A_55] : memref<8192x768xf32, #tpu.memory_space<hbm>> -> memref<64x768xf32, #tpu.memory_space<hbm>>
    %dma_wait3A_57 = arith.constant 0 : i32
    %dma_wait3A_58 = arith.constant 0 : i32
    %dma_wait3A_59 = tpu.memref_slice %arg4[%dma_wait3A_57, %dma_wait3A_58] : memref<8192x768xf32, #tpu.memory_space<hbm>> -> memref<64x768xf32, #tpu.memory_space<hbm>>
    tpu.wait_dma2 semaphore(%arg10 : memref<!tpu.dma_semaphore, #tpu.memory_space<semaphore_mem>>) src(%arg6 : memref<64x768xf32, #tpu.memory_space<vmem>>) dst(%dma_wait3A_59 : memref<64x768xf32, #tpu.memory_space<hbm>>)
    %dma_start3A_60 = arith.constant 128 : i32
    %dma_start3A_61 = tpu.memref_slice %arg5[%dma_start3A_60] : memref<256xi32, #tpu.memory_space<vmem>> -> memref<64xi32, #tpu.memory_space<vmem>>
    %dma_start3A_62 = arith.constant 0 : i32
    %dma_start3A_63 = arith.constant 0 : i32
    %dma_start3A_64 = tpu.memref_slice %arg2[%dma_start3A_62, %dma_start3A_63] : memref<30522x768xf32, #tpu.memory_space<hbm>> -> memref<30522x768xf32, #tpu.memory_space<hbm>>
    tpu.enqueue_indirect_dma source(%dma_start3A_64 : memref<30522x768xf32, #tpu.memory_space<hbm>>) target(%arg6 : memref<64x768xf32, #tpu.memory_space<vmem>>) offsets(%dma_start3A_61 : memref<64xi32, #tpu.memory_space<vmem>>) semaphore(%arg8 : memref<!tpu.dma_semaphore, #tpu.memory_space<semaphore_mem>>)
    %dma_wait3A_65 = arith.constant 64 : i32
    %dma_wait3A_66 = tpu.memref_slice %arg5[%dma_wait3A_65] : memref<256xi32, #tpu.memory_space<vmem>> -> memref<64xi32, #tpu.memory_space<vmem>>
    %dma_wait3A_67 = arith.constant 0 : i32
    %dma_wait3A_68 = arith.constant 0 : i32
    %dma_wait3A_69 = tpu.memref_slice %arg2[%dma_wait3A_67, %dma_wait3A_68] : memref<30522x768xf32, #tpu.memory_space<hbm>> -> memref<30522x768xf32, #tpu.memory_space<hbm>>
    tpu.wait_indirect_dma semaphore(%arg9 : memref<!tpu.dma_semaphore, #tpu.memory_space<semaphore_mem>>) src(%dma_wait3A_69 : memref<30522x768xf32, #tpu.memory_space<hbm>>) dst(%arg7 : memref<64x768xf32, #tpu.memory_space<vmem>>)
    %add3A_70 = arith.constant 64 : i32
    %add3A_71 = arith.addi %mul3A_2, %add3A_70 : i32
    %dma_start3A_72 = arith.constant 0 : i32
    %dma_start3A_73 = tpu.memref_slice %arg4[%add3A_71, %dma_start3A_72] : memref<8192x768xf32, #tpu.memory_space<hbm>> -> memref<64x768xf32, #tpu.memory_space<hbm>>
    %dma_start3A_74 = arith.constant 0 : i32
    %dma_start3A_75 = tpu.memref_slice %arg4[%add3A_71, %dma_start3A_74] : memref<8192x768xf32, #tpu.memory_space<hbm>> -> memref<64x768xf32, #tpu.memory_space<hbm>>
    tpu.enqueue_dma source(%arg7 : memref<64x768xf32, #tpu.memory_space<vmem>>) target(%dma_start3A_75 : memref<64x768xf32, #tpu.memory_space<hbm>>) target_semaphore(%arg11 : memref<!tpu.dma_semaphore, #tpu.memory_space<semaphore_mem>>)
    %dma_wait3A_76 = arith.constant 0 : i32
    %dma_wait3A_77 = arith.constant 0 : i32
    %dma_wait3A_78 = tpu.memref_slice %arg4[%dma_wait3A_76, %dma_wait3A_77] : memref<8192x768xf32, #tpu.memory_space<hbm>> -> memref<64x768xf32, #tpu.memory_space<hbm>>
    %dma_wait3A_79 = arith.constant 0 : i32
    %dma_wait3A_80 = arith.constant 0 : i32
    %dma_wait3A_81 = tpu.memref_slice %arg4[%dma_wait3A_79, %dma_wait3A_80] : memref<8192x768xf32, #tpu.memory_space<hbm>> -> memref<64x768xf32, #tpu.memory_space<hbm>>
    tpu.wait_dma2 semaphore(%arg11 : memref<!tpu.dma_semaphore, #tpu.memory_space<semaphore_mem>>) src(%arg7 : memref<64x768xf32, #tpu.memory_space<vmem>>) dst(%dma_wait3A_81 : memref<64x768xf32, #tpu.memory_space<hbm>>)
    %dma_start3A_82 = arith.constant 192 : i32
    %dma_start3A_83 = tpu.memref_slice %arg5[%dma_start3A_82] : memref<256xi32, #tpu.memory_space<vmem>> -> memref<64xi32, #tpu.memory_space<vmem>>
    %dma_start3A_84 = arith.constant 0 : i32
    %dma_start3A_85 = arith.constant 0 : i32
    %dma_start3A_86 = tpu.memref_slice %arg2[%dma_start3A_84, %dma_start3A_85] : memref<30522x768xf32, #tpu.memory_space<hbm>> -> memref<30522x768xf32, #tpu.memory_space<hbm>>
    tpu.enqueue_indirect_dma source(%dma_start3A_86 : memref<30522x768xf32, #tpu.memory_space<hbm>>) target(%arg7 : memref<64x768xf32, #tpu.memory_space<vmem>>) offsets(%dma_start3A_83 : memref<64xi32, #tpu.memory_space<vmem>>) semaphore(%arg9 : memref<!tpu.dma_semaphore, #tpu.memory_space<semaphore_mem>>)
    %dma_wait3A_87 = arith.constant 128 : i32
    %dma_wait3A_88 = tpu.memref_slice %arg5[%dma_wait3A_87] : memref<256xi32, #tpu.memory_space<vmem>> -> memref<64xi32, #tpu.memory_space<vmem>>
    %dma_wait3A_89 = arith.constant 0 : i32
    %dma_wait3A_90 = arith.constant 0 : i32
    %dma_wait3A_91 = tpu.memref_slice %arg2[%dma_wait3A_89, %dma_wait3A_90] : memref<30522x768xf32, #tpu.memory_space<hbm>> -> memref<30522x768xf32, #tpu.memory_space<hbm>>
    tpu.wait_indirect_dma semaphore(%arg8 : memref<!tpu.dma_semaphore, #tpu.memory_space<semaphore_mem>>) src(%dma_wait3A_91 : memref<30522x768xf32, #tpu.memory_space<hbm>>) dst(%arg6 : memref<64x768xf32, #tpu.memory_space<vmem>>)
    %add3A_92 = arith.constant 128 : i32
    %add3A_93 = arith.addi %mul3A_2, %add3A_92 : i32
    %dma_start3A_94 = arith.constant 0 : i32
    %dma_start3A_95 = tpu.memref_slice %arg4[%add3A_93, %dma_start3A_94] : memref<8192x768xf32, #tpu.memory_space<hbm>> -> memref<64x768xf32, #tpu.memory_space<hbm>>
    %dma_start3A_96 = arith.constant 0 : i32
    %dma_start3A_97 = tpu.memref_slice %arg4[%add3A_93, %dma_start3A_96] : memref<8192x768xf32, #tpu.memory_space<hbm>> -> memref<64x768xf32, #tpu.memory_space<hbm>>
    tpu.enqueue_dma source(%arg6 : memref<64x768xf32, #tpu.memory_space<vmem>>) target(%dma_start3A_97 : memref<64x768xf32, #tpu.memory_space<hbm>>) target_semaphore(%arg10 : memref<!tpu.dma_semaphore, #tpu.memory_space<semaphore_mem>>)
    %dma_wait3A_98 = arith.constant 192 : i32
    %dma_wait3A_99 = tpu.memref_slice %arg5[%dma_wait3A_98] : memref<256xi32, #tpu.memory_space<vmem>> -> memref<64xi32, #tpu.memory_space<vmem>>
    %dma_wait3A_100 = arith.constant 0 : i32
    %dma_wait3A_101 = arith.constant 0 : i32
    %dma_wait3A_102 = tpu.memref_slice %arg2[%dma_wait3A_100, %dma_wait3A_101] : memref<30522x768xf32, #tpu.memory_space<hbm>> -> memref<30522x768xf32, #tpu.memory_space<hbm>>
    tpu.wait_indirect_dma semaphore(%arg9 : memref<!tpu.dma_semaphore, #tpu.memory_space<semaphore_mem>>) src(%dma_wait3A_102 : memref<30522x768xf32, #tpu.memory_space<hbm>>) dst(%arg7 : memref<64x768xf32, #tpu.memory_space<vmem>>)
    %add3A_103 = arith.constant 192 : i32
    %add3A_104 = arith.addi %mul3A_2, %add3A_103 : i32
    %dma_start3A_105 = arith.constant 0 : i32
    %dma_start3A_106 = tpu.memref_slice %arg4[%add3A_104, %dma_start3A_105] : memref<8192x768xf32, #tpu.memory_space<hbm>> -> memref<64x768xf32, #tpu.memory_space<hbm>>
    %dma_start3A_107 = arith.constant 0 : i32
    %dma_start3A_108 = tpu.memref_slice %arg4[%add3A_104, %dma_start3A_107] : memref<8192x768xf32, #tpu.memory_space<hbm>> -> memref<64x768xf32, #tpu.memory_space<hbm>>
    tpu.enqueue_dma source(%arg7 : memref<64x768xf32, #tpu.memory_space<vmem>>) target(%dma_start3A_108 : memref<64x768xf32, #tpu.memory_space<hbm>>) target_semaphore(%arg11 : memref<!tpu.dma_semaphore, #tpu.memory_space<semaphore_mem>>)
    %dma_wait3A_109 = arith.constant 0 : i32
    %dma_wait3A_110 = arith.constant 0 : i32
    %dma_wait3A_111 = tpu.memref_slice %arg4[%dma_wait3A_109, %dma_wait3A_110] : memref<8192x768xf32, #tpu.memory_space<hbm>> -> memref<64x768xf32, #tpu.memory_space<hbm>>
    %dma_wait3A_112 = arith.constant 0 : i32
    %dma_wait3A_113 = arith.constant 0 : i32
    %dma_wait3A_114 = tpu.memref_slice %arg4[%dma_wait3A_112, %dma_wait3A_113] : memref<8192x768xf32, #tpu.memory_space<hbm>> -> memref<64x768xf32, #tpu.memory_space<hbm>>
    tpu.wait_dma2 semaphore(%arg10 : memref<!tpu.dma_semaphore, #tpu.memory_space<semaphore_mem>>) src(%arg6 : memref<64x768xf32, #tpu.memory_space<vmem>>) dst(%dma_wait3A_114 : memref<64x768xf32, #tpu.memory_space<hbm>>)
    %dma_wait3A_115 = arith.constant 0 : i32
    %dma_wait3A_116 = arith.constant 0 : i32
    %dma_wait3A_117 = tpu.memref_slice %arg4[%dma_wait3A_115, %dma_wait3A_116] : memref<8192x768xf32, #tpu.memory_space<hbm>> -> memref<64x768xf32, #tpu.memory_space<hbm>>
    %dma_wait3A_118 = arith.constant 0 : i32
    %dma_wait3A_119 = arith.constant 0 : i32
    %dma_wait3A_120 = tpu.memref_slice %arg4[%dma_wait3A_118, %dma_wait3A_119] : memref<8192x768xf32, #tpu.memory_space<hbm>> -> memref<64x768xf32, #tpu.memory_space<hbm>>
    tpu.wait_dma2 semaphore(%arg11 : memref<!tpu.dma_semaphore, #tpu.memory_space<semaphore_mem>>) src(%arg7 : memref<64x768xf32, #tpu.memory_space<vmem>>) dst(%dma_wait3A_120 : memref<64x768xf32, #tpu.memory_space<hbm>>)
    return
  }
}

module attributes {stable_mosaic.version = 14 : i64} {
  func.func @_ln_body(%arg0: i32, %arg1: memref<4x1x512xi32, #tpu.memory_space<vmem>>, %arg2: memref<2048x768xf32, #tpu.memory_space<vmem>>, %arg3: memref<512x768xf32, #tpu.memory_space<vmem>>, %arg4: memref<2x768xf32, #tpu.memory_space<vmem>>, %arg5: memref<1x768xf32, #tpu.memory_space<vmem>>, %arg6: memref<1x768xf32, #tpu.memory_space<vmem>>, %arg7: memref<2048x768xf32, #tpu.memory_space<vmem>>) attributes {dimension_semantics = [#tpu.dimension_semantics<arbitrary>], iteration_bounds = array<i64: 4>, scalar_prefetch = 0 : i64, scratch_operands = 0 : i64, tpu.core_type = #tpu.core_type<tc>, window_params = [{transform_indices = @transform_0, window_bounds = array<i64: 4, 1, 512>}, {transform_indices = @transform_1, window_bounds = array<i64: 2048, 768>}, {pipeline_mode = #tpu.pipeline_mode<synchronous>, transform_indices = @transform_2, window_bounds = array<i64: 512, 768>}, {pipeline_mode = #tpu.pipeline_mode<synchronous>, transform_indices = @transform_3, window_bounds = array<i64: 2, 768>}, {pipeline_mode = #tpu.pipeline_mode<synchronous>, transform_indices = @transform_4, window_bounds = array<i64: 1, 768>}, {pipeline_mode = #tpu.pipeline_mode<synchronous>, transform_indices = @transform_5, window_bounds = array<i64: 1, 768>}, {transform_indices = @transform_6, window_bounds = array<i64: 2048, 768>}]} {
    %get3A = arith.constant 0 : index
    %get3A_0 = arith.constant 0 : index
    %get3A_1 = vector.load %arg2[%get3A, %get3A_0] : memref<2048x768xf32, #tpu.memory_space<vmem>>, vector<2048x768xf32>
    %reshape3A = vector.shape_cast %get3A_1 : vector<2048x768xf32> to vector<4x512x768xf32>
    %get3A_2 = arith.constant 0 : index
    %get3A_3 = arith.constant 0 : index
    %get3A_4 = vector.load %arg3[%get3A_2, %get3A_3] : memref<512x768xf32, #tpu.memory_space<vmem>>, vector<512x768xf32>
    %broadcast_in_dim3A = vector.shape_cast %get3A_4 : vector<512x768xf32> to vector<1x512x768xf32>
    %add3A = vector.broadcast %broadcast_in_dim3A : vector<1x512x768xf32> to vector<4x512x768xf32>
    %add3A_5 = arith.addf %reshape3A, %add3A : vector<4x512x768xf32>
    %get3A_6 = arith.constant 0 : index
    %get3A_7 = arith.constant 0 : index
    %get3A_8 = arith.constant 0 : index
    %get3A_9 = vector.load %arg1[%get3A_6, %get3A_7, %get3A_8] : memref<4x1x512xi32, #tpu.memory_space<vmem>>, vector<4x1x512xi32>
    %get3A_10 = vector.shape_cast %get3A_9 : vector<4x1x512xi32> to vector<4x512xi32>
    %eq3A = arith.constant 1 : i32
    %eq3A_11 = vector.broadcast %eq3A : i32 to vector<4x512xi32>
    %eq3A_12 = arith.cmpi eq, %get3A_10, %eq3A_11 : vector<4x512xi32>
    %convert_element_type3A = arith.extui %eq3A_12 : vector<4x512xi1> to vector<4x512xi32>
    %convert_element_type3A_13 = arith.sitofp %convert_element_type3A : vector<4x512xi32> to vector<4x512xf32>
    %reshape3A_14 = vector.shape_cast %convert_element_type3A_13 : vector<4x512xf32> to vector<4x512x1xf32>
    %get3A_15 = arith.constant 0 : index
    %get3A_16 = arith.constant 0 : index
    %get3A_17 = vector.load %arg4[%get3A_15, %get3A_16] : memref<2x768xf32, #tpu.memory_space<vmem>>, vector<1x768xf32>
    %get3A_18 = arith.constant 1 : index
    %get3A_19 = arith.constant 0 : index
    %get3A_20 = vector.load %arg4[%get3A_18, %get3A_19] : memref<2x768xf32, #tpu.memory_space<vmem>>, vector<1x768xf32>
    %broadcast_in_dim3A_21 = vector.shape_cast %get3A_17 : vector<1x768xf32> to vector<1x1x768xf32>
    %add3A_22 = vector.broadcast %broadcast_in_dim3A_21 : vector<1x1x768xf32> to vector<4x512x768xf32>
    %add3A_23 = arith.addf %add3A_5, %add3A_22 : vector<4x512x768xf32>
    %sub3A = arith.subf %get3A_20, %get3A_17 : vector<1x768xf32>
    %broadcast_in_dim3A_24 = vector.shape_cast %sub3A : vector<1x768xf32> to vector<1x1x768xf32>
    %mul3A = vector.broadcast %reshape3A_14 : vector<4x512x1xf32> to vector<4x512x768xf32>
    %mul3A_25 = vector.broadcast %broadcast_in_dim3A_24 : vector<1x1x768xf32> to vector<4x512x768xf32>
    %mul3A_26 = arith.mulf %mul3A, %mul3A_25 : vector<4x512x768xf32>
    %add3A_27 = arith.addf %add3A_23, %mul3A_26 : vector<4x512x768xf32>
    %reduce_sum3A = arith.constant dense<0.000000e+00> : vector<4x512xf32>
    %reduce_sum3A_28 = vector.multi_reduction <add>, %add3A_27, %reduce_sum3A [2] : vector<4x512x768xf32> to vector<4x512xf32>
    %broadcast_in_dim3A_29 = vector.shape_cast %reduce_sum3A_28 : vector<4x512xf32> to vector<4x512x1xf32>
    %div3A = arith.constant 7.680000e+02 : f32
    %div3A_30 = vector.broadcast %div3A : f32 to vector<4x512x1xf32>
    %div3A_31 = arith.divf %broadcast_in_dim3A_29, %div3A_30 : vector<4x512x1xf32>
    %sub3A_32 = vector.broadcast %div3A_31 : vector<4x512x1xf32> to vector<4x512x768xf32>
    %sub3A_33 = arith.subf %add3A_27, %sub3A_32 : vector<4x512x768xf32>
    %mul3A_34 = arith.mulf %sub3A_33, %sub3A_33 : vector<4x512x768xf32>
    %reduce_sum3A_35 = arith.constant dense<0.000000e+00> : vector<4x512xf32>
    %reduce_sum3A_36 = vector.multi_reduction <add>, %mul3A_34, %reduce_sum3A_35 [2] : vector<4x512x768xf32> to vector<4x512xf32>
    %broadcast_in_dim3A_37 = vector.shape_cast %reduce_sum3A_36 : vector<4x512xf32> to vector<4x512x1xf32>
    %div3A_38 = arith.constant 7.680000e+02 : f32
    %div3A_39 = vector.broadcast %div3A_38 : f32 to vector<4x512x1xf32>
    %div3A_40 = arith.divf %broadcast_in_dim3A_37, %div3A_39 : vector<4x512x1xf32>
    %add3A_41 = arith.constant 9.99999996E-13 : f32
    %add3A_42 = vector.broadcast %add3A_41 : f32 to vector<4x512x1xf32>
    %add3A_43 = arith.addf %div3A_40, %add3A_42 : vector<4x512x1xf32>
    %rsqrt3A = math.rsqrt %add3A_43 : vector<4x512x1xf32>
    %mul3A_44 = vector.broadcast %rsqrt3A : vector<4x512x1xf32> to vector<4x512x768xf32>
    %mul3A_45 = arith.mulf %sub3A_33, %mul3A_44 : vector<4x512x768xf32>
    %get3A_46 = arith.constant 0 : index
    %get3A_47 = arith.constant 0 : index
    %get3A_48 = vector.load %arg5[%get3A_46, %get3A_47] : memref<1x768xf32, #tpu.memory_space<vmem>>, vector<1x768xf32>
    %broadcast_in_dim3A_49 = vector.shape_cast %get3A_48 : vector<1x768xf32> to vector<1x1x768xf32>
    %mul3A_50 = vector.broadcast %broadcast_in_dim3A_49 : vector<1x1x768xf32> to vector<4x512x768xf32>
    %mul3A_51 = arith.mulf %mul3A_45, %mul3A_50 : vector<4x512x768xf32>
    %get3A_52 = arith.constant 0 : index
    %get3A_53 = arith.constant 0 : index
    %get3A_54 = vector.load %arg6[%get3A_52, %get3A_53] : memref<1x768xf32, #tpu.memory_space<vmem>>, vector<1x768xf32>
    %broadcast_in_dim3A_55 = vector.shape_cast %get3A_54 : vector<1x768xf32> to vector<1x1x768xf32>
    %add3A_56 = vector.broadcast %broadcast_in_dim3A_55 : vector<1x1x768xf32> to vector<4x512x768xf32>
    %add3A_57 = arith.addf %mul3A_51, %add3A_56 : vector<4x512x768xf32>
    %reshape3A_58 = vector.shape_cast %add3A_57 : vector<4x512x768xf32> to vector<2048x768xf32>
    %swap3A = arith.constant 0 : index
    %swap3A_59 = arith.constant 0 : index
    %swap3A_60 = vector.load %arg7[%swap3A, %swap3A_59] : memref<2048x768xf32, #tpu.memory_space<vmem>>, vector<2048x768xf32>
    tpu.vector_store %arg7[%swap3A, %swap3A_59], %reshape3A_58 {strides = array<i32>} : memref<2048x768xf32, #tpu.memory_space<vmem>>, vector<2048x768xf32>,
    return
  }
  func.func @transform_0(%arg0: i32) -> (i32, i32, i32) {
    %c0_i32 = arith.constant 0 : i32
    %c0_i32_0 = arith.constant 0 : i32
    %c0_i32_1 = arith.constant 0 : i32
    return %arg0, %c0_i32, %c0_i32_0 : i32, i32, i32
  }
  func.func @transform_1(%arg0: i32) -> (i32, i32) {
    %c0_i32 = arith.constant 0 : i32
    %c0_i32_0 = arith.constant 0 : i32
    return %arg0, %c0_i32 : i32, i32
  }
  func.func @transform_2(%arg0: i32) -> (i32, i32) {
    %c0_i32 = arith.constant 0 : i32
    %c0_i32_0 = arith.constant 0 : i32
    %c0_i32_1 = arith.constant 0 : i32
    return %c0_i32, %c0_i32_0 : i32, i32
  }
  func.func @transform_3(%arg0: i32) -> (i32, i32) {
    %c0_i32 = arith.constant 0 : i32
    %c0_i32_0 = arith.constant 0 : i32
    %c0_i32_1 = arith.constant 0 : i32
    return %c0_i32, %c0_i32_0 : i32, i32
  }
  func.func @transform_4(%arg0: i32) -> (i32, i32) {
    %c0_i32 = arith.constant 0 : i32
    %c0_i32_0 = arith.constant 0 : i32
    %c0_i32_1 = arith.constant 0 : i32
    return %c0_i32, %c0_i32_0 : i32, i32
  }
  func.func @transform_5(%arg0: i32) -> (i32, i32) {
    %c0_i32 = arith.constant 0 : i32
    %c0_i32_0 = arith.constant 0 : i32
    %c0_i32_1 = arith.constant 0 : i32
    return %c0_i32, %c0_i32_0 : i32, i32
  }
  func.func @transform_6(%arg0: i32) -> (i32, i32) {
    %add3A = arith.constant 0 : i32
    %add3A_0 = arith.addi %add3A, %arg0 : i32
    %c0_i32 = arith.constant 0 : i32
    %c0_i32_1 = arith.constant 0 : i32
    return %add3A_0, %c0_i32 : i32, i32
  }
}

module attributes {stable_mosaic.version = 14 : i64} {
  func.func @_ln_body_aliased(%arg0: i32, %arg1: memref<32768x768xf32, #tpu.memory_space<any>>, %arg2: memref<4x1x512xi32, #tpu.memory_space<vmem>>, %arg3: memref<2048x768xf32, #tpu.memory_space<vmem>>, %arg4: memref<512x768xf32, #tpu.memory_space<vmem>>, %arg5: memref<2x768xf32, #tpu.memory_space<vmem>>, %arg6: memref<1x768xf32, #tpu.memory_space<vmem>>, %arg7: memref<1x768xf32, #tpu.memory_space<vmem>>, %arg8: memref<2048x768xf32, #tpu.memory_space<vmem>>) attributes {dimension_semantics = [#tpu.dimension_semantics<arbitrary>], iteration_bounds = array<i64: 4>, scalar_prefetch = 0 : i64, scratch_operands = 0 : i64, tpu.core_type = #tpu.core_type<tc>, window_params = [{}, {transform_indices = @transform_1, window_bounds = array<i64: 4, 1, 512>}, {transform_indices = @transform_2, window_bounds = array<i64: 2048, 768>}, {pipeline_mode = #tpu.pipeline_mode<synchronous>, transform_indices = @transform_3, window_bounds = array<i64: 512, 768>}, {pipeline_mode = #tpu.pipeline_mode<synchronous>, transform_indices = @transform_4, window_bounds = array<i64: 2, 768>}, {pipeline_mode = #tpu.pipeline_mode<synchronous>, transform_indices = @transform_5, window_bounds = array<i64: 1, 768>}, {pipeline_mode = #tpu.pipeline_mode<synchronous>, transform_indices = @transform_6, window_bounds = array<i64: 1, 768>}, {transform_indices = @transform_7, window_bounds = array<i64: 2048, 768>}]} {
    %get3A = arith.constant 0 : index
    %get3A_0 = arith.constant 0 : index
    %get3A_1 = vector.load %arg3[%get3A, %get3A_0] : memref<2048x768xf32, #tpu.memory_space<vmem>>, vector<2048x768xf32>
    %reshape3A = vector.shape_cast %get3A_1 : vector<2048x768xf32> to vector<4x512x768xf32>
    %get3A_2 = arith.constant 0 : index
    %get3A_3 = arith.constant 0 : index
    %get3A_4 = vector.load %arg4[%get3A_2, %get3A_3] : memref<512x768xf32, #tpu.memory_space<vmem>>, vector<512x768xf32>
    %broadcast_in_dim3A = vector.shape_cast %get3A_4 : vector<512x768xf32> to vector<1x512x768xf32>
    %add3A = vector.broadcast %broadcast_in_dim3A : vector<1x512x768xf32> to vector<4x512x768xf32>
    %add3A_5 = arith.addf %reshape3A, %add3A : vector<4x512x768xf32>
    %get3A_6 = arith.constant 0 : index
    %get3A_7 = arith.constant 0 : index
    %get3A_8 = arith.constant 0 : index
    %get3A_9 = vector.load %arg2[%get3A_6, %get3A_7, %get3A_8] : memref<4x1x512xi32, #tpu.memory_space<vmem>>, vector<4x1x512xi32>
    %get3A_10 = vector.shape_cast %get3A_9 : vector<4x1x512xi32> to vector<4x512xi32>
    %eq3A = arith.constant 1 : i32
    %eq3A_11 = vector.broadcast %eq3A : i32 to vector<4x512xi32>
    %eq3A_12 = arith.cmpi eq, %get3A_10, %eq3A_11 : vector<4x512xi32>
    %convert_element_type3A = arith.extui %eq3A_12 : vector<4x512xi1> to vector<4x512xi32>
    %convert_element_type3A_13 = arith.sitofp %convert_element_type3A : vector<4x512xi32> to vector<4x512xf32>
    %reshape3A_14 = vector.shape_cast %convert_element_type3A_13 : vector<4x512xf32> to vector<4x512x1xf32>
    %get3A_15 = arith.constant 0 : index
    %get3A_16 = arith.constant 0 : index
    %get3A_17 = vector.load %arg5[%get3A_15, %get3A_16] : memref<2x768xf32, #tpu.memory_space<vmem>>, vector<1x768xf32>
    %get3A_18 = arith.constant 1 : index
    %get3A_19 = arith.constant 0 : index
    %get3A_20 = vector.load %arg5[%get3A_18, %get3A_19] : memref<2x768xf32, #tpu.memory_space<vmem>>, vector<1x768xf32>
    %broadcast_in_dim3A_21 = vector.shape_cast %get3A_17 : vector<1x768xf32> to vector<1x1x768xf32>
    %add3A_22 = vector.broadcast %broadcast_in_dim3A_21 : vector<1x1x768xf32> to vector<4x512x768xf32>
    %add3A_23 = arith.addf %add3A_5, %add3A_22 : vector<4x512x768xf32>
    %sub3A = arith.subf %get3A_20, %get3A_17 : vector<1x768xf32>
    %broadcast_in_dim3A_24 = vector.shape_cast %sub3A : vector<1x768xf32> to vector<1x1x768xf32>
    %mul3A = vector.broadcast %reshape3A_14 : vector<4x512x1xf32> to vector<4x512x768xf32>
    %mul3A_25 = vector.broadcast %broadcast_in_dim3A_24 : vector<1x1x768xf32> to vector<4x512x768xf32>
    %mul3A_26 = arith.mulf %mul3A, %mul3A_25 : vector<4x512x768xf32>
    %add3A_27 = arith.addf %add3A_23, %mul3A_26 : vector<4x512x768xf32>
    %reduce_sum3A = arith.constant dense<0.000000e+00> : vector<4x512xf32>
    %reduce_sum3A_28 = vector.multi_reduction <add>, %add3A_27, %reduce_sum3A [2] : vector<4x512x768xf32> to vector<4x512xf32>
    %broadcast_in_dim3A_29 = vector.shape_cast %reduce_sum3A_28 : vector<4x512xf32> to vector<4x512x1xf32>
    %div3A = arith.constant 7.680000e+02 : f32
    %div3A_30 = vector.broadcast %div3A : f32 to vector<4x512x1xf32>
    %div3A_31 = arith.divf %broadcast_in_dim3A_29, %div3A_30 : vector<4x512x1xf32>
    %sub3A_32 = vector.broadcast %div3A_31 : vector<4x512x1xf32> to vector<4x512x768xf32>
    %sub3A_33 = arith.subf %add3A_27, %sub3A_32 : vector<4x512x768xf32>
    %mul3A_34 = arith.mulf %sub3A_33, %sub3A_33 : vector<4x512x768xf32>
    %reduce_sum3A_35 = arith.constant dense<0.000000e+00> : vector<4x512xf32>
    %reduce_sum3A_36 = vector.multi_reduction <add>, %mul3A_34, %reduce_sum3A_35 [2] : vector<4x512x768xf32> to vector<4x512xf32>
    %broadcast_in_dim3A_37 = vector.shape_cast %reduce_sum3A_36 : vector<4x512xf32> to vector<4x512x1xf32>
    %div3A_38 = arith.constant 7.680000e+02 : f32
    %div3A_39 = vector.broadcast %div3A_38 : f32 to vector<4x512x1xf32>
    %div3A_40 = arith.divf %broadcast_in_dim3A_37, %div3A_39 : vector<4x512x1xf32>
    %add3A_41 = arith.constant 9.99999996E-13 : f32
    %add3A_42 = vector.broadcast %add3A_41 : f32 to vector<4x512x1xf32>
    %add3A_43 = arith.addf %div3A_40, %add3A_42 : vector<4x512x1xf32>
    %rsqrt3A = math.rsqrt %add3A_43 : vector<4x512x1xf32>
    %mul3A_44 = vector.broadcast %rsqrt3A : vector<4x512x1xf32> to vector<4x512x768xf32>
    %mul3A_45 = arith.mulf %sub3A_33, %mul3A_44 : vector<4x512x768xf32>
    %get3A_46 = arith.constant 0 : index
    %get3A_47 = arith.constant 0 : index
    %get3A_48 = vector.load %arg6[%get3A_46, %get3A_47] : memref<1x768xf32, #tpu.memory_space<vmem>>, vector<1x768xf32>
    %broadcast_in_dim3A_49 = vector.shape_cast %get3A_48 : vector<1x768xf32> to vector<1x1x768xf32>
    %mul3A_50 = vector.broadcast %broadcast_in_dim3A_49 : vector<1x1x768xf32> to vector<4x512x768xf32>
    %mul3A_51 = arith.mulf %mul3A_45, %mul3A_50 : vector<4x512x768xf32>
    %get3A_52 = arith.constant 0 : index
    %get3A_53 = arith.constant 0 : index
    %get3A_54 = vector.load %arg7[%get3A_52, %get3A_53] : memref<1x768xf32, #tpu.memory_space<vmem>>, vector<1x768xf32>
    %broadcast_in_dim3A_55 = vector.shape_cast %get3A_54 : vector<1x768xf32> to vector<1x1x768xf32>
    %add3A_56 = vector.broadcast %broadcast_in_dim3A_55 : vector<1x1x768xf32> to vector<4x512x768xf32>
    %add3A_57 = arith.addf %mul3A_51, %add3A_56 : vector<4x512x768xf32>
    %reshape3A_58 = vector.shape_cast %add3A_57 : vector<4x512x768xf32> to vector<2048x768xf32>
    %swap3A = arith.constant 0 : index
    %swap3A_59 = arith.constant 0 : index
    %swap3A_60 = vector.load %arg8[%swap3A, %swap3A_59] : memref<2048x768xf32, #tpu.memory_space<vmem>>, vector<2048x768xf32>
    tpu.vector_store %arg8[%swap3A, %swap3A_59], %reshape3A_58 {strides = array<i32>} : memref<2048x768xf32, #tpu.memory_space<vmem>>, vector<2048x768xf32>,
    return
  }
  func.func @transform_1(%arg0: i32) -> (i32, i32, i32) {
    %c0_i32 = arith.constant 0 : i32
    %c0_i32_0 = arith.constant 0 : i32
    %c0_i32_1 = arith.constant 0 : i32
    return %arg0, %c0_i32, %c0_i32_0 : i32, i32, i32
  }
  func.func @transform_2(%arg0: i32) -> (i32, i32) {
    %c0_i32 = arith.constant 0 : i32
    %c0_i32_0 = arith.constant 0 : i32
    return %arg0, %c0_i32 : i32, i32
  }
  func.func @transform_3(%arg0: i32) -> (i32, i32) {
    %c0_i32 = arith.constant 0 : i32
    %c0_i32_0 = arith.constant 0 : i32
    %c0_i32_1 = arith.constant 0 : i32
    return %c0_i32, %c0_i32_0 : i32, i32
  }
  func.func @transform_4(%arg0: i32) -> (i32, i32) {
    %c0_i32 = arith.constant 0 : i32
    %c0_i32_0 = arith.constant 0 : i32
    %c0_i32_1 = arith.constant 0 : i32
    return %c0_i32, %c0_i32_0 : i32, i32
  }
  func.func @transform_5(%arg0: i32) -> (i32, i32) {
    %c0_i32 = arith.constant 0 : i32
    %c0_i32_0 = arith.constant 0 : i32
    %c0_i32_1 = arith.constant 0 : i32
    return %c0_i32, %c0_i32_0 : i32, i32
  }
  func.func @transform_6(%arg0: i32) -> (i32, i32) {
    %c0_i32 = arith.constant 0 : i32
    %c0_i32_0 = arith.constant 0 : i32
    %c0_i32_1 = arith.constant 0 : i32
    return %c0_i32, %c0_i32_0 : i32, i32
  }
  func.func @transform_7(%arg0: i32) -> (i32, i32) {
    %add3A = arith.constant 8 : i32
    %add3A_0 = arith.addi %add3A, %arg0 : i32
    %c0_i32 = arith.constant 0 : i32
    %c0_i32_1 = arith.constant 0 : i32
    return %add3A_0, %c0_i32 : i32, i32
  }
}

module attributes {stable_mosaic.version = 14 : i64} {
  func.func @_ln_body_aliased(%arg0: i32, %arg1: memref<32768x768xf32, #tpu.memory_space<any>>, %arg2: memref<4x1x512xi32, #tpu.memory_space<vmem>>, %arg3: memref<2048x768xf32, #tpu.memory_space<vmem>>, %arg4: memref<512x768xf32, #tpu.memory_space<vmem>>, %arg5: memref<2x768xf32, #tpu.memory_space<vmem>>, %arg6: memref<1x768xf32, #tpu.memory_space<vmem>>, %arg7: memref<1x768xf32, #tpu.memory_space<vmem>>, %arg8: memref<2048x768xf32, #tpu.memory_space<vmem>>) attributes {dimension_semantics = [#tpu.dimension_semantics<arbitrary>], iteration_bounds = array<i64: 4>, scalar_prefetch = 0 : i64, scratch_operands = 0 : i64, tpu.core_type = #tpu.core_type<tc>, window_params = [{}, {transform_indices = @transform_1, window_bounds = array<i64: 4, 1, 512>}, {transform_indices = @transform_2, window_bounds = array<i64: 2048, 768>}, {pipeline_mode = #tpu.pipeline_mode<synchronous>, transform_indices = @transform_3, window_bounds = array<i64: 512, 768>}, {pipeline_mode = #tpu.pipeline_mode<synchronous>, transform_indices = @transform_4, window_bounds = array<i64: 2, 768>}, {pipeline_mode = #tpu.pipeline_mode<synchronous>, transform_indices = @transform_5, window_bounds = array<i64: 1, 768>}, {pipeline_mode = #tpu.pipeline_mode<synchronous>, transform_indices = @transform_6, window_bounds = array<i64: 1, 768>}, {transform_indices = @transform_7, window_bounds = array<i64: 2048, 768>}]} {
    %get3A = arith.constant 0 : index
    %get3A_0 = arith.constant 0 : index
    %get3A_1 = vector.load %arg3[%get3A, %get3A_0] : memref<2048x768xf32, #tpu.memory_space<vmem>>, vector<2048x768xf32>
    %reshape3A = vector.shape_cast %get3A_1 : vector<2048x768xf32> to vector<4x512x768xf32>
    %get3A_2 = arith.constant 0 : index
    %get3A_3 = arith.constant 0 : index
    %get3A_4 = vector.load %arg4[%get3A_2, %get3A_3] : memref<512x768xf32, #tpu.memory_space<vmem>>, vector<512x768xf32>
    %broadcast_in_dim3A = vector.shape_cast %get3A_4 : vector<512x768xf32> to vector<1x512x768xf32>
    %add3A = vector.broadcast %broadcast_in_dim3A : vector<1x512x768xf32> to vector<4x512x768xf32>
    %add3A_5 = arith.addf %reshape3A, %add3A : vector<4x512x768xf32>
    %get3A_6 = arith.constant 0 : index
    %get3A_7 = arith.constant 0 : index
    %get3A_8 = arith.constant 0 : index
    %get3A_9 = vector.load %arg2[%get3A_6, %get3A_7, %get3A_8] : memref<4x1x512xi32, #tpu.memory_space<vmem>>, vector<4x1x512xi32>
    %get3A_10 = vector.shape_cast %get3A_9 : vector<4x1x512xi32> to vector<4x512xi32>
    %eq3A = arith.constant 1 : i32
    %eq3A_11 = vector.broadcast %eq3A : i32 to vector<4x512xi32>
    %eq3A_12 = arith.cmpi eq, %get3A_10, %eq3A_11 : vector<4x512xi32>
    %convert_element_type3A = arith.extui %eq3A_12 : vector<4x512xi1> to vector<4x512xi32>
    %convert_element_type3A_13 = arith.sitofp %convert_element_type3A : vector<4x512xi32> to vector<4x512xf32>
    %reshape3A_14 = vector.shape_cast %convert_element_type3A_13 : vector<4x512xf32> to vector<4x512x1xf32>
    %get3A_15 = arith.constant 0 : index
    %get3A_16 = arith.constant 0 : index
    %get3A_17 = vector.load %arg5[%get3A_15, %get3A_16] : memref<2x768xf32, #tpu.memory_space<vmem>>, vector<1x768xf32>
    %get3A_18 = arith.constant 1 : index
    %get3A_19 = arith.constant 0 : index
    %get3A_20 = vector.load %arg5[%get3A_18, %get3A_19] : memref<2x768xf32, #tpu.memory_space<vmem>>, vector<1x768xf32>
    %broadcast_in_dim3A_21 = vector.shape_cast %get3A_17 : vector<1x768xf32> to vector<1x1x768xf32>
    %add3A_22 = vector.broadcast %broadcast_in_dim3A_21 : vector<1x1x768xf32> to vector<4x512x768xf32>
    %add3A_23 = arith.addf %add3A_5, %add3A_22 : vector<4x512x768xf32>
    %sub3A = arith.subf %get3A_20, %get3A_17 : vector<1x768xf32>
    %broadcast_in_dim3A_24 = vector.shape_cast %sub3A : vector<1x768xf32> to vector<1x1x768xf32>
    %mul3A = vector.broadcast %reshape3A_14 : vector<4x512x1xf32> to vector<4x512x768xf32>
    %mul3A_25 = vector.broadcast %broadcast_in_dim3A_24 : vector<1x1x768xf32> to vector<4x512x768xf32>
    %mul3A_26 = arith.mulf %mul3A, %mul3A_25 : vector<4x512x768xf32>
    %add3A_27 = arith.addf %add3A_23, %mul3A_26 : vector<4x512x768xf32>
    %reduce_sum3A = arith.constant dense<0.000000e+00> : vector<4x512xf32>
    %reduce_sum3A_28 = vector.multi_reduction <add>, %add3A_27, %reduce_sum3A [2] : vector<4x512x768xf32> to vector<4x512xf32>
    %broadcast_in_dim3A_29 = vector.shape_cast %reduce_sum3A_28 : vector<4x512xf32> to vector<4x512x1xf32>
    %div3A = arith.constant 7.680000e+02 : f32
    %div3A_30 = vector.broadcast %div3A : f32 to vector<4x512x1xf32>
    %div3A_31 = arith.divf %broadcast_in_dim3A_29, %div3A_30 : vector<4x512x1xf32>
    %sub3A_32 = vector.broadcast %div3A_31 : vector<4x512x1xf32> to vector<4x512x768xf32>
    %sub3A_33 = arith.subf %add3A_27, %sub3A_32 : vector<4x512x768xf32>
    %mul3A_34 = arith.mulf %sub3A_33, %sub3A_33 : vector<4x512x768xf32>
    %reduce_sum3A_35 = arith.constant dense<0.000000e+00> : vector<4x512xf32>
    %reduce_sum3A_36 = vector.multi_reduction <add>, %mul3A_34, %reduce_sum3A_35 [2] : vector<4x512x768xf32> to vector<4x512xf32>
    %broadcast_in_dim3A_37 = vector.shape_cast %reduce_sum3A_36 : vector<4x512xf32> to vector<4x512x1xf32>
    %div3A_38 = arith.constant 7.680000e+02 : f32
    %div3A_39 = vector.broadcast %div3A_38 : f32 to vector<4x512x1xf32>
    %div3A_40 = arith.divf %broadcast_in_dim3A_37, %div3A_39 : vector<4x512x1xf32>
    %add3A_41 = arith.constant 9.99999996E-13 : f32
    %add3A_42 = vector.broadcast %add3A_41 : f32 to vector<4x512x1xf32>
    %add3A_43 = arith.addf %div3A_40, %add3A_42 : vector<4x512x1xf32>
    %rsqrt3A = math.rsqrt %add3A_43 : vector<4x512x1xf32>
    %mul3A_44 = vector.broadcast %rsqrt3A : vector<4x512x1xf32> to vector<4x512x768xf32>
    %mul3A_45 = arith.mulf %sub3A_33, %mul3A_44 : vector<4x512x768xf32>
    %get3A_46 = arith.constant 0 : index
    %get3A_47 = arith.constant 0 : index
    %get3A_48 = vector.load %arg6[%get3A_46, %get3A_47] : memref<1x768xf32, #tpu.memory_space<vmem>>, vector<1x768xf32>
    %broadcast_in_dim3A_49 = vector.shape_cast %get3A_48 : vector<1x768xf32> to vector<1x1x768xf32>
    %mul3A_50 = vector.broadcast %broadcast_in_dim3A_49 : vector<1x1x768xf32> to vector<4x512x768xf32>
    %mul3A_51 = arith.mulf %mul3A_45, %mul3A_50 : vector<4x512x768xf32>
    %get3A_52 = arith.constant 0 : index
    %get3A_53 = arith.constant 0 : index
    %get3A_54 = vector.load %arg7[%get3A_52, %get3A_53] : memref<1x768xf32, #tpu.memory_space<vmem>>, vector<1x768xf32>
    %broadcast_in_dim3A_55 = vector.shape_cast %get3A_54 : vector<1x768xf32> to vector<1x1x768xf32>
    %add3A_56 = vector.broadcast %broadcast_in_dim3A_55 : vector<1x1x768xf32> to vector<4x512x768xf32>
    %add3A_57 = arith.addf %mul3A_51, %add3A_56 : vector<4x512x768xf32>
    %reshape3A_58 = vector.shape_cast %add3A_57 : vector<4x512x768xf32> to vector<2048x768xf32>
    %swap3A = arith.constant 0 : index
    %swap3A_59 = arith.constant 0 : index
    %swap3A_60 = vector.load %arg8[%swap3A, %swap3A_59] : memref<2048x768xf32, #tpu.memory_space<vmem>>, vector<2048x768xf32>
    tpu.vector_store %arg8[%swap3A, %swap3A_59], %reshape3A_58 {strides = array<i32>} : memref<2048x768xf32, #tpu.memory_space<vmem>>, vector<2048x768xf32>,
    return
  }
  func.func @transform_1(%arg0: i32) -> (i32, i32, i32) {
    %c0_i32 = arith.constant 0 : i32
    %c0_i32_0 = arith.constant 0 : i32
    %c0_i32_1 = arith.constant 0 : i32
    return %arg0, %c0_i32, %c0_i32_0 : i32, i32, i32
  }
  func.func @transform_2(%arg0: i32) -> (i32, i32) {
    %c0_i32 = arith.constant 0 : i32
    %c0_i32_0 = arith.constant 0 : i32
    return %arg0, %c0_i32 : i32, i32
  }
  func.func @transform_3(%arg0: i32) -> (i32, i32) {
    %c0_i32 = arith.constant 0 : i32
    %c0_i32_0 = arith.constant 0 : i32
    %c0_i32_1 = arith.constant 0 : i32
    return %c0_i32, %c0_i32_0 : i32, i32
  }
  func.func @transform_4(%arg0: i32) -> (i32, i32) {
    %c0_i32 = arith.constant 0 : i32
    %c0_i32_0 = arith.constant 0 : i32
    %c0_i32_1 = arith.constant 0 : i32
    return %c0_i32, %c0_i32_0 : i32, i32
  }
  func.func @transform_5(%arg0: i32) -> (i32, i32) {
    %c0_i32 = arith.constant 0 : i32
    %c0_i32_0 = arith.constant 0 : i32
    %c0_i32_1 = arith.constant 0 : i32
    return %c0_i32, %c0_i32_0 : i32, i32
  }
  func.func @transform_6(%arg0: i32) -> (i32, i32) {
    %c0_i32 = arith.constant 0 : i32
    %c0_i32_0 = arith.constant 0 : i32
    %c0_i32_1 = arith.constant 0 : i32
    return %c0_i32, %c0_i32_0 : i32, i32
  }
  func.func @transform_7(%arg0: i32) -> (i32, i32) {
    %add3A = arith.constant 4 : i32
    %add3A_0 = arith.addi %add3A, %arg0 : i32
    %c0_i32 = arith.constant 0 : i32
    %c0_i32_1 = arith.constant 0 : i32
    return %add3A_0, %c0_i32 : i32, i32
  }
}

module attributes {stable_mosaic.version = 14 : i64} {
  func.func @_ln_body_aliased(%arg0: i32, %arg1: memref<32768x768xf32, #tpu.memory_space<any>>, %arg2: memref<4x1x512xi32, #tpu.memory_space<vmem>>, %arg3: memref<2048x768xf32, #tpu.memory_space<vmem>>, %arg4: memref<512x768xf32, #tpu.memory_space<vmem>>, %arg5: memref<2x768xf32, #tpu.memory_space<vmem>>, %arg6: memref<1x768xf32, #tpu.memory_space<vmem>>, %arg7: memref<1x768xf32, #tpu.memory_space<vmem>>, %arg8: memref<2048x768xf32, #tpu.memory_space<vmem>>) attributes {dimension_semantics = [#tpu.dimension_semantics<arbitrary>], iteration_bounds = array<i64: 4>, scalar_prefetch = 0 : i64, scratch_operands = 0 : i64, tpu.core_type = #tpu.core_type<tc>, window_params = [{}, {transform_indices = @transform_1, window_bounds = array<i64: 4, 1, 512>}, {transform_indices = @transform_2, window_bounds = array<i64: 2048, 768>}, {pipeline_mode = #tpu.pipeline_mode<synchronous>, transform_indices = @transform_3, window_bounds = array<i64: 512, 768>}, {pipeline_mode = #tpu.pipeline_mode<synchronous>, transform_indices = @transform_4, window_bounds = array<i64: 2, 768>}, {pipeline_mode = #tpu.pipeline_mode<synchronous>, transform_indices = @transform_5, window_bounds = array<i64: 1, 768>}, {pipeline_mode = #tpu.pipeline_mode<synchronous>, transform_indices = @transform_6, window_bounds = array<i64: 1, 768>}, {transform_indices = @transform_7, window_bounds = array<i64: 2048, 768>}]} {
    %get3A = arith.constant 0 : index
    %get3A_0 = arith.constant 0 : index
    %get3A_1 = vector.load %arg3[%get3A, %get3A_0] : memref<2048x768xf32, #tpu.memory_space<vmem>>, vector<2048x768xf32>
    %reshape3A = vector.shape_cast %get3A_1 : vector<2048x768xf32> to vector<4x512x768xf32>
    %get3A_2 = arith.constant 0 : index
    %get3A_3 = arith.constant 0 : index
    %get3A_4 = vector.load %arg4[%get3A_2, %get3A_3] : memref<512x768xf32, #tpu.memory_space<vmem>>, vector<512x768xf32>
    %broadcast_in_dim3A = vector.shape_cast %get3A_4 : vector<512x768xf32> to vector<1x512x768xf32>
    %add3A = vector.broadcast %broadcast_in_dim3A : vector<1x512x768xf32> to vector<4x512x768xf32>
    %add3A_5 = arith.addf %reshape3A, %add3A : vector<4x512x768xf32>
    %get3A_6 = arith.constant 0 : index
    %get3A_7 = arith.constant 0 : index
    %get3A_8 = arith.constant 0 : index
    %get3A_9 = vector.load %arg2[%get3A_6, %get3A_7, %get3A_8] : memref<4x1x512xi32, #tpu.memory_space<vmem>>, vector<4x1x512xi32>
    %get3A_10 = vector.shape_cast %get3A_9 : vector<4x1x512xi32> to vector<4x512xi32>
    %eq3A = arith.constant 1 : i32
    %eq3A_11 = vector.broadcast %eq3A : i32 to vector<4x512xi32>
    %eq3A_12 = arith.cmpi eq, %get3A_10, %eq3A_11 : vector<4x512xi32>
    %convert_element_type3A = arith.extui %eq3A_12 : vector<4x512xi1> to vector<4x512xi32>
    %convert_element_type3A_13 = arith.sitofp %convert_element_type3A : vector<4x512xi32> to vector<4x512xf32>
    %reshape3A_14 = vector.shape_cast %convert_element_type3A_13 : vector<4x512xf32> to vector<4x512x1xf32>
    %get3A_15 = arith.constant 0 : index
    %get3A_16 = arith.constant 0 : index
    %get3A_17 = vector.load %arg5[%get3A_15, %get3A_16] : memref<2x768xf32, #tpu.memory_space<vmem>>, vector<1x768xf32>
    %get3A_18 = arith.constant 1 : index
    %get3A_19 = arith.constant 0 : index
    %get3A_20 = vector.load %arg5[%get3A_18, %get3A_19] : memref<2x768xf32, #tpu.memory_space<vmem>>, vector<1x768xf32>
    %broadcast_in_dim3A_21 = vector.shape_cast %get3A_17 : vector<1x768xf32> to vector<1x1x768xf32>
    %add3A_22 = vector.broadcast %broadcast_in_dim3A_21 : vector<1x1x768xf32> to vector<4x512x768xf32>
    %add3A_23 = arith.addf %add3A_5, %add3A_22 : vector<4x512x768xf32>
    %sub3A = arith.subf %get3A_20, %get3A_17 : vector<1x768xf32>
    %broadcast_in_dim3A_24 = vector.shape_cast %sub3A : vector<1x768xf32> to vector<1x1x768xf32>
    %mul3A = vector.broadcast %reshape3A_14 : vector<4x512x1xf32> to vector<4x512x768xf32>
    %mul3A_25 = vector.broadcast %broadcast_in_dim3A_24 : vector<1x1x768xf32> to vector<4x512x768xf32>
    %mul3A_26 = arith.mulf %mul3A, %mul3A_25 : vector<4x512x768xf32>
    %add3A_27 = arith.addf %add3A_23, %mul3A_26 : vector<4x512x768xf32>
    %reduce_sum3A = arith.constant dense<0.000000e+00> : vector<4x512xf32>
    %reduce_sum3A_28 = vector.multi_reduction <add>, %add3A_27, %reduce_sum3A [2] : vector<4x512x768xf32> to vector<4x512xf32>
    %broadcast_in_dim3A_29 = vector.shape_cast %reduce_sum3A_28 : vector<4x512xf32> to vector<4x512x1xf32>
    %div3A = arith.constant 7.680000e+02 : f32
    %div3A_30 = vector.broadcast %div3A : f32 to vector<4x512x1xf32>
    %div3A_31 = arith.divf %broadcast_in_dim3A_29, %div3A_30 : vector<4x512x1xf32>
    %sub3A_32 = vector.broadcast %div3A_31 : vector<4x512x1xf32> to vector<4x512x768xf32>
    %sub3A_33 = arith.subf %add3A_27, %sub3A_32 : vector<4x512x768xf32>
    %mul3A_34 = arith.mulf %sub3A_33, %sub3A_33 : vector<4x512x768xf32>
    %reduce_sum3A_35 = arith.constant dense<0.000000e+00> : vector<4x512xf32>
    %reduce_sum3A_36 = vector.multi_reduction <add>, %mul3A_34, %reduce_sum3A_35 [2] : vector<4x512x768xf32> to vector<4x512xf32>
    %broadcast_in_dim3A_37 = vector.shape_cast %reduce_sum3A_36 : vector<4x512xf32> to vector<4x512x1xf32>
    %div3A_38 = arith.constant 7.680000e+02 : f32
    %div3A_39 = vector.broadcast %div3A_38 : f32 to vector<4x512x1xf32>
    %div3A_40 = arith.divf %broadcast_in_dim3A_37, %div3A_39 : vector<4x512x1xf32>
    %add3A_41 = arith.constant 9.99999996E-13 : f32
    %add3A_42 = vector.broadcast %add3A_41 : f32 to vector<4x512x1xf32>
    %add3A_43 = arith.addf %div3A_40, %add3A_42 : vector<4x512x1xf32>
    %rsqrt3A = math.rsqrt %add3A_43 : vector<4x512x1xf32>
    %mul3A_44 = vector.broadcast %rsqrt3A : vector<4x512x1xf32> to vector<4x512x768xf32>
    %mul3A_45 = arith.mulf %sub3A_33, %mul3A_44 : vector<4x512x768xf32>
    %get3A_46 = arith.constant 0 : index
    %get3A_47 = arith.constant 0 : index
    %get3A_48 = vector.load %arg6[%get3A_46, %get3A_47] : memref<1x768xf32, #tpu.memory_space<vmem>>, vector<1x768xf32>
    %broadcast_in_dim3A_49 = vector.shape_cast %get3A_48 : vector<1x768xf32> to vector<1x1x768xf32>
    %mul3A_50 = vector.broadcast %broadcast_in_dim3A_49 : vector<1x1x768xf32> to vector<4x512x768xf32>
    %mul3A_51 = arith.mulf %mul3A_45, %mul3A_50 : vector<4x512x768xf32>
    %get3A_52 = arith.constant 0 : index
    %get3A_53 = arith.constant 0 : index
    %get3A_54 = vector.load %arg7[%get3A_52, %get3A_53] : memref<1x768xf32, #tpu.memory_space<vmem>>, vector<1x768xf32>
    %broadcast_in_dim3A_55 = vector.shape_cast %get3A_54 : vector<1x768xf32> to vector<1x1x768xf32>
    %add3A_56 = vector.broadcast %broadcast_in_dim3A_55 : vector<1x1x768xf32> to vector<4x512x768xf32>
    %add3A_57 = arith.addf %mul3A_51, %add3A_56 : vector<4x512x768xf32>
    %reshape3A_58 = vector.shape_cast %add3A_57 : vector<4x512x768xf32> to vector<2048x768xf32>
    %swap3A = arith.constant 0 : index
    %swap3A_59 = arith.constant 0 : index
    %swap3A_60 = vector.load %arg8[%swap3A, %swap3A_59] : memref<2048x768xf32, #tpu.memory_space<vmem>>, vector<2048x768xf32>
    tpu.vector_store %arg8[%swap3A, %swap3A_59], %reshape3A_58 {strides = array<i32>} : memref<2048x768xf32, #tpu.memory_space<vmem>>, vector<2048x768xf32>,
    return
  }
  func.func @transform_1(%arg0: i32) -> (i32, i32, i32) {
    %c0_i32 = arith.constant 0 : i32
    %c0_i32_0 = arith.constant 0 : i32
    %c0_i32_1 = arith.constant 0 : i32
    return %arg0, %c0_i32, %c0_i32_0 : i32, i32, i32
  }
  func.func @transform_2(%arg0: i32) -> (i32, i32) {
    %c0_i32 = arith.constant 0 : i32
    %c0_i32_0 = arith.constant 0 : i32
    return %arg0, %c0_i32 : i32, i32
  }
  func.func @transform_3(%arg0: i32) -> (i32, i32) {
    %c0_i32 = arith.constant 0 : i32
    %c0_i32_0 = arith.constant 0 : i32
    %c0_i32_1 = arith.constant 0 : i32
    return %c0_i32, %c0_i32_0 : i32, i32
  }
  func.func @transform_4(%arg0: i32) -> (i32, i32) {
    %c0_i32 = arith.constant 0 : i32
    %c0_i32_0 = arith.constant 0 : i32
    %c0_i32_1 = arith.constant 0 : i32
    return %c0_i32, %c0_i32_0 : i32, i32
  }
  func.func @transform_5(%arg0: i32) -> (i32, i32) {
    %c0_i32 = arith.constant 0 : i32
    %c0_i32_0 = arith.constant 0 : i32
    %c0_i32_1 = arith.constant 0 : i32
    return %c0_i32, %c0_i32_0 : i32, i32
  }
  func.func @transform_6(%arg0: i32) -> (i32, i32) {
    %c0_i32 = arith.constant 0 : i32
    %c0_i32_0 = arith.constant 0 : i32
    %c0_i32_1 = arith.constant 0 : i32
    return %c0_i32, %c0_i32_0 : i32, i32
  }
  func.func @transform_7(%arg0: i32) -> (i32, i32) {
    %add3A = arith.constant 12 : i32
    %add3A_0 = arith.addi %add3A, %arg0 : i32
    %c0_i32 = arith.constant 0 : i32
    %c0_i32_1 = arith.constant 0 : i32
    return %add3A_0, %c0_i32 : i32, i32
  }
}

</mosaic_0001>

<sc_bundles>
// kernel: kernel.10.cloned.1.call-start
scs
__scs_entry_jumppad:
0x0: {  	(pc) =	sbr.rel $0x88, $3  }
0x1: {  	(tag) =	ssettag $0x0;
	lr =	simm.s32 $0x1  }
0x2: {  	[smem:$0x3F9A] =	sst lr;
	_ =	strace $0xD0000000  }
0x3: {  	_ = 	snop  }
0x4: {  	_ = 	snop  }
0x5: {  	_ = 	snop  }
0x6: {  	_ = 	snop  }
0x7: {  	_ = 	snop  }
__scs_overlays_trampoline_lowered:
0x8: {  	[smem:$0x3FA9] =	sst s0  }
0x9: {  	[smem:$0x3FAA] =	sst s1  }
0xa: {  	[smem:$0x3FAB] =	sst s2  }
0xb: {  	[smem:$0x3FAC] =	sst s3  }
0xc: {  	[smem:$0x3FAD] =	sst s4  }
0xd: {  	[smem:$0x3FAE] =	sst s5  }
0xe: {  	[smem:$0x3FAF] =	sst s6  }
0xf: {  	[smem:$0x3FB0] =	sst s7  }
0x10: {  	[smem:$0x3FB1] =	sst s8  }
0x11: {  	[smem:$0x3FB2] =	sst s9;
	s0 =	simm.s32 @!p0 $0x0  }
0x12: {  	s1 =	sld [smem:$0x3F98];
	s0 =	simm.s32 @p0 $0x1  }
0x13: {  	[smem:$0x3FB3] =	sst s0;
	s0 =	simm.s32 @!p1 $0x0  }
0x14: {  	s2 =	sld [smem:$0x3F97];
	s0 =	simm.s32 @p1 $0x1  }
0x15: {  	[smem:$0x3FB4] =	sst s0;
	s0 =	simm.s32 @!p2 $0x0  }
0x16: {  	s3 =	sld [smem:$0x3FDB];
	s0 =	simm.s32 @p2 $0x1  }
0x17: {  	s4 =	simm.s32 $0x1BF5;
	[smem:$0x3FB6] =	sst s0  }
0x18: {  	s0 =	sld [smem:$0x3F99];
	_ =	swait.ge [sflag:s4], $0x0  }
0x19: {  	s7 =	sld [smem:$0x3F9A]  }
0x1a: {  	s8 =	sadd.s32 $0xFFFFE003, lr  }
0x1b: {  	s9 =	sadd.s32 $0xFFFFFEF7, lr;
	s5 =	simm.s32 $0xFFFFFFFF;
	p2 =	slt.u32 s8, $0xFFFFF086  }
0x1c: {  	p1 =	slt.u32 s9, $0xF7A;
	s5 =	simm.s32 @!p2 $0x0  }
0x1d: {  	s5 =	simm.s32 @p1 $0x1;
	p0 =	seq.s32 s7, s2  }
0x1e: {  	s7 =	smul.u32 @!p0 $0xF7A, s2;
	p2 =	seq.s32 @!p0 s5, $0x0  }
0x1f: {  	s9 =	smul.u32 $0xF7A, s1;
	s8 =	simm.s32 @!p0 $0x1BF5;
	p2 =	por !p2, p0  }
0x20: {  	[sflag:s8] =	ssyncset.s32 @!p0 $0xFFFFF086;
	s6 =	sadd.s32 @!p0 s3, s7;
	s7 =	simm.s32 @!p0 $0x108  }
0x21: {  	s3 =	sadd.s32 s3, s9;
	s6 =	sadd.s32 @!p0 $0x88, s6;
	s7 =	simm.s32 @p2 $0x1082  }
0x22: {  	[simem:s7], [sflag:s8] =	dma.local @!p0 [hbm:s6], $0xF7A  }
0x23: {  	s9 =	sor.u32 $0xD0000000, s2;
	s6 =	simm.s32 $0x108;
	_ =	swait.ge @!p0 [sflag:s8], $0x0  }
0x24: {  	s3 =	sadd.s32 $0x88, s3;
	s6 =	simm.s32 @!p1 $0x1082;
	[sflag:s4] =	ssyncset.s32 $0xFFFFF086  }
0x25: {  	[simem:s6], [sflag:s4] =	dma.local [hbm:s3], $0xF7A  }
0x26: {  	[smem:$0x3F9A] =	sst s1;
	(tag) =	ssettag s2;
	_ =	strace s9  }
0x27: {  	s1 =	sld [smem:$0x3FAA]  }
0x28: {  	s2 =	sld [smem:$0x3FAB]  }
0x29: {  	s4 =	sld [smem:$0x3FAD]  }
0x2a: {  	p0 =	seq.s32 s5, $0x0;
	s5 =	sld [smem:$0x3FAE]  }
0x2b: {  	s6 =	sld [smem:$0x3FAF]  }
0x2c: {  	s7 =	sld [smem:$0x3FB0]  }
0x2d: {  	s3 =	simm.s32 $0x108;
	s8 =	sld [smem:$0x3FB1]  }
0x2e: {  	s3 =	simm.s32 @!p0 $0x1082;
	s9 =	sld [smem:$0x3FB2]  }
0x2f: {  	lr =	sadd.s32 s0, s3;
	s0 =	sld [smem:$0x3FA9]  }
0x30: {  	s3 =	sld [smem:$0x3FAC]  }
0x31: {  	[smem:$0x3FB5] =	sst s10  }
0x32: {  	s10 =	sld [smem:$0x3FB3];
	_ =	sdelay $0x3  }
0x33: {  	p0 =	seq.s32 s10, $0x1;
	s10 =	sld [smem:$0x3FB5];
	_ =	sdelay $0x3  }
0x34: {  	[smem:$0x3FB5] =	sst s10  }
0x35: {  	s10 =	sld [smem:$0x3FB4];
	_ =	sdelay $0x3  }
0x36: {  	p1 =	seq.s32 s10, $0x1;
	s10 =	sld [smem:$0x3FB5];
	_ =	sdelay $0x3  }
0x37: {  	[smem:$0x3FB5] =	sst s10  }
0x38: {  	s10 =	sld [smem:$0x3FB6]  }
0x39: {  	_ = 	snop;
	(pc) =	sbr.ind lr, $3  }
0x3a: {  	_ = 	snop  }
0x3b: {  	_ = 	snop  }
0x3c: {  	p2 =	seq.s32 s10, $0x1;
	s10 =	sld [smem:$0x3FB5]  }
0x3d: {  	_ =	shalt  }
0x3e: {  	_ =	shalt  }
0x3f: {  	_ =	shalt  }
0x40: {  	_ =	shalt  }
0x41: {  	_ =	shalt  }
0x42: {  	_ =	shalt  }
0x43: {  	_ =	shalt  }
0x44: {  	_ =	shalt  }
0x45: {  	_ =	shalt  }
0x46: {  	_ =	shalt  }
0x47: {  	_ =	shalt  }
0x48: {  	_ =	shalt  }
0x49: {  	_ =	shalt  }
0x4a: {  	_ =	shalt  }
0x4b: {  	_ =	shalt  }
0x4c: {  	_ =	shalt  }
0x4d: {  	_ =	shalt  }
0x4e: {  	_ =	shalt  }
0x4f: {  	_ =	shalt  }
0x50: {  	_ =	shalt  }
0x51: {  	_ =	shalt  }
0x52: {  	_ =	shalt  }
0x53: {  	_ =	shalt  }
0x54: {  	_ =	shalt  }
0x55: {  	_ =	shalt  }
0x56: {  	_ =	shalt  }
0x57: {  	_ =	shalt  }
0x58: {  	_ =	shalt  }
0x59: {  	_ =	shalt  }
0x5a: {  	_ =	shalt  }
0x5b: {  	_ =	shalt  }
0x5c: {  	_ =	shalt  }
0x5d: {  	_ =	shalt  }
0x5e: {  	_ =	shalt  }
0x5f: {  	_ =	shalt  }
0x60: {  	_ =	shalt  }
0x61: {  	_ =	shalt  }
0x62: {  	_ =	shalt  }
0x63: {  	_ =	shalt  }
0x64: {  	_ =	shalt  }
0x65: {  	_ =	shalt  }
0x66: {  	_ =	shalt  }
0x67: {  	_ =	shalt  }
0x68: {  	_ =	shalt  }
0x69: {  	_ =	shalt  }
0x6a: {  	_ =	shalt  }
0x6b: {  	_ =	shalt  }
0x6c: {  	_ =	shalt  }
0x6d: {  	_ =	shalt  }
0x6e: {  	_ =	shalt  }
0x6f: {  	_ =	shalt  }
0x70: {  	_ =	shalt  }
0x71: {  	_ =	shalt  }
0x72: {  	_ =	shalt  }
0x73: {  	_ =	shalt  }
0x74: {  	_ =	shalt  }
0x75: {  	_ =	shalt  }
0x76: {  	_ =	shalt  }
0x77: {  	_ =	shalt  }
0x78: {  	_ =	shalt  }
0x79: {  	_ =	shalt  }
0x7a: {  	_ =	shalt  }
0x7b: {  	_ =	shalt  }
0x7c: {  	_ =	shalt  }
0x7d: {  	_ =	shalt  }
0x7e: {  	_ =	shalt  }
0x7f: {  	_ =	shalt  }
0x80: {  	_ =	shalt  }
0x81: {  	_ =	shalt  }
0x82: {  	_ =	shalt  }
0x83: {  	_ =	shalt  }
0x84: {  	_ =	shalt  }
0x85: {  	_ =	shalt  }
0x86: {  	_ =	shalt  }
0x87: {  	_ =	shalt  }
.Lfunc_end0:
.L_simem_size_0:
called_computation_lowered:
.L_overlay_start_0:
0x88: {  	s2 =	sld [smem:$0x3FD9]  }
0x89: {  	s3 =	sld [smem:$0x3FFE];
	_ =	sdelay $0x1  }
0x8a: {  	s1 =	srdreg.scid  }
0x8b: {  	s0 =	sand.u32 $0x1, s1  }
0x8c: {  	s17 =	sshll.u32 s0, $0xA;
	s2 =	sadd.s32 s3, s2  }
0x8d: {  	s2 =	sadd.s32 s2, s17  }
0x8e: {  	[smem:$0x3FC1] =	sst s2  }
0x8f: {  	_ = 	snop  }
0x90: {  	s2 =	sld [smem:$0x3FC9]  }
0x91: {  	s18 =	sld [smem:$0x3FC7];
	(tm) =	ssettm $0x1  }
0x92: {  	s4 =	sld [smem:$0x3FFB];
	_ =	sdelay $0x3  }
0x93: {  	_ =	strace s4  }
0x94: {  	s4 =	sld [smem:$0x3FFC];
	_ =	sdelay $0x3  }
0x95: {  	_ =	strace s4  }
0x96: {  	s4 =	sld [smem:$0x3FFD];
	_ =	sdelay $0x3  }
0x97: {  	_ =	strace s4  }
0x98: {  	_ =	strace $0x8FFFFFFF  }
0x99: {  	s19 =	sld [smem:$0x3FDB];
	_ =	sdelay $0x1  }
0x9a: {  	s5 =	simm.s32 $_scs_section_size  }
0x9b: {  	s6 =	simm.s32 $_size__tile_overlayer_lowered;
	s7 =	simm.s32 $_tile_overlayer_lowered  }
0x9c: {  	s22 =	simm.s32 $0x1BFF;
	s21 =	sshll.u32 s7, $0x1;
	s4 =	sadd.s32 s5, s19  }
0x9d: {  	s8 =	simm.s32 $0x0;
	s20 =	sshll.u32 s6, $0x1;
	s6 =	sadd.s32 s21, s4  }
0x9e: {  	[timem:s8], [sflag:s22] =	dma.local [hbm:s6], s20  }
0x9f: {  	_ =	swait.ge [sflag:s22], s20  }
0xa0: {  	s5 =	ssub.s32 $0x0, s20;
	[sflag:s22] =	ssyncset.done $0x0  }
0xa1: {  	[sflag:s22] =	ssyncadd.s32 s5;
	_ =	sdelay $0x1  }
0xa2: {  	s23 =	simm.s32 $0x1B8B  }
0xa3: {  	_ =	swait.ge [sflag:s23], $0x1  }
0xa4: {  	[sflag:s23] =	ssyncset.done $0x0  }
0xa5: {  	s25 =	simm.s32 $0x1B8E;
	s24 =	sld [smem:$0x3FFE];
	[sflag:s23] =	ssyncadd.s32 $0xFFFFFFFF  }
0xa6: {  	s26 =	simm.s32 $execute0_lowered;
	[smem:$0x3FD2] =	sst s25  }
0xa7: {  	s6 =	sshll.u32 s26, $0x1;
	_ =	strace $0x80000046;
	[dreg:$0x1] =	wrdreg $0xFFFFFFFF  }
0xa8: {  	s28 =	simm.s32 $_size_execute0_lowered;
	s4 =	sadd.s32 s4, s6;
	[dreg:$0x0] =	wrdreg $0x0  }
0xa9: {  	s6 =	sshll.u32 s28, $0x1;
	[dreg:$0x2] =	wrdreg s4  }
0xaa: {  	[dreg:$0x3] =	wrdreg s6  }
0xab: {  	[dreg:$0x4] =	wrdreg $0xC0  }
0xac: {  	_ =	task [dreg:s8], $0x5FFFF  }
0xad: {  	[dreg:$0x1] =	wrdreg $0xFFFFFFFF  }
0xae: {  	[dreg:$0x0] =	wrdreg $0x60  }
0xaf: {  	[dreg:$0x2] =	wrdreg s18  }
0xb0: {  	[dreg:$0x3] =	wrdreg s2  }
0xb1: {  	[dreg:$0x4] =	wrdreg s24  }
0xb2: {  	[dreg:$0x5] =	wrdreg $0x9  }
0xb3: {  	_ =	task.clear_ibuf [dreg:s8], $0x6FFFF;
	_ =	strace $0x90000046  }
0xb4: {  	s29 =	simm.s32 $0x9;
	_ =	strace $0x80000048  }
0xb5: {  	_ =	swait.ge [sflag:s29], $0x1  }
0xb6: {  	[sflag:s29] =	ssyncadd.s32 $0xFFFFFFFF  }
0xb7: {  	_ =	strace $0x90000048  }
0xb8: {  	_ =	sfence  }
0xb9: {  	s30 =	sld [smem:$0x0];
	_ =	sdelay $0x2  }
0xba: {  	s31 =	sshll.u32 s1, $0xD;
	s1 =	sshrl.u32 s1, $0x2  }
0xbb: {  	s3 =	sand.u32 $0x4000, s31;
	s1 =	sadd.s32 s1, s30  }
0xbc: {  	s0 =	sor.u32 s3, s0;
	s1 =	sshll.u32 s1, $0x11  }
0xbd: {  	s0 =	sor.u32 s1, s0  }
0xbe: {  	s0 =	sadd.s32 $0x8F2B, s0  }
0xbf: {  	[sflag:s0] =	ssyncadd.remote.s32 $0x1  }
0xc0: {  	_ =	sfence.sel $0xFFFF  }
0xc1: {  	[dreg:$0x0] =	wrdreg $0xFFFFFFFF;
	(pc) =	sbr.abs _section_cstart, $3  }
0xc2: {  	[dreg:$0x1] =	wrdreg $0xFFFFFFFF  }
0xc3: {  	_ =	task.clear_ibuf [dreg:s8], $0x2FFFF;
	_ =	strace $0x9FFFFFFF  }
0xc4: {  	(tm) =	ssettm $0x7FFFFFFF  }
0xc5: {  	_ =	shalt  }
tec
execute0_lowered:
.L_overlay_start_1:
0x0: {  	(tag) =	ssettag $0x1  }
0x1: {  	s0 =	srdreg.scid  }
0x2: {  	s7 =	stileid.u32;
	s4 =	rddreg [dreg:$0x1]  }
0x3: {  	s5 =	simm.s32 $0x1;
	s6 =	rddreg [dreg:$0x2];
	s3 =	simm.s32 $0x0  }
0x4: {  	s25 =	simm.s32 $0x80;
	s26 =	simm.s32 $0x400;
	s19 =	simm.s32 $0x1900  }
0x5: {  	s28 =	simm.s32 $0x5900;
	s29 =	simm.s32 $0x6100;
	s30 =	simm.s32 $0x6900  }
0x6: {  	s31 =	simm.s32 $0x7100;
	s12 =	simm.s32 $0x9100;
	s9 =	simm.s32 $0x9900  }
0x7: {  	s10 =	simm.s32 $0xA100;
	s11 =	simm.s32 $0xB100;
	s14 =	simm.s32 $0xB900  }
0x8: {  	s15 =	simm.s32 $0xC100;
	s13 =	simm.s32 $0x1;
	s0 =	sand.u32 $0x1, s0  }
0x9: {  	s1 =	sshll.u32 s7, $0x9;
	[smem:$0x7FF] =	sst s3;
	s6 =	sadd.s32 $0x2200, s6  }
0xa: {  	s2 =	sshll.u32 s0, $0x8;
	p1 =	seq.s32 s0, $0x1;
	s8 =	sshll.u32 s0, $0xB  }
0xb: {  	s0 =	ssub.s32 $0x2, s0;
	s2 =	sor.u32 s2, s1;
	s1 =	rddreg [dreg:$0x0]  }
0xc: {  	_ =	strace $0x80000047;
	s21 =	sshrl.u32 s0, $0x1;
	[dreg:$0x8] =	wrdreg s25  }
0xd: {  	[dreg:$0x9] =	wrdreg s26;
	p0 =	seq.s32 s2, $0x0;
	s2 =	sshrl.u32 s2, $0x3  }
0xe: {  	s25 =	simm.s32 $0x4900;
	p0 =	por !p0, !p1;
	s20 =	smul.u32 $0x300, s2  }
0xf: {  	s26 =	simm.s32 $0x5100;
	s2 =	smul.u32 $0x1800, s2;
	p0 =	por !p0, !p0  }
0x10: {  	s0 =	ssub.s32 s0, s21;
	s21 =	simm.s32 $0x2900;
	s5 =	simm.s32 @!p0 $0x0  }
0x11: {  	s22 =	sadd.s32 s6, s20;
	s2 =	sshrl.u32 s2, $0x3;
	s20 =	simm.s32 $0x2100  }
0x12: {  	s5 =	ssub.s32 s7, s5;
	[dreg:$0xa] =	wrdreg s22;
	s23 =	sadd.s32 $0x1800, s22  }
0x13: {  	s2 =	sadd.s32 s6, s2;
	s6 =	sadd.s32 $0x100, s1;
	s7 =	sshll.u32 s5, $0x9  }
0x14: {  	s22 =	simm.s32 $0x3100;
	s5 =	sshll.u32 s5, $0x7;
	s7 =	sand.u32 $0xFFFFF000, s7  }
0x15: {  	[dreg:$0x5] =	wrdreg s23;
	s5 =	sand.u32 $0x380, s5;
	s7 =	sor.u32 s8, s7  }
0x16: {  	s24 =	sadd.s32 $0x3000, s2;
	s2 =	sadd.s32 $0x4800, s2;
	s5 =	sor.u32 s5, s7  }
0x17: {  	v2 =	vlaneseq.u32;
	s23 =	simm.s32 $0x3900;
	[dreg:$0x6] =	wrdreg s24;
	s5 =	sshrl.u32 s5, $0x3  }
0x18: {  	vm0 =	vmmov $0xffff;
	v1 =	vshrl.u32 v2, $0x3;
	[dreg:$0x7] =	wrdreg s2;
	s24 =	simm.s32 $0x4100;
	s4 =	sadd.s32 s4, s5  }
0x19: {  	v0 =	vand.u32 $0x7, v2;
	v2 =	vor.u32 $0x8, v2;
	v1 =	vmul.u32 $0x8, v1;
	s7 =	sadd.s32 $0x200, s1;
	s5 =	smax.u32 s0, $0x1;
	[dreg:$0x4] =	wrdreg s4  }
.LBB2_1:
0x1a: {  	s16 =	rddreg [dreg:$0x4]  }
0x1b: {  	s17 =	rddreg [dreg:$0x8]  }
0x1c: {  	s18 =	rddreg [dreg:$0x9];
	s0 =	simm.s32 $0x5  }
0x1d: {  	[tilespmem:s3], [sflag:$0x5] =	stream.strided.gather [hbm4b:s16+s17], $0x100, s18, s17, $0x38;
	[tilespmem:$0x18100] =	vst v63  }
0x1e: {  	_ =	swait.ge [sflag:s0], $0x100  }
0x1f: {  	[sflag:s0] =	ssyncset.done $0x0  }
0x20: {  	[sflag:s0] =	ssyncadd.s32 $0xFFFFFF00  }
0x21: {  	v3 =	vld [tilespmem:$0x0];
	_ =	sdelay $0x4  }
0x22: {  	v4 =	vshrl.u32 v3, $0x3  }
0x23: {  	v4 =	vmul.u32 $0x30, v4  }
0x24: {  	v3 =	vand.u32 $0x7, v3  }
0x25: {  	v3 =	vor.u32 v3, v4  }
0x26: {  	v4 =	vperm.xlane v3, v0;
	_ =	sdelay $0x1  }
0x27: {  	v4 =	vadd.s32 v1, v4;
	_ =	sdelay $0x3  }
0x28: {  	s2 =	simm.s32 $0x100;
	v3 =	vperm.xlane v3, v2  }
0x29: {  	[tilespmem:s2], [sflag:$0x1] =	stream.indirect_vreg.gather [hbm4b:s1+s3], $0x80, v4, vm0, $0xb8;
	[tilespmem:$0x18100] =	vst v63  }
0x2a: {  	s17 =	simm.s32 $0x900;
	v3 =	vadd.s32 v1, v3  }
0x2b: {  	[tilespmem:s17], [sflag:$0x1] =	stream.indirect_vreg.gather [hbm4b:s6+s3], $0x80, v4, vm0, $0xb8;
	[tilespmem:$0x18100] =	vst v63  }
0x2c: {  	s18 =	simm.s32 $0x1100  }
0x2d: {  	[tilespmem:s18], [sflag:$0x1] =	stream.indirect_vreg.gather [hbm4b:s7+s3], $0x80, v4, vm0, $0xb8;
	[tilespmem:$0x18100] =	vst v63  }
0x2e: {  	_ = 	snop  }
0x2f: {  	[tilespmem:s19], [sflag:$0x1] =	stream.indirect_vreg.gather [hbm4b:s1+s3], $0x80, v3, vm0, $0xb8;
	[tilespmem:$0x18100] =	vst v63  }
0x30: {  	_ = 	snop  }
0x31: {  	[tilespmem:s20], [sflag:$0x1] =	stream.indirect_vreg.gather [hbm4b:s6+s3], $0x80, v3, vm0, $0xb8;
	[tilespmem:$0x18100] =	vst v63  }
0x32: {  	_ = 	snop  }
0x33: {  	[tilespmem:s21], [sflag:$0x1] =	stream.indirect_vreg.gather [hbm4b:s7+s3], $0x80, v3, vm0, $0xb8;
	[tilespmem:$0x18100] =	vst v63  }
0x34: {  	v3 =	vld [tilespmem:$0x10];
	_ =	sdelay $0x4  }
0x35: {  	v49 =	vshrl.u32 v3, $0x3  }
0x36: {  	v4 =	vmul.u32 $0x30, v49  }
0x37: {  	v3 =	vand.u32 $0x7, v3  }
0x38: {  	v3 =	vor.u32 v3, v4  }
0x39: {  	v4 =	vperm.xlane v3, v0;
	_ =	sdelay $0x1  }
0x3a: {  	v4 =	vadd.s32 v1, v4;
	_ =	sdelay $0x3  }
0x3b: {  	v3 =	vperm.xlane v3, v2  }
0x3c: {  	[tilespmem:s22], [sflag:$0x1] =	stream.indirect_vreg.gather [hbm4b:s1+s3], $0x80, v4, vm0, $0xb8;
	[tilespmem:$0x18100] =	vst v63  }
0x3d: {  	v3 =	vadd.s32 v1, v3  }
0x3e: {  	[tilespmem:s23], [sflag:$0x1] =	stream.indirect_vreg.gather [hbm4b:s6+s3], $0x80, v4, vm0, $0xb8;
	[tilespmem:$0x18100] =	vst v63  }
0x3f: {  	_ = 	snop  }
0x40: {  	[tilespmem:s24], [sflag:$0x1] =	stream.indirect_vreg.gather [hbm4b:s7+s3], $0x80, v4, vm0, $0xb8;
	[tilespmem:$0x18100] =	vst v63  }
0x41: {  	_ = 	snop  }
0x42: {  	[tilespmem:s25], [sflag:$0x1] =	stream.indirect_vreg.gather [hbm4b:s1+s3], $0x80, v3, vm0, $0xb8;
	[tilespmem:$0x18100] =	vst v63  }
0x43: {  	_ = 	snop  }
0x44: {  	[tilespmem:s26], [sflag:$0x1] =	stream.indirect_vreg.gather [hbm4b:s6+s3], $0x80, v3, vm0, $0xb8;
	[tilespmem:$0x18100] =	vst v63  }
0x45: {  	_ = 	snop  }
0x46: {  	[tilespmem:s28], [sflag:$0x1] =	stream.indirect_vreg.gather [hbm4b:s7+s3], $0x80, v3, vm0, $0xb8;
	[tilespmem:$0x18100] =	vst v63  }
0x47: {  	v3 =	vld [tilespmem:$0x20];
	_ =	sdelay $0x4  }
0x48: {  	v50 =	vshrl.u32 v3, $0x3  }
0x49: {  	v4 =	vmul.u32 $0x30, v50  }
0x4a: {  	v3 =	vand.u32 $0x7, v3  }
0x4b: {  	v3 =	vor.u32 v3, v4  }
0x4c: {  	v4 =	vperm.xlane v3, v0;
	_ =	sdelay $0x1  }
0x4d: {  	v4 =	vadd.s32 v1, v4;
	_ =	sdelay $0x3  }
0x4e: {  	v3 =	vperm.xlane v3, v2  }
0x4f: {  	[tilespmem:s29], [sflag:$0x1] =	stream.indirect_vreg.gather [hbm4b:s1+s3], $0x80, v4, vm0, $0xb8;
	[tilespmem:$0x18100] =	vst v63  }
0x50: {  	v3 =	vadd.s32 v1, v3  }
0x51: {  	[tilespmem:s30], [sflag:$0x1] =	stream.indirect_vreg.gather [hbm4b:s6+s3], $0x80, v4, vm0, $0xb8;
	[tilespmem:$0x18100] =	vst v63  }
0x52: {  	_ = 	snop  }
0x53: {  	[tilespmem:s31], [sflag:$0x1] =	stream.indirect_vreg.gather [hbm4b:s7+s3], $0x80, v4, vm0, $0xb8;
	[tilespmem:$0x18100] =	vst v63  }
0x54: {  	s2 =	simm.s32 $0x7900  }
0x55: {  	[tilespmem:s2], [sflag:$0x1] =	stream.indirect_vreg.gather [hbm4b:s1+s3], $0x80, v3, vm0, $0xb8;
	[tilespmem:$0x18100] =	vst v63  }
0x56: {  	s4 =	simm.s32 $0x8100  }
0x57: {  	[tilespmem:s4], [sflag:$0x1] =	stream.indirect_vreg.gather [hbm4b:s6+s3], $0x80, v3, vm0, $0xb8;
	[tilespmem:$0x18100] =	vst v63  }
0x58: {  	s4 =	simm.s32 $0x8900  }
0x59: {  	[tilespmem:s4], [sflag:$0x1] =	stream.indirect_vreg.gather [hbm4b:s7+s3], $0x80, v3, vm0, $0xb8;
	[tilespmem:$0x18100] =	vst v63  }
0x5a: {  	v3 =	vld [tilespmem:$0x30];
	_ =	sdelay $0x4  }
0x5b: {  	v51 =	vshrl.u32 v3, $0x3  }
0x5c: {  	v4 =	vmul.u32 $0x30, v51  }
0x5d: {  	v3 =	vand.u32 $0x7, v3  }
0x5e: {  	v3 =	vor.u32 v3, v4  }
0x5f: {  	v4 =	vperm.xlane v3, v0;
	_ =	sdelay $0x1  }
0x60: {  	v4 =	vadd.s32 v1, v4;
	_ =	sdelay $0x3  }
0x61: {  	v3 =	vperm.xlane v3, v2  }
0x62: {  	[tilespmem:s12], [sflag:$0x1] =	stream.indirect_vreg.gather [hbm4b:s1+s3], $0x80, v4, vm0, $0xb8;
	[tilespmem:$0x18100] =	vst v63  }
0x63: {  	v3 =	vadd.s32 v1, v3  }
0x64: {  	[tilespmem:s9], [sflag:$0x1] =	stream.indirect_vreg.gather [hbm4b:s6+s3], $0x80, v4, vm0, $0xb8;
	[tilespmem:$0x18100] =	vst v63  }
0x65: {  	_ = 	snop  }
0x66: {  	[tilespmem:s10], [sflag:$0x1] =	stream.indirect_vreg.gather [hbm4b:s7+s3], $0x80, v4, vm0, $0xb8;
	[tilespmem:$0x18100] =	vst v63  }
0x67: {  	s8 =	simm.s32 $0xA900  }
0x68: {  	[tilespmem:s8], [sflag:$0x1] =	stream.indirect_vreg.gather [hbm4b:s1+s3], $0x80, v3, vm0, $0xb8;
	[tilespmem:$0x18100] =	vst v63  }
0x69: {  	_ = 	snop  }
0x6a: {  	[tilespmem:s11], [sflag:$0x1] =	stream.indirect_vreg.gather [hbm4b:s6+s3], $0x80, v3, vm0, $0xb8;
	[tilespmem:$0x18100] =	vst v63  }
0x6b: {  	_ = 	snop  }
0x6c: {  	[tilespmem:s14], [sflag:$0x1] =	stream.indirect_vreg.gather [hbm4b:s7+s3], $0x80, v3, vm0, $0xb8;
	[tilespmem:$0x18100] =	vst v63  }
0x6d: {  	v3 =	vld [tilespmem:$0x40];
	_ =	sdelay $0x4  }
0x6e: {  	v52 =	vshrl.u32 v3, $0x3  }
0x6f: {  	v4 =	vmul.u32 $0x30, v52  }
0x70: {  	v3 =	vand.u32 $0x7, v3  }
0x71: {  	v3 =	vor.u32 v3, v4  }
0x72: {  	v4 =	vperm.xlane v3, v0;
	_ =	sdelay $0x1  }
0x73: {  	v4 =	vadd.s32 v1, v4;
	_ =	sdelay $0x3  }
0x74: {  	v3 =	vperm.xlane v3, v2  }
0x75: {  	[tilespmem:s15], [sflag:$0x2] =	stream.indirect_vreg.gather [hbm4b:s1+s3], $0x80, v4, vm0, $0xb8;
	[tilespmem:$0x18100] =	vst v63  }
0x76: {  	s16 =	simm.s32 $0xC900;
	v3 =	vadd.s32 v1, v3  }
0x77: {  	[tilespmem:s16], [sflag:$0x2] =	stream.indirect_vreg.gather [hbm4b:s6+s3], $0x80, v4, vm0, $0xb8;
	[tilespmem:$0x18100] =	vst v63  }
0x78: {  	s8 =	simm.s32 $0xD100  }
0x79: {  	[tilespmem:s8], [sflag:$0x2] =	stream.indirect_vreg.gather [hbm4b:s7+s3], $0x80, v4, vm0, $0xb8;
	[tilespmem:$0x18100] =	vst v63  }
0x7a: {  	s16 =	simm.s32 $0xD900  }
0x7b: {  	[tilespmem:s16], [sflag:$0x2] =	stream.indirect_vreg.gather [hbm4b:s1+s3], $0x80, v3, vm0, $0xb8;
	[tilespmem:$0x18100] =	vst v63  }
0x7c: {  	s8 =	simm.s32 $0xE100  }
0x7d: {  	[tilespmem:s8], [sflag:$0x2] =	stream.indirect_vreg.gather [hbm4b:s6+s3], $0x80, v3, vm0, $0xb8;
	[tilespmem:$0x18100] =	vst v63  }
0x7e: {  	s16 =	simm.s32 $0xE900  }
0x7f: {  	[tilespmem:s16], [sflag:$0x2] =	stream.indirect_vreg.gather [hbm4b:s7+s3], $0x80, v3, vm0, $0xb8;
	[tilespmem:$0x18100] =	vst v63  }
0x80: {  	v3 =	vld [tilespmem:$0x50];
	_ =	sdelay $0x4  }
0x81: {  	v53 =	vshrl.u32 v3, $0x3  }
0x82: {  	v4 =	vmul.u32 $0x30, v53  }
0x83: {  	v3 =	vand.u32 $0x7, v3  }
0x84: {  	v3 =	vor.u32 v3, v4  }
0x85: {  	v4 =	vperm.xlane v3, v0;
	_ =	sdelay $0x1  }
0x86: {  	v4 =	vadd.s32 v1, v4;
	_ =	sdelay $0x3  }
0x87: {  	s8 =	simm.s32 $0xF100;
	v3 =	vperm.xlane v3, v2  }
0x88: {  	[tilespmem:s8], [sflag:$0x2] =	stream.indirect_vreg.gather [hbm4b:s1+s3], $0x80, v4, vm0, $0xb8;
	[tilespmem:$0x18100] =	vst v63  }
0x89: {  	s16 =	simm.s32 $0xF900;
	v3 =	vadd.s32 v1, v3  }
0x8a: {  	[tilespmem:s16], [sflag:$0x2] =	stream.indirect_vreg.gather [hbm4b:s6+s3], $0x80, v4, vm0, $0xb8;
	[tilespmem:$0x18100] =	vst v63  }
0x8b: {  	s8 =	simm.s32 $0x10100  }
0x8c: {  	[tilespmem:s8], [sflag:$0x2] =	stream.indirect_vreg.gather [hbm4b:s7+s3], $0x80, v4, vm0, $0xb8;
	[tilespmem:$0x18100] =	vst v63  }
0x8d: {  	s16 =	simm.s32 $0x10900  }
0x8e: {  	[tilespmem:s16], [sflag:$0x2] =	stream.indirect_vreg.gather [hbm4b:s1+s3], $0x80, v3, vm0, $0xb8;
	[tilespmem:$0x18100] =	vst v63  }
0x8f: {  	s8 =	simm.s32 $0x11100  }
0x90: {  	[tilespmem:s8], [sflag:$0x2] =	stream.indirect_vreg.gather [hbm4b:s6+s3], $0x80, v3, vm0, $0xb8;
	[tilespmem:$0x18100] =	vst v63  }
0x91: {  	s16 =	simm.s32 $0x11900  }
0x92: {  	[tilespmem:s16], [sflag:$0x2] =	stream.indirect_vreg.gather [hbm4b:s7+s3], $0x80, v3, vm0, $0xb8;
	[tilespmem:$0x18100] =	vst v63  }
0x93: {  	v3 =	vld [tilespmem:$0x60];
	_ =	sdelay $0x4  }
0x94: {  	v54 =	vshrl.u32 v3, $0x3  }
0x95: {  	v4 =	vmul.u32 $0x30, v54  }
0x96: {  	v3 =	vand.u32 $0x7, v3  }
0x97: {  	v3 =	vor.u32 v3, v4  }
0x98: {  	v4 =	vperm.xlane v3, v0;
	_ =	sdelay $0x1  }
0x99: {  	v4 =	vadd.s32 v1, v4;
	_ =	sdelay $0x3  }
0x9a: {  	s8 =	simm.s32 $0x12100;
	v3 =	vperm.xlane v3, v2  }
0x9b: {  	[tilespmem:s8], [sflag:$0x2] =	stream.indirect_vreg.gather [hbm4b:s1+s3], $0x80, v4, vm0, $0xb8;
	[tilespmem:$0x18100] =	vst v63  }
0x9c: {  	s16 =	simm.s32 $0x12900;
	v3 =	vadd.s32 v1, v3  }
0x9d: {  	[tilespmem:s16], [sflag:$0x2] =	stream.indirect_vreg.gather [hbm4b:s6+s3], $0x80, v4, vm0, $0xb8;
	[tilespmem:$0x18100] =	vst v63  }
0x9e: {  	s8 =	simm.s32 $0x13100  }
0x9f: {  	[tilespmem:s8], [sflag:$0x2] =	stream.indirect_vreg.gather [hbm4b:s7+s3], $0x80, v4, vm0, $0xb8;
	[tilespmem:$0x18100] =	vst v63  }
0xa0: {  	s16 =	simm.s32 $0x13900  }
0xa1: {  	[tilespmem:s16], [sflag:$0x2] =	stream.indirect_vreg.gather [hbm4b:s1+s3], $0x80, v3, vm0, $0xb8;
	[tilespmem:$0x18100] =	vst v63  }
0xa2: {  	s8 =	simm.s32 $0x14100  }
0xa3: {  	[tilespmem:s8], [sflag:$0x2] =	stream.indirect_vreg.gather [hbm4b:s6+s3], $0x80, v3, vm0, $0xb8;
	[tilespmem:$0x18100] =	vst v63  }
0xa4: {  	s16 =	simm.s32 $0x14900  }
0xa5: {  	[tilespmem:s16], [sflag:$0x2] =	stream.indirect_vreg.gather [hbm4b:s7+s3], $0x80, v3, vm0, $0xb8;
	[tilespmem:$0x18100] =	vst v63  }
0xa6: {  	v3 =	vld [tilespmem:$0x70];
	_ =	sdelay $0x4  }
0xa7: {  	v55 =	vshrl.u32 v3, $0x3  }
0xa8: {  	v4 =	vmul.u32 $0x30, v55  }
0xa9: {  	v3 =	vand.u32 $0x7, v3  }
0xaa: {  	v3 =	vor.u32 v3, v4  }
0xab: {  	v4 =	vperm.xlane v3, v0;
	_ =	sdelay $0x1  }
0xac: {  	v4 =	vadd.s32 v1, v4;
	_ =	sdelay $0x3  }
0xad: {  	s8 =	simm.s32 $0x15100;
	v3 =	vperm.xlane v3, v2  }
0xae: {  	[tilespmem:s8], [sflag:$0x2] =	stream.indirect_vreg.gather [hbm4b:s1+s3], $0x80, v4, vm0, $0xb8;
	[tilespmem:$0x18100] =	vst v63  }
0xaf: {  	s16 =	simm.s32 $0x15900;
	v3 =	vadd.s32 v1, v3  }
0xb0: {  	[tilespmem:s16], [sflag:$0x2] =	stream.indirect_vreg.gather [hbm4b:s6+s3], $0x80, v4, vm0, $0xb8;
	[tilespmem:$0x18100] =	vst v63  }
0xb1: {  	s8 =	simm.s32 $0x16100  }
0xb2: {  	[tilespmem:s8], [sflag:$0x2] =	stream.indirect_vreg.gather [hbm4b:s7+s3], $0x80, v4, vm0, $0xb8;
	[tilespmem:$0x18100] =	vst v63  }
0xb3: {  	s16 =	simm.s32 $0x16900  }
0xb4: {  	[tilespmem:s16], [sflag:$0x2] =	stream.indirect_vreg.gather [hbm4b:s1+s3], $0x80, v3, vm0, $0xb8;
	[tilespmem:$0x18100] =	vst v63  }
0xb5: {  	s8 =	simm.s32 $0x17100  }
0xb6: {  	[tilespmem:s8], [sflag:$0x2] =	stream.indirect_vreg.gather [hbm4b:s6+s3], $0x80, v3, vm0, $0xb8;
	[tilespmem:$0x18100] =	vst v63  }
0xb7: {  	s16 =	simm.s32 $0x17900  }
0xb8: {  	[tilespmem:s16], [sflag:$0x2] =	stream.indirect_vreg.gather [hbm4b:s7+s3], $0x80, v3, vm0, $0xb8;
	[tilespmem:$0x18100] =	vst v63  }
0xb9: {  	_ =	swait.ge [sflag:s13], $0xC000  }
0xba: {  	[sflag:s13] =	ssyncset.done $0x0  }
0xbb: {  	s8 =	simm.s32 $0x100;
	s0 =	rddreg [dreg:$0xa];
	[sflag:s13] =	ssyncadd.s32 $0xFFFF4000  }
0xbc: {  	[hbm4b:s0+s3] =	stream.linear.scatter [tilespmem:s8], [sflag:$0x3], $0xC000, $0x38;
	[tilespmem:$0x18100] =	vst v63  }
0xbd: {  	s0 =	simm.s32 $0x3  }
0xbe: {  	_ =	swait.ge [sflag:s0], $0xC000  }
0xbf: {  	[sflag:s0] =	ssyncset.done $0x0  }
0xc0: {  	[sflag:s0] =	ssyncadd.s32 $0xFFFF4000  }
0xc1: {  	v3 =	vld [tilespmem:$0x80];
	_ =	sdelay $0x4  }
0xc2: {  	v56 =	vshrl.u32 v3, $0x3  }
0xc3: {  	v4 =	vmul.u32 $0x30, v56  }
0xc4: {  	v3 =	vand.u32 $0x7, v3  }
0xc5: {  	v3 =	vor.u32 v3, v4  }
0xc6: {  	v4 =	vperm.xlane v3, v0;
	_ =	sdelay $0x1  }
0xc7: {  	v4 =	vadd.s32 v1, v4;
	_ =	sdelay $0x3  }
0xc8: {  	v3 =	vperm.xlane v3, v2  }
0xc9: {  	[tilespmem:s8], [sflag:$0x1] =	stream.indirect_vreg.gather [hbm4b:s1+s3], $0x80, v4, vm0, $0xb8;
	[tilespmem:$0x18100] =	vst v63  }
0xca: {  	v3 =	vadd.s32 v1, v3  }
0xcb: {  	[tilespmem:s17], [sflag:$0x1] =	stream.indirect_vreg.gather [hbm4b:s6+s3], $0x80, v4, vm0, $0xb8;
	[tilespmem:$0x18100] =	vst v63  }
0xcc: {  	_ = 	snop  }
0xcd: {  	[tilespmem:s18], [sflag:$0x1] =	stream.indirect_vreg.gather [hbm4b:s7+s3], $0x80, v4, vm0, $0xb8;
	[tilespmem:$0x18100] =	vst v63  }
0xce: {  	_ = 	snop  }
0xcf: {  	[tilespmem:s19], [sflag:$0x1] =	stream.indirect_vreg.gather [hbm4b:s1+s3], $0x80, v3, vm0, $0xb8;
	[tilespmem:$0x18100] =	vst v63  }
0xd0: {  	_ = 	snop  }
0xd1: {  	[tilespmem:s20], [sflag:$0x1] =	stream.indirect_vreg.gather [hbm4b:s6+s3], $0x80, v3, vm0, $0xb8;
	[tilespmem:$0x18100] =	vst v63  }
0xd2: {  	_ = 	snop  }
0xd3: {  	[tilespmem:s21], [sflag:$0x1] =	stream.indirect_vreg.gather [hbm4b:s7+s3], $0x80, v3, vm0, $0xb8;
	[tilespmem:$0x18100] =	vst v63  }
0xd4: {  	v3 =	vld [tilespmem:$0x90];
	_ =	sdelay $0x4  }
0xd5: {  	v57 =	vshrl.u32 v3, $0x3  }
0xd6: {  	v4 =	vmul.u32 $0x30, v57  }
0xd7: {  	v3 =	vand.u32 $0x7, v3  }
0xd8: {  	v3 =	vor.u32 v3, v4  }
0xd9: {  	v4 =	vperm.xlane v3, v0;
	_ =	sdelay $0x1  }
0xda: {  	v4 =	vadd.s32 v1, v4;
	_ =	sdelay $0x3  }
0xdb: {  	v3 =	vperm.xlane v3, v2  }
0xdc: {  	[tilespmem:s22], [sflag:$0x1] =	stream.indirect_vreg.gather [hbm4b:s1+s3], $0x80, v4, vm0, $0xb8;
	[tilespmem:$0x18100] =	vst v63  }
0xdd: {  	v3 =	vadd.s32 v1, v3  }
0xde: {  	[tilespmem:s23], [sflag:$0x1] =	stream.indirect_vreg.gather [hbm4b:s6+s3], $0x80, v4, vm0, $0xb8;
	[tilespmem:$0x18100] =	vst v63  }
0xdf: {  	_ = 	snop  }
0xe0: {  	[tilespmem:s24], [sflag:$0x1] =	stream.indirect_vreg.gather [hbm4b:s7+s3], $0x80, v4, vm0, $0xb8;
	[tilespmem:$0x18100] =	vst v63  }
0xe1: {  	_ = 	snop  }
0xe2: {  	[tilespmem:s25], [sflag:$0x1] =	stream.indirect_vreg.gather [hbm4b:s1+s3], $0x80, v3, vm0, $0xb8;
	[tilespmem:$0x18100] =	vst v63  }
0xe3: {  	_ = 	snop  }
0xe4: {  	[tilespmem:s26], [sflag:$0x1] =	stream.indirect_vreg.gather [hbm4b:s6+s3], $0x80, v3, vm0, $0xb8;
	[tilespmem:$0x18100] =	vst v63  }
0xe5: {  	_ = 	snop  }
0xe6: {  	[tilespmem:s28], [sflag:$0x1] =	stream.indirect_vreg.gather [hbm4b:s7+s3], $0x80, v3, vm0, $0xb8;
	[tilespmem:$0x18100] =	vst v63  }
0xe7: {  	v3 =	vld [tilespmem:$0xA0];
	_ =	sdelay $0x4  }
0xe8: {  	v58 =	vshrl.u32 v3, $0x3  }
0xe9: {  	v4 =	vmul.u32 $0x30, v58  }
0xea: {  	v3 =	vand.u32 $0x7, v3  }
0xeb: {  	v3 =	vor.u32 v3, v4  }
0xec: {  	v4 =	vperm.xlane v3, v0;
	_ =	sdelay $0x1  }
0xed: {  	v4 =	vadd.s32 v1, v4;
	_ =	sdelay $0x3  }
0xee: {  	v3 =	vperm.xlane v3, v2  }
0xef: {  	[tilespmem:s29], [sflag:$0x1] =	stream.indirect_vreg.gather [hbm4b:s1+s3], $0x80, v4, vm0, $0xb8;
	[tilespmem:$0x18100] =	vst v63  }
0xf0: {  	v3 =	vadd.s32 v1, v3  }
0xf1: {  	[tilespmem:s30], [sflag:$0x1] =	stream.indirect_vreg.gather [hbm4b:s6+s3], $0x80, v4, vm0, $0xb8;
	[tilespmem:$0x18100] =	vst v63  }
0xf2: {  	_ = 	snop  }
0xf3: {  	[tilespmem:s31], [sflag:$0x1] =	stream.indirect_vreg.gather [hbm4b:s7+s3], $0x80, v4, vm0, $0xb8;
	[tilespmem:$0x18100] =	vst v63  }
0xf4: {  	_ = 	snop  }
0xf5: {  	[tilespmem:s2], [sflag:$0x1] =	stream.indirect_vreg.gather [hbm4b:s1+s3], $0x80, v3, vm0, $0xb8;
	[tilespmem:$0x18100] =	vst v63  }
0xf6: {  	s18 =	simm.s32 $0x8100  }
0xf7: {  	[tilespmem:s18], [sflag:$0x1] =	stream.indirect_vreg.gather [hbm4b:s6+s3], $0x80, v3, vm0, $0xb8;
	[tilespmem:$0x18100] =	vst v63  }
0xf8: {  	_ = 	snop  }
0xf9: {  	[tilespmem:s4], [sflag:$0x1] =	stream.indirect_vreg.gather [hbm4b:s7+s3], $0x80, v3, vm0, $0xb8;
	[tilespmem:$0x18100] =	vst v63  }
0xfa: {  	v3 =	vld [tilespmem:$0xB0];
	_ =	sdelay $0x4  }
0xfb: {  	v59 =	vshrl.u32 v3, $0x3  }
0xfc: {  	v4 =	vmul.u32 $0x30, v59  }
0xfd: {  	v3 =	vand.u32 $0x7, v3  }
0xfe: {  	v3 =	vor.u32 v3, v4  }
0xff: {  	v4 =	vperm.xlane v3, v0;
	_ =	sdelay $0x1  }
0x100: {  	v4 =	vadd.s32 v1, v4;
	_ =	sdelay $0x3  }
0x101: {  	v3 =	vperm.xlane v3, v2  }
0x102: {  	[tilespmem:s12], [sflag:$0x1] =	stream.indirect_vreg.gather [hbm4b:s1+s3], $0x80, v4, vm0, $0xb8;
	[tilespmem:$0x18100] =	vst v63  }
0x103: {  	v3 =	vadd.s32 v1, v3  }
0x104: {  	[tilespmem:s9], [sflag:$0x1] =	stream.indirect_vreg.gather [hbm4b:s6+s3], $0x80, v4, vm0, $0xb8;
	[tilespmem:$0x18100] =	vst v63  }
0x105: {  	_ = 	snop  }
0x106: {  	[tilespmem:s10], [sflag:$0x1] =	stream.indirect_vreg.gather [hbm4b:s7+s3], $0x80, v4, vm0, $0xb8;
	[tilespmem:$0x18100] =	vst v63  }
0x107: {  	s4 =	simm.s32 $0xA900  }
0x108: {  	[tilespmem:s4], [sflag:$0x1] =	stream.indirect_vreg.gather [hbm4b:s1+s3], $0x80, v3, vm0, $0xb8;
	[tilespmem:$0x18100] =	vst v63  }
0x109: {  	_ = 	snop  }
0x10a: {  	[tilespmem:s11], [sflag:$0x1] =	stream.indirect_vreg.gather [hbm4b:s6+s3], $0x80, v3, vm0, $0xb8;
	[tilespmem:$0x18100] =	vst v63  }
0x10b: {  	s2 =	simm.s32 $0x2  }
0x10c: {  	[tilespmem:s14], [sflag:$0x1] =	stream.indirect_vreg.gather [hbm4b:s7+s3], $0x80, v3, vm0, $0xb8;
	[tilespmem:$0x18100] =	vst v63  }
0x10d: {  	_ =	swait.ge [sflag:s2], $0xC000  }
0x10e: {  	[sflag:s2] =	ssyncset.done $0x0  }
0x10f: {  	s4 =	simm.s32 $0x4;
	s8 =	rddreg [dreg:$0x5];
	[sflag:s2] =	ssyncadd.s32 $0xFFFF4000  }
0x110: {  	[hbm4b:s8+s3] =	stream.linear.scatter [tilespmem:s15], [sflag:$0x4], $0xC000, $0x38;
	[tilespmem:$0x18100] =	vst v63  }
0x111: {  	_ =	swait.ge [sflag:s4], $0xC000  }
0x112: {  	[sflag:s4] =	ssyncset.done $0x0  }
0x113: {  	[sflag:s4] =	ssyncadd.s32 $0xFFFF4000  }
0x114: {  	v3 =	vld [tilespmem:$0xC0];
	_ =	sdelay $0x4  }
0x115: {  	v60 =	vshrl.u32 v3, $0x3  }
0x116: {  	v4 =	vmul.u32 $0x30, v60  }
0x117: {  	v3 =	vand.u32 $0x7, v3  }
0x118: {  	v3 =	vor.u32 v3, v4  }
0x119: {  	v4 =	vperm.xlane v3, v0;
	_ =	sdelay $0x1  }
0x11a: {  	v4 =	vadd.s32 v1, v4;
	_ =	sdelay $0x3  }
0x11b: {  	v3 =	vperm.xlane v3, v2  }
0x11c: {  	[tilespmem:s15], [sflag:$0x2] =	stream.indirect_vreg.gather [hbm4b:s1+s3], $0x80, v4, vm0, $0xb8;
	[tilespmem:$0x18100] =	vst v63  }
0x11d: {  	s17 =	simm.s32 $0xC900;
	v3 =	vadd.s32 v1, v3  }
0x11e: {  	[tilespmem:s17], [sflag:$0x2] =	stream.indirect_vreg.gather [hbm4b:s6+s3], $0x80, v4, vm0, $0xb8;
	[tilespmem:$0x18100] =	vst v63  }
0x11f: {  	s18 =	simm.s32 $0xD100  }
0x120: {  	[tilespmem:s18], [sflag:$0x2] =	stream.indirect_vreg.gather [hbm4b:s7+s3], $0x80, v4, vm0, $0xb8;
	[tilespmem:$0x18100] =	vst v63  }
0x121: {  	s16 =	simm.s32 $0xD900  }
0x122: {  	[tilespmem:s16], [sflag:$0x2] =	stream.indirect_vreg.gather [hbm4b:s1+s3], $0x80, v3, vm0, $0xb8;
	[tilespmem:$0x18100] =	vst v63  }
0x123: {  	s17 =	simm.s32 $0xE100  }
0x124: {  	[tilespmem:s17], [sflag:$0x2] =	stream.indirect_vreg.gather [hbm4b:s6+s3], $0x80, v3, vm0, $0xb8;
	[tilespmem:$0x18100] =	vst v63  }
0x125: {  	s18 =	simm.s32 $0xE900  }
0x126: {  	[tilespmem:s18], [sflag:$0x2] =	stream.indirect_vreg.gather [hbm4b:s7+s3], $0x80, v3, vm0, $0xb8;
	[tilespmem:$0x18100] =	vst v63  }
0x127: {  	v3 =	vld [tilespmem:$0xD0];
	_ =	sdelay $0x4  }
0x128: {  	v61 =	vshrl.u32 v3, $0x3  }
0x129: {  	v4 =	vmul.u32 $0x30, v61  }
0x12a: {  	v3 =	vand.u32 $0x7, v3  }
0x12b: {  	v3 =	vor.u32 v3, v4  }
0x12c: {  	v4 =	vperm.xlane v3, v0;
	_ =	sdelay $0x1  }
0x12d: {  	v4 =	vadd.s32 v1, v4;
	_ =	sdelay $0x3  }
0x12e: {  	s16 =	simm.s32 $0xF100;
	v3 =	vperm.xlane v3, v2  }
0x12f: {  	[tilespmem:s16], [sflag:$0x2] =	stream.indirect_vreg.gather [hbm4b:s1+s3], $0x80, v4, vm0, $0xb8;
	[tilespmem:$0x18100] =	vst v63  }
0x130: {  	s17 =	simm.s32 $0xF900;
	v3 =	vadd.s32 v1, v3  }
0x131: {  	[tilespmem:s17], [sflag:$0x2] =	stream.indirect_vreg.gather [hbm4b:s6+s3], $0x80, v4, vm0, $0xb8;
	[tilespmem:$0x18100] =	vst v63  }
0x132: {  	s18 =	simm.s32 $0x10100  }
0x133: {  	[tilespmem:s18], [sflag:$0x2] =	stream.indirect_vreg.gather [hbm4b:s7+s3], $0x80, v4, vm0, $0xb8;
	[tilespmem:$0x18100] =	vst v63  }
0x134: {  	s16 =	simm.s32 $0x10900  }
0x135: {  	[tilespmem:s16], [sflag:$0x2] =	stream.indirect_vreg.gather [hbm4b:s1+s3], $0x80, v3, vm0, $0xb8;
	[tilespmem:$0x18100] =	vst v63  }
0x136: {  	s17 =	simm.s32 $0x11100  }
0x137: {  	[tilespmem:s17], [sflag:$0x2] =	stream.indirect_vreg.gather [hbm4b:s6+s3], $0x80, v3, vm0, $0xb8;
	[tilespmem:$0x18100] =	vst v63  }
0x138: {  	s18 =	simm.s32 $0x11900  }
0x139: {  	[tilespmem:s18], [sflag:$0x2] =	stream.indirect_vreg.gather [hbm4b:s7+s3], $0x80, v3, vm0, $0xb8;
	[tilespmem:$0x18100] =	vst v63  }
0x13a: {  	v3 =	vld [tilespmem:$0xE0];
	_ =	sdelay $0x4  }
0x13b: {  	v62 =	vshrl.u32 v3, $0x3  }
0x13c: {  	v4 =	vmul.u32 $0x30, v62  }
0x13d: {  	v3 =	vand.u32 $0x7, v3  }
0x13e: {  	v3 =	vor.u32 v3, v4  }
0x13f: {  	v4 =	vperm.xlane v3, v0;
	_ =	sdelay $0x1  }
0x140: {  	v4 =	vadd.s32 v1, v4;
	_ =	sdelay $0x3  }
0x141: {  	s16 =	simm.s32 $0x12100;
	v3 =	vperm.xlane v3, v2  }
0x142: {  	[tilespmem:s16], [sflag:$0x2] =	stream.indirect_vreg.gather [hbm4b:s1+s3], $0x80, v4, vm0, $0xb8;
	[tilespmem:$0x18100] =	vst v63  }
0x143: {  	s17 =	simm.s32 $0x12900;
	v3 =	vadd.s32 v1, v3  }
0x144: {  	[tilespmem:s17], [sflag:$0x2] =	stream.indirect_vreg.gather [hbm4b:s6+s3], $0x80, v4, vm0, $0xb8;
	[tilespmem:$0x18100] =	vst v63  }
0x145: {  	s18 =	simm.s32 $0x13100  }
0x146: {  	[tilespmem:s18], [sflag:$0x2] =	stream.indirect_vreg.gather [hbm4b:s7+s3], $0x80, v4, vm0, $0xb8;
	[tilespmem:$0x18100] =	vst v63  }
0x147: {  	s16 =	simm.s32 $0x13900  }
0x148: {  	[tilespmem:s16], [sflag:$0x2] =	stream.indirect_vreg.gather [hbm4b:s1+s3], $0x80, v3, vm0, $0xb8;
	[tilespmem:$0x18100] =	vst v63  }
0x149: {  	s17 =	simm.s32 $0x14100  }
0x14a: {  	[tilespmem:s17], [sflag:$0x2] =	stream.indirect_vreg.gather [hbm4b:s6+s3], $0x80, v3, vm0, $0xb8;
	[tilespmem:$0x18100] =	vst v63  }
0x14b: {  	s18 =	simm.s32 $0x14900  }
0x14c: {  	[tilespmem:s18], [sflag:$0x2] =	stream.indirect_vreg.gather [hbm4b:s7+s3], $0x80, v3, vm0, $0xb8;
	[tilespmem:$0x18100] =	vst v63  }
0x14d: {  	v3 =	vld [tilespmem:$0xF0];
	_ =	sdelay $0x4  }
0x14e: {  	v63 =	vshrl.u32 v3, $0x3  }
0x14f: {  	v4 =	vmul.u32 $0x30, v63  }
0x150: {  	v3 =	vand.u32 $0x7, v3  }
0x151: {  	v3 =	vor.u32 v3, v4  }
0x152: {  	v4 =	vperm.xlane v3, v0;
	_ =	sdelay $0x1  }
0x153: {  	v4 =	vadd.s32 v1, v4;
	_ =	sdelay $0x3  }
0x154: {  	s16 =	simm.s32 $0x15100;
	v3 =	vperm.xlane v3, v2  }
0x155: {  	[tilespmem:s16], [sflag:$0x2] =	stream.indirect_vreg.gather [hbm4b:s1+s3], $0x80, v4, vm0, $0xb8;
	[tilespmem:$0x18100] =	vst v63  }
0x156: {  	s17 =	simm.s32 $0x15900;
	v3 =	vadd.s32 v1, v3  }
0x157: {  	[tilespmem:s17], [sflag:$0x2] =	stream.indirect_vreg.gather [hbm4b:s6+s3], $0x80, v4, vm0, $0xb8;
	[tilespmem:$0x18100] =	vst v63  }
0x158: {  	s18 =	simm.s32 $0x16100  }
0x159: {  	[tilespmem:s18], [sflag:$0x2] =	stream.indirect_vreg.gather [hbm4b:s7+s3], $0x80, v4, vm0, $0xb8;
	[tilespmem:$0x18100] =	vst v63  }
0x15a: {  	s16 =	simm.s32 $0x16900  }
0x15b: {  	[tilespmem:s16], [sflag:$0x2] =	stream.indirect_vreg.gather [hbm4b:s1+s3], $0x80, v3, vm0, $0xb8;
	[tilespmem:$0x18100] =	vst v63  }
0x15c: {  	s17 =	simm.s32 $0x17100  }
0x15d: {  	[tilespmem:s17], [sflag:$0x2] =	stream.indirect_vreg.gather [hbm4b:s6+s3], $0x80, v3, vm0, $0xb8;
	[tilespmem:$0x18100] =	vst v63  }
0x15e: {  	s18 =	simm.s32 $0x17900  }
0x15f: {  	[tilespmem:s18], [sflag:$0x2] =	stream.indirect_vreg.gather [hbm4b:s7+s3], $0x80, v3, vm0, $0xb8;
	[tilespmem:$0x18100] =	vst v63  }
0x160: {  	_ =	swait.ge [sflag:s13], $0xC000  }
0x161: {  	[sflag:s13] =	ssyncset.done $0x0  }
0x162: {  	s17 =	simm.s32 $0x100;
	s8 =	rddreg [dreg:$0x6];
	[sflag:s13] =	ssyncadd.s32 $0xFFFF4000  }
0x163: {  	[hbm4b:s8+s3] =	stream.linear.scatter [tilespmem:s17], [sflag:$0x3], $0xC000, $0x38;
	[tilespmem:$0x18100] =	vst v63  }
0x164: {  	_ =	swait.ge [sflag:s2], $0xC000  }
0x165: {  	[sflag:s2] =	ssyncset.done $0x0  }
0x166: {  	s18 =	rddreg [dreg:$0x7];
	[sflag:s2] =	ssyncadd.s32 $0xFFFF4000  }
0x167: {  	[hbm4b:s18+s3] =	stream.linear.scatter [tilespmem:s15], [sflag:$0x4], $0xC000, $0x38;
	[tilespmem:$0x18100] =	vst v63  }
0x168: {  	p0 =	sne.s32 s5, $0x1;
	_ =	swait.ge [sflag:s0], $0xC000  }
.Ltmp0:
0x169: {  	[sflag:s0] =	ssyncset.done $0x0;
	(pc) =	sbr.rel @p0 .LBB2_1-.Ltmp0, $4  }
0x16a: {  	[sflag:s0] =	ssyncadd.s32 $0xFFFF4000  }
0x16b: {  	_ =	swait.ge [sflag:s4], $0xC000  }
0x16c: {  	[sflag:s4] =	ssyncset.done $0x0  }
0x16d: {  	s5 =	sadd.s32 $0xFFFFFFFF, s5;
	[sflag:s4] =	ssyncadd.s32 $0xFFFF4000  }
0x16e: {  	_ =	sfence.sel $0x180000  }
0x16f: {  	[bflag:$0x0] =	sbarrier.arrive $0xFFFF  }
0x170: {  	_ =	strace $0x90000047  }
0x171: {  	s0 =	stileid.u32;
	[bflag:$0x2] =	sbarrier.arrive $0xFFFF  }
0x172: {  	p0 =	sne.s32 s0, $0x0;
	s0 =	rddreg [dreg:$0x3]  }
0x173: {  	s0 =	sadd.s32 @!p0 $0x100000, s0  }
0x174: {  	[sflag:s0] =	ssyncadd.tile.s32 @!p0 $0x1;
	_ =	shalt  }
.Lfunc_end2:
_tile_overlayer_lowered:
.L_overlay_start_2:
0x175: {  	(tag) =	ssettag $0x2  }
0x176: {  	s0 =	rddreg [dreg:$0x0];
	s2 =	stileid.u32  }
0x177: {  	s1 =	rddreg [dreg:$0x1];
	p0 =	sne.s32 s2, $0x0  }
0x178: {  	s3 =	rddreg [dreg:$0x2];
	[bflag:$0x3] =	sbarrier.arrive $0xFFFF;
	s2 =	simm.s32 @!p0 $0x1C05  }
0x179: {  	[timem:s3], [sflag:s2] =	dma.local @!p0 [hbm:s0], s1  }
0x17a: {  	s0 =	simm.s32 @!p0 $0x5  }
0x17b: {  	_ =	swait.ge @!p0 [sflag:s0], s1  }
0x17c: {  	s1 =	ssub.s32 @!p0 $0x0, s1;
	[sflag:s0] =	ssyncset.done @!p0 $0x0  }
0x17d: {  	[sflag:s0] =	ssyncadd.s32 @!p0 s1  }
0x17e: {  	[bflag:$0x3] =	sbarrier.arrive $0xFFFF  }
0x17f: {  	_ =	shalt  }

// kernel: kernel.13.cloned.1.call-start
scs
__scs_entry_jumppad:
0x0: {  	(pc) =	sbr.rel $0x88, $3  }
0x1: {  	(tag) =	ssettag $0x0;
	lr =	simm.s32 $0x1  }
0x2: {  	[smem:$0x3F9A] =	sst lr;
	_ =	strace $0xD0000000  }
0x3: {  	_ = 	snop  }
0x4: {  	_ = 	snop  }
0x5: {  	_ = 	snop  }
0x6: {  	_ = 	snop  }
0x7: {  	_ = 	snop  }
__scs_overlays_trampoline_lowered:
0x8: {  	[smem:$0x3FA9] =	sst s0  }
0x9: {  	[smem:$0x3FAA] =	sst s1  }
0xa: {  	[smem:$0x3FAB] =	sst s2  }
0xb: {  	[smem:$0x3FAC] =	sst s3  }
0xc: {  	[smem:$0x3FAD] =	sst s4  }
0xd: {  	[smem:$0x3FAE] =	sst s5  }
0xe: {  	[smem:$0x3FAF] =	sst s6  }
0xf: {  	[smem:$0x3FB0] =	sst s7  }
0x10: {  	[smem:$0x3FB1] =	sst s8  }
0x11: {  	[smem:$0x3FB2] =	sst s9;
	s0 =	simm.s32 @!p0 $0x0  }
0x12: {  	s1 =	sld [smem:$0x3F98];
	s0 =	simm.s32 @p0 $0x1  }
0x13: {  	[smem:$0x3FB3] =	sst s0;
	s0 =	simm.s32 @!p1 $0x0  }
0x14: {  	s2 =	sld [smem:$0x3F97];
	s0 =	simm.s32 @p1 $0x1  }
0x15: {  	[smem:$0x3FB4] =	sst s0;
	s0 =	simm.s32 @!p2 $0x0  }
0x16: {  	s3 =	sld [smem:$0x3FDB];
	s0 =	simm.s32 @p2 $0x1  }
0x17: {  	s4 =	simm.s32 $0x1BF5;
	[smem:$0x3FB6] =	sst s0  }
0x18: {  	s0 =	sld [smem:$0x3F99];
	_ =	swait.ge [sflag:s4], $0x0  }
0x19: {  	s7 =	sld [smem:$0x3F9A]  }
0x1a: {  	s8 =	sadd.s32 $0xFFFFE003, lr  }
0x1b: {  	s9 =	sadd.s32 $0xFFFFFEF7, lr;
	s5 =	simm.s32 $0xFFFFFFFF;
	p2 =	slt.u32 s8, $0xFFFFF086  }
0x1c: {  	p1 =	slt.u32 s9, $0xF7A;
	s5 =	simm.s32 @!p2 $0x0  }
0x1d: {  	s5 =	simm.s32 @p1 $0x1;
	p0 =	seq.s32 s7, s2  }
0x1e: {  	s7 =	smul.u32 @!p0 $0xF7A, s2;
	p2 =	seq.s32 @!p0 s5, $0x0  }
0x1f: {  	s9 =	smul.u32 $0xF7A, s1;
	s8 =	simm.s32 @!p0 $0x1BF5;
	p2 =	por !p2, p0  }
0x20: {  	[sflag:s8] =	ssyncset.s32 @!p0 $0xFFFFF086;
	s6 =	sadd.s32 @!p0 s3, s7;
	s7 =	simm.s32 @!p0 $0x108  }
0x21: {  	s3 =	sadd.s32 s3, s9;
	s6 =	sadd.s32 @!p0 $0x88, s6;
	s7 =	simm.s32 @p2 $0x1082  }
0x22: {  	[simem:s7], [sflag:s8] =	dma.local @!p0 [hbm:s6], $0xF7A  }
0x23: {  	s9 =	sor.u32 $0xD0000000, s2;
	s6 =	simm.s32 $0x108;
	_ =	swait.ge @!p0 [sflag:s8], $0x0  }
0x24: {  	s3 =	sadd.s32 $0x88, s3;
	s6 =	simm.s32 @!p1 $0x1082;
	[sflag:s4] =	ssyncset.s32 $0xFFFFF086  }
0x25: {  	[simem:s6], [sflag:s4] =	dma.local [hbm:s3], $0xF7A  }
0x26: {  	[smem:$0x3F9A] =	sst s1;
	(tag) =	ssettag s2;
	_ =	strace s9  }
0x27: {  	s1 =	sld [smem:$0x3FAA]  }
0x28: {  	s2 =	sld [smem:$0x3FAB]  }
0x29: {  	s4 =	sld [smem:$0x3FAD]  }
0x2a: {  	p0 =	seq.s32 s5, $0x0;
	s5 =	sld [smem:$0x3FAE]  }
0x2b: {  	s6 =	sld [smem:$0x3FAF]  }
0x2c: {  	s7 =	sld [smem:$0x3FB0]  }
0x2d: {  	s3 =	simm.s32 $0x108;
	s8 =	sld [smem:$0x3FB1]  }
0x2e: {  	s3 =	simm.s32 @!p0 $0x1082;
	s9 =	sld [smem:$0x3FB2]  }
0x2f: {  	lr =	sadd.s32 s0, s3;
	s0 =	sld [smem:$0x3FA9]  }
0x30: {  	s3 =	sld [smem:$0x3FAC]  }
0x31: {  	[smem:$0x3FB5] =	sst s10  }
0x32: {  	s10 =	sld [smem:$0x3FB3];
	_ =	sdelay $0x3  }
0x33: {  	p0 =	seq.s32 s10, $0x1;
	s10 =	sld [smem:$0x3FB5];
	_ =	sdelay $0x3  }
0x34: {  	[smem:$0x3FB5] =	sst s10  }
0x35: {  	s10 =	sld [smem:$0x3FB4];
	_ =	sdelay $0x3  }
0x36: {  	p1 =	seq.s32 s10, $0x1;
	s10 =	sld [smem:$0x3FB5];
	_ =	sdelay $0x3  }
0x37: {  	[smem:$0x3FB5] =	sst s10  }
0x38: {  	s10 =	sld [smem:$0x3FB6]  }
0x39: {  	_ = 	snop;
	(pc) =	sbr.ind lr, $3  }
0x3a: {  	_ = 	snop  }
0x3b: {  	_ = 	snop  }
0x3c: {  	p2 =	seq.s32 s10, $0x1;
	s10 =	sld [smem:$0x3FB5]  }
0x3d: {  	_ =	shalt  }
0x3e: {  	_ =	shalt  }
0x3f: {  	_ =	shalt  }
0x40: {  	_ =	shalt  }
0x41: {  	_ =	shalt  }
0x42: {  	_ =	shalt  }
0x43: {  	_ =	shalt  }
0x44: {  	_ =	shalt  }
0x45: {  	_ =	shalt  }
0x46: {  	_ =	shalt  }
0x47: {  	_ =	shalt  }
0x48: {  	_ =	shalt  }
0x49: {  	_ =	shalt  }
0x4a: {  	_ =	shalt  }
0x4b: {  	_ =	shalt  }
0x4c: {  	_ =	shalt  }
0x4d: {  	_ =	shalt  }
0x4e: {  	_ =	shalt  }
0x4f: {  	_ =	shalt  }
0x50: {  	_ =	shalt  }
0x51: {  	_ =	shalt  }
0x52: {  	_ =	shalt  }
0x53: {  	_ =	shalt  }
0x54: {  	_ =	shalt  }
0x55: {  	_ =	shalt  }
0x56: {  	_ =	shalt  }
0x57: {  	_ =	shalt  }
0x58: {  	_ =	shalt  }
0x59: {  	_ =	shalt  }
0x5a: {  	_ =	shalt  }
0x5b: {  	_ =	shalt  }
0x5c: {  	_ =	shalt  }
0x5d: {  	_ =	shalt  }
0x5e: {  	_ =	shalt  }
0x5f: {  	_ =	shalt  }
0x60: {  	_ =	shalt  }
0x61: {  	_ =	shalt  }
0x62: {  	_ =	shalt  }
0x63: {  	_ =	shalt  }
0x64: {  	_ =	shalt  }
0x65: {  	_ =	shalt  }
0x66: {  	_ =	shalt  }
0x67: {  	_ =	shalt  }
0x68: {  	_ =	shalt  }
0x69: {  	_ =	shalt  }
0x6a: {  	_ =	shalt  }
0x6b: {  	_ =	shalt  }
0x6c: {  	_ =	shalt  }
0x6d: {  	_ =	shalt  }
0x6e: {  	_ =	shalt  }
0x6f: {  	_ =	shalt  }
0x70: {  	_ =	shalt  }
0x71: {  	_ =	shalt  }
0x72: {  	_ =	shalt  }
0x73: {  	_ =	shalt  }
0x74: {  	_ =	shalt  }
0x75: {  	_ =	shalt  }
0x76: {  	_ =	shalt  }
0x77: {  	_ =	shalt  }
0x78: {  	_ =	shalt  }
0x79: {  	_ =	shalt  }
0x7a: {  	_ =	shalt  }
0x7b: {  	_ =	shalt  }
0x7c: {  	_ =	shalt  }
0x7d: {  	_ =	shalt  }
0x7e: {  	_ =	shalt  }
0x7f: {  	_ =	shalt  }
0x80: {  	_ =	shalt  }
0x81: {  	_ =	shalt  }
0x82: {  	_ =	shalt  }
0x83: {  	_ =	shalt  }
0x84: {  	_ =	shalt  }
0x85: {  	_ =	shalt  }
0x86: {  	_ =	shalt  }
0x87: {  	_ =	shalt  }
.Lfunc_end0:
.L_simem_size_0:
called_computation.1_lowered:
.L_overlay_start_0:
0x88: {  	s2 =	sld [smem:$0x3FD9]  }
0x89: {  	s3 =	sld [smem:$0x3FFE];
	_ =	sdelay $0x1  }
0x8a: {  	s1 =	srdreg.scid  }
0x8b: {  	s0 =	sand.u32 $0x1, s1  }
0x8c: {  	s17 =	sshll.u32 s0, $0xA;
	s2 =	sadd.s32 s3, s2  }
0x8d: {  	s2 =	sadd.s32 s2, s17  }
0x8e: {  	[smem:$0x3FC1] =	sst s2  }
0x8f: {  	_ = 	snop  }
0x90: {  	s18 =	sld [smem:$0x3FC9]  }
0x91: {  	s4 =	sld [smem:$0x3FC7];
	(tm) =	ssettm $0x1  }
0x92: {  	s19 =	sld [smem:$0x3FFB];
	_ =	sdelay $0x3  }
0x93: {  	_ =	strace s19  }
0x94: {  	s2 =	sld [smem:$0x3FFC];
	_ =	sdelay $0x3  }
0x95: {  	_ =	strace s2  }
0x96: {  	s2 =	sld [smem:$0x3FFD];
	_ =	sdelay $0x3  }
0x97: {  	_ =	strace s2  }
0x98: {  	_ =	strace $0x8FFFFFFF  }
0x99: {  	s20 =	sld [smem:$0x3FDB];
	_ =	sdelay $0x1  }
0x9a: {  	s5 =	simm.s32 $_scs_section_size  }
0x9b: {  	s6 =	simm.s32 $_size__tile_overlayer_lowered;
	s7 =	simm.s32 $_tile_overlayer_lowered  }
0x9c: {  	s8 =	simm.s32 $0x1BFF;
	s21 =	sshll.u32 s7, $0x1;
	s5 =	sadd.s32 s5, s20  }
0x9d: {  	s22 =	simm.s32 $0x0;
	s6 =	sshll.u32 s6, $0x1;
	s7 =	sadd.s32 s21, s5  }
0x9e: {  	[timem:s22], [sflag:s8] =	dma.local [hbm:s7], s6  }
0x9f: {  	_ =	swait.ge [sflag:s8], s6  }
0xa0: {  	s6 =	ssub.s32 $0x0, s6;
	[sflag:s8] =	ssyncset.done $0x0  }
0xa1: {  	[sflag:s8] =	ssyncadd.s32 s6;
	_ =	sdelay $0x1  }
0xa2: {  	s23 =	simm.s32 $0x1B8B  }
0xa3: {  	_ =	swait.ge [sflag:s23], $0x1  }
0xa4: {  	[sflag:s23] =	ssyncset.done $0x0  }
0xa5: {  	[sflag:s23] =	ssyncadd.s32 $0xFFFFFFFF  }
0xa6: {  	s6 =	sld [smem:$0x0]  }
0xa7: {  	s7 =	sand.u32 $0xFFFFFFFE, s1  }
0xa8: {  	p0 =	sne.s32 s1, s7  }
0xa9: {  	s7 =	sshll.u32 @p0 s7, $0xE  }
0xaa: {  	s7 =	sadd.s32 @p0 $0x11B8D, s7;
	s8 =	sshll.u32 @p0 s6, $0x11  }
0xab: {  	s7 =	sor.u32 @p0 s8, s7  }
0xac: {  	[sflag:s7] =	ssyncadd.remote.s32 @p0 $0x1;
	_ =	sdelay $0x1  }
0xad: {  	s7 =	simm.s32 @p0 $0x1B8D  }
0xae: {  	_ =	swait.eq @p0 [sflag:s7], $0x1  }
0xaf: {  	[sflag:s7] =	ssyncadd.s32 @p0 $0xFFFFFFFF  }
0xb0: {  	s8 =	sshll.u32 @!p0 s1, $0xE  }
0xb1: {  	s8 =	sor.u32 @!p0 $0x4000, s8;
	s7 =	simm.s32 @!p0 $0x1B8D  }
0xb2: {  	s6 =	sshll.u32 @!p0 s6, $0x11;
	s8 =	sadd.s32 @!p0 $0x11B8D, s8;
	_ =	swait.eq @!p0 [sflag:s7], $0x1  }
0xb3: {  	s6 =	sor.u32 @!p0 s6, s8;
	[sflag:s7] =	ssyncadd.s32 @!p0 $0xFFFFFFFF  }
0xb4: {  	s25 =	simm.s32 $0x1B8E;
	s24 =	sld [smem:$0x3FFE];
	[sflag:s6] =	ssyncadd.remote.s32 @!p0 $0x1  }
0xb5: {  	s26 =	simm.s32 $execute0_lowered;
	[smem:$0x3FD2] =	sst s25  }
0xb6: {  	s7 =	sshll.u32 s26, $0x1;
	_ =	strace $0x80000049;
	[dreg:$0x1] =	wrdreg $0xFFFFFFFF  }
0xb7: {  	s28 =	simm.s32 $_size_execute0_lowered;
	s5 =	sadd.s32 s5, s7;
	[dreg:$0x0] =	wrdreg $0x0  }
0xb8: {  	s7 =	sshll.u32 s28, $0x1;
	[dreg:$0x2] =	wrdreg s5  }
0xb9: {  	[dreg:$0x3] =	wrdreg s7  }
0xba: {  	[dreg:$0x4] =	wrdreg $0xC0  }
0xbb: {  	_ =	task [dreg:s22], $0x5FFFF  }
0xbc: {  	[dreg:$0x1] =	wrdreg $0xFFFFFFFF  }
0xbd: {  	[dreg:$0x0] =	wrdreg $0x60  }
0xbe: {  	[dreg:$0x2] =	wrdreg s4  }
0xbf: {  	[dreg:$0x3] =	wrdreg s18  }
0xc0: {  	[dreg:$0x4] =	wrdreg s24  }
0xc1: {  	[dreg:$0x5] =	wrdreg $0xA  }
0xc2: {  	_ =	task.clear_ibuf [dreg:s22], $0x6FFFF;
	_ =	strace $0x90000049  }
0xc3: {  	s29 =	simm.s32 $0xA;
	_ =	strace $0x8000004B  }
0xc4: {  	_ =	swait.ge [sflag:s29], $0x1  }
0xc5: {  	[sflag:s29] =	ssyncadd.s32 $0xFFFFFFFF  }
0xc6: {  	_ =	strace $0x9000004B  }
0xc7: {  	_ =	sfence  }
0xc8: {  	s30 =	sld [smem:$0x0];
	_ =	sdelay $0x2  }
0xc9: {  	s31 =	sshll.u32 s1, $0xD;
	s1 =	sshrl.u32 s1, $0x2  }
0xca: {  	s4 =	sand.u32 $0x4000, s31;
	s1 =	sadd.s32 s1, s30  }
0xcb: {  	s0 =	sor.u32 s4, s0;
	s1 =	sshll.u32 s1, $0x11  }
0xcc: {  	s0 =	sor.u32 s1, s0  }
0xcd: {  	s0 =	sadd.s32 $0x8F2B, s0  }
0xce: {  	[sflag:s0] =	ssyncadd.remote.s32 $0x1  }
0xcf: {  	_ =	sfence.sel $0xFFFF  }
0xd0: {  	[dreg:$0x0] =	wrdreg $0xFFFFFFFF;
	(pc) =	sbr.abs _section_cstart, $3  }
0xd1: {  	[dreg:$0x1] =	wrdreg $0xFFFFFFFF  }
0xd2: {  	_ =	task.clear_ibuf [dreg:s22], $0x2FFFF;
	_ =	strace $0x9FFFFFFF  }
0xd3: {  	(tm) =	ssettm $0x7FFFFFFF  }
tec
execute0_lowered:
.L_overlay_start_1:
0x0: {  	(tag) =	ssettag $0x1  }
0x1: {  	s1 =	rddreg [dreg:$0x0]  }
0x2: {  	s0 =	rddreg [dreg:$0x1]  }
0x3: {  	s2 =	rddreg [dreg:$0x2]  }
0x4: {  	s3 =	srdreg.scid;
	s8 =	stileid.u32  }
0x5: {  	s25 =	simm.s32 $0x80;
	s26 =	simm.s32 $0x400;
	s17 =	simm.s32 $0x1900  }
0x6: {  	s28 =	simm.s32 $0x6900;
	s29 =	simm.s32 $0x7100;
	s30 =	simm.s32 $0x7900  }
0x7: {  	s31 =	simm.s32 $0x8100;
	s9 =	simm.s32 $0xA100;
	s10 =	simm.s32 $0xB100  }
0x8: {  	s11 =	simm.s32 $0xB900;
	s12 =	simm.s32 $0xC100;
	s13 =	simm.s32 $0x1  }
0x9: {  	s4 =	sand.u32 $0x1, s3;
	s3 =	simm.s32 $0x0;
	s5 =	sshll.u32 s8, $0x9  }
0xa: {  	s8 =	sshll.u32 s8, $0x7;
	s2 =	sadd.s32 $0xC2200, s2;
	s6 =	sshll.u32 s4, $0x8  }
0xb: {  	[smem:$0x7FF] =	sst s3;
	s7 =	sshll.u32 s4, $0xB;
	s18 =	sand.u32 $0x380, s8  }
0xc: {  	s4 =	ssub.s32 $0x2, s4;
	s6 =	sor.u32 s6, s5;
	s5 =	sand.u32 $0x1000, s5  }
0xd: {  	_ =	strace $0x8000004A;
	s20 =	sshrl.u32 s4, $0x1;
	[dreg:$0x8] =	wrdreg s25  }
0xe: {  	[dreg:$0x9] =	wrdreg s26;
	s25 =	simm.s32 $0x5900;
	s26 =	simm.s32 $0x6100  }
0xf: {  	s5 =	sor.u32 s7, s5;
	s6 =	sshrl.u32 s6, $0x3;
	s4 =	ssub.s32 s4, s20  }
0x10: {  	s20 =	simm.s32 $0x3100;
	s5 =	sor.u32 s18, s5;
	s19 =	smul.u32 $0x300, s6  }
0x11: {  	s6 =	smul.u32 $0x1800, s6;
	s8 =	smax.u32 s4, $0x1;
	s5 =	sshrl.u32 s5, $0x3  }
0x12: {  	s18 =	simm.s32 $0x2100;
	s0 =	sadd.s32 s5, s0;
	s7 =	sadd.s32 s2, s19  }
0x13: {  	s21 =	sshrl.u32 s6, $0x3;
	s5 =	sadd.s32 $0x100, s1;
	s6 =	sadd.s32 $0x200, s1  }
0x14: {  	s19 =	simm.s32 $0x2900;
	s0 =	sadd.s32 $0x400, s0;
	[dreg:$0xa] =	wrdreg s7  }
0x15: {  	s22 =	sadd.s32 $0x1800, s7;
	s2 =	sadd.s32 s2, s21;
	[dreg:$0x4] =	wrdreg s0  }
0x16: {  	v2 =	vlaneseq.u32;
	s21 =	simm.s32 $0x3900;
	[dreg:$0x5] =	wrdreg s22;
	s23 =	sadd.s32 $0x3000, s2  }
0x17: {  	vm0 =	vmmov $0xffff;
	v1 =	vshrl.u32 v2, $0x3;
	s24 =	sadd.s32 $0x4800, s2;
	s22 =	simm.s32 $0x4100;
	[dreg:$0x6] =	wrdreg s23  }
0x18: {  	v0 =	vand.u32 $0x7, v2;
	v2 =	vor.u32 $0x8, v2;
	v1 =	vmul.u32 $0x8, v1;
	[dreg:$0x7] =	wrdreg s24;
	s23 =	simm.s32 $0x4900;
	s24 =	simm.s32 $0x5100  }
.LBB2_1:
0x19: {  	s14 =	rddreg [dreg:$0x4]  }
0x1a: {  	s15 =	rddreg [dreg:$0x8]  }
0x1b: {  	s16 =	rddreg [dreg:$0x9];
	s0 =	simm.s32 $0x5  }
0x1c: {  	[tilespmem:s3], [sflag:$0x5] =	stream.strided.gather [hbm4b:s14+s15], $0x100, s16, s15, $0x38;
	[tilespmem:$0x18100] =	vst v63  }
0x1d: {  	_ =	swait.ge [sflag:s0], $0x100  }
0x1e: {  	[sflag:s0] =	ssyncset.done $0x0  }
0x1f: {  	[sflag:s0] =	ssyncadd.s32 $0xFFFFFF00  }
0x20: {  	v3 =	vld [tilespmem:$0x0];
	_ =	sdelay $0x4  }
0x21: {  	v4 =	vshrl.u32 v3, $0x3  }
0x22: {  	v4 =	vmul.u32 $0x30, v4  }
0x23: {  	v3 =	vand.u32 $0x7, v3  }
0x24: {  	v3 =	vor.u32 v3, v4  }
0x25: {  	v4 =	vperm.xlane v3, v0;
	_ =	sdelay $0x1  }
0x26: {  	v4 =	vadd.s32 v1, v4;
	_ =	sdelay $0x3  }
0x27: {  	s2 =	simm.s32 $0x100;
	v3 =	vperm.xlane v3, v2  }
0x28: {  	[tilespmem:s2], [sflag:$0x1] =	stream.indirect_vreg.gather [hbm4b:s1+s3], $0x80, v4, vm0, $0xb8;
	[tilespmem:$0x18100] =	vst v63  }
0x29: {  	s15 =	simm.s32 $0x900;
	v3 =	vadd.s32 v1, v3  }
0x2a: {  	[tilespmem:s15], [sflag:$0x1] =	stream.indirect_vreg.gather [hbm4b:s5+s3], $0x80, v4, vm0, $0xb8;
	[tilespmem:$0x18100] =	vst v63  }
0x2b: {  	s16 =	simm.s32 $0x1100  }
0x2c: {  	[tilespmem:s16], [sflag:$0x1] =	stream.indirect_vreg.gather [hbm4b:s6+s3], $0x80, v4, vm0, $0xb8;
	[tilespmem:$0x18100] =	vst v63  }
0x2d: {  	_ = 	snop  }
0x2e: {  	[tilespmem:s17], [sflag:$0x1] =	stream.indirect_vreg.gather [hbm4b:s1+s3], $0x80, v3, vm0, $0xb8;
	[tilespmem:$0x18100] =	vst v63  }
0x2f: {  	_ = 	snop  }
0x30: {  	[tilespmem:s18], [sflag:$0x1] =	stream.indirect_vreg.gather [hbm4b:s5+s3], $0x80, v3, vm0, $0xb8;
	[tilespmem:$0x18100] =	vst v63  }
0x31: {  	_ = 	snop  }
0x32: {  	[tilespmem:s19], [sflag:$0x1] =	stream.indirect_vreg.gather [hbm4b:s6+s3], $0x80, v3, vm0, $0xb8;
	[tilespmem:$0x18100] =	vst v63  }
0x33: {  	v3 =	vld [tilespmem:$0x10];
	_ =	sdelay $0x4  }
0x34: {  	v49 =	vshrl.u32 v3, $0x3  }
0x35: {  	v4 =	vmul.u32 $0x30, v49  }
0x36: {  	v3 =	vand.u32 $0x7, v3  }
0x37: {  	v3 =	vor.u32 v3, v4  }
0x38: {  	v4 =	vperm.xlane v3, v0;
	_ =	sdelay $0x1  }
0x39: {  	v4 =	vadd.s32 v1, v4;
	_ =	sdelay $0x3  }
0x3a: {  	v3 =	vperm.xlane v3, v2  }
0x3b: {  	[tilespmem:s20], [sflag:$0x1] =	stream.indirect_vreg.gather [hbm4b:s1+s3], $0x80, v4, vm0, $0xb8;
	[tilespmem:$0x18100] =	vst v63  }
0x3c: {  	v3 =	vadd.s32 v1, v3  }
0x3d: {  	[tilespmem:s21], [sflag:$0x1] =	stream.indirect_vreg.gather [hbm4b:s5+s3], $0x80, v4, vm0, $0xb8;
	[tilespmem:$0x18100] =	vst v63  }
0x3e: {  	_ = 	snop  }
0x3f: {  	[tilespmem:s22], [sflag:$0x1] =	stream.indirect_vreg.gather [hbm4b:s6+s3], $0x80, v4, vm0, $0xb8;
	[tilespmem:$0x18100] =	vst v63  }
0x40: {  	_ = 	snop  }
0x41: {  	[tilespmem:s23], [sflag:$0x1] =	stream.indirect_vreg.gather [hbm4b:s1+s3], $0x80, v3, vm0, $0xb8;
	[tilespmem:$0x18100] =	vst v63  }
0x42: {  	_ = 	snop  }
0x43: {  	[tilespmem:s24], [sflag:$0x1] =	stream.indirect_vreg.gather [hbm4b:s5+s3], $0x80, v3, vm0, $0xb8;
	[tilespmem:$0x18100] =	vst v63  }
0x44: {  	_ = 	snop  }
0x45: {  	[tilespmem:s25], [sflag:$0x1] =	stream.indirect_vreg.gather [hbm4b:s6+s3], $0x80, v3, vm0, $0xb8;
	[tilespmem:$0x18100] =	vst v63  }
0x46: {  	v3 =	vld [tilespmem:$0x20];
	_ =	sdelay $0x4  }
0x47: {  	v50 =	vshrl.u32 v3, $0x3  }
0x48: {  	v4 =	vmul.u32 $0x30, v50  }
0x49: {  	v3 =	vand.u32 $0x7, v3  }
0x4a: {  	v3 =	vor.u32 v3, v4  }
0x4b: {  	v4 =	vperm.xlane v3, v0;
	_ =	sdelay $0x1  }
0x4c: {  	v4 =	vadd.s32 v1, v4;
	_ =	sdelay $0x3  }
0x4d: {  	v3 =	vperm.xlane v3, v2  }
0x4e: {  	[tilespmem:s26], [sflag:$0x1] =	stream.indirect_vreg.gather [hbm4b:s1+s3], $0x80, v4, vm0, $0xb8;
	[tilespmem:$0x18100] =	vst v63  }
0x4f: {  	v3 =	vadd.s32 v1, v3  }
0x50: {  	[tilespmem:s28], [sflag:$0x1] =	stream.indirect_vreg.gather [hbm4b:s5+s3], $0x80, v4, vm0, $0xb8;
	[tilespmem:$0x18100] =	vst v63  }
0x51: {  	_ = 	snop  }
0x52: {  	[tilespmem:s29], [sflag:$0x1] =	stream.indirect_vreg.gather [hbm4b:s6+s3], $0x80, v4, vm0, $0xb8;
	[tilespmem:$0x18100] =	vst v63  }
0x53: {  	_ = 	snop  }
0x54: {  	[tilespmem:s30], [sflag:$0x1] =	stream.indirect_vreg.gather [hbm4b:s1+s3], $0x80, v3, vm0, $0xb8;
	[tilespmem:$0x18100] =	vst v63  }
0x55: {  	_ = 	snop  }
0x56: {  	[tilespmem:s31], [sflag:$0x1] =	stream.indirect_vreg.gather [hbm4b:s5+s3], $0x80, v3, vm0, $0xb8;
	[tilespmem:$0x18100] =	vst v63  }
0x57: {  	s4 =	simm.s32 $0x8900  }
0x58: {  	[tilespmem:s4], [sflag:$0x1] =	stream.indirect_vreg.gather [hbm4b:s6+s3], $0x80, v3, vm0, $0xb8;
	[tilespmem:$0x18100] =	vst v63  }
0x59: {  	v3 =	vld [tilespmem:$0x30];
	_ =	sdelay $0x4  }
0x5a: {  	v51 =	vshrl.u32 v3, $0x3  }
0x5b: {  	v4 =	vmul.u32 $0x30, v51  }
0x5c: {  	v3 =	vand.u32 $0x7, v3  }
0x5d: {  	v3 =	vor.u32 v3, v4  }
0x5e: {  	v4 =	vperm.xlane v3, v0;
	_ =	sdelay $0x1  }
0x5f: {  	v4 =	vadd.s32 v1, v4;
	_ =	sdelay $0x3  }
0x60: {  	s2 =	simm.s32 $0x9100;
	v3 =	vperm.xlane v3, v2  }
0x61: {  	[tilespmem:s2], [sflag:$0x1] =	stream.indirect_vreg.gather [hbm4b:s1+s3], $0x80, v4, vm0, $0xb8;
	[tilespmem:$0x18100] =	vst v63  }
0x62: {  	s7 =	simm.s32 $0x9900;
	v3 =	vadd.s32 v1, v3  }
0x63: {  	[tilespmem:s7], [sflag:$0x1] =	stream.indirect_vreg.gather [hbm4b:s5+s3], $0x80, v4, vm0, $0xb8;
	[tilespmem:$0x18100] =	vst v63  }
0x64: {  	_ = 	snop  }
0x65: {  	[tilespmem:s9], [sflag:$0x1] =	stream.indirect_vreg.gather [hbm4b:s6+s3], $0x80, v4, vm0, $0xb8;
	[tilespmem:$0x18100] =	vst v63  }
0x66: {  	s4 =	simm.s32 $0xA900  }
0x67: {  	[tilespmem:s4], [sflag:$0x1] =	stream.indirect_vreg.gather [hbm4b:s1+s3], $0x80, v3, vm0, $0xb8;
	[tilespmem:$0x18100] =	vst v63  }
0x68: {  	_ = 	snop  }
0x69: {  	[tilespmem:s10], [sflag:$0x1] =	stream.indirect_vreg.gather [hbm4b:s5+s3], $0x80, v3, vm0, $0xb8;
	[tilespmem:$0x18100] =	vst v63  }
0x6a: {  	_ = 	snop  }
0x6b: {  	[tilespmem:s11], [sflag:$0x1] =	stream.indirect_vreg.gather [hbm4b:s6+s3], $0x80, v3, vm0, $0xb8;
	[tilespmem:$0x18100] =	vst v63  }
0x6c: {  	v3 =	vld [tilespmem:$0x40];
	_ =	sdelay $0x4  }
0x6d: {  	v52 =	vshrl.u32 v3, $0x3  }
0x6e: {  	v4 =	vmul.u32 $0x30, v52  }
0x6f: {  	v3 =	vand.u32 $0x7, v3  }
0x70: {  	v3 =	vor.u32 v3, v4  }
0x71: {  	v4 =	vperm.xlane v3, v0;
	_ =	sdelay $0x1  }
0x72: {  	v4 =	vadd.s32 v1, v4;
	_ =	sdelay $0x3  }
0x73: {  	v3 =	vperm.xlane v3, v2  }
0x74: {  	[tilespmem:s12], [sflag:$0x2] =	stream.indirect_vreg.gather [hbm4b:s1+s3], $0x80, v4, vm0, $0xb8;
	[tilespmem:$0x18100] =	vst v63  }
0x75: {  	s14 =	simm.s32 $0xC900;
	v3 =	vadd.s32 v1, v3  }
0x76: {  	[tilespmem:s14], [sflag:$0x2] =	stream.indirect_vreg.gather [hbm4b:s5+s3], $0x80, v4, vm0, $0xb8;
	[tilespmem:$0x18100] =	vst v63  }
0x77: {  	s7 =	simm.s32 $0xD100  }
0x78: {  	[tilespmem:s7], [sflag:$0x2] =	stream.indirect_vreg.gather [hbm4b:s6+s3], $0x80, v4, vm0, $0xb8;
	[tilespmem:$0x18100] =	vst v63  }
0x79: {  	s14 =	simm.s32 $0xD900  }
0x7a: {  	[tilespmem:s14], [sflag:$0x2] =	stream.indirect_vreg.gather [hbm4b:s1+s3], $0x80, v3, vm0, $0xb8;
	[tilespmem:$0x18100] =	vst v63  }
0x7b: {  	s7 =	simm.s32 $0xE100  }
0x7c: {  	[tilespmem:s7], [sflag:$0x2] =	stream.indirect_vreg.gather [hbm4b:s5+s3], $0x80, v3, vm0, $0xb8;
	[tilespmem:$0x18100] =	vst v63  }
0x7d: {  	s14 =	simm.s32 $0xE900  }
0x7e: {  	[tilespmem:s14], [sflag:$0x2] =	stream.indirect_vreg.gather [hbm4b:s6+s3], $0x80, v3, vm0, $0xb8;
	[tilespmem:$0x18100] =	vst v63  }
0x7f: {  	v3 =	vld [tilespmem:$0x50];
	_ =	sdelay $0x4  }
0x80: {  	v53 =	vshrl.u32 v3, $0x3  }
0x81: {  	v4 =	vmul.u32 $0x30, v53  }
0x82: {  	v3 =	vand.u32 $0x7, v3  }
0x83: {  	v3 =	vor.u32 v3, v4  }
0x84: {  	v4 =	vperm.xlane v3, v0;
	_ =	sdelay $0x1  }
0x85: {  	v4 =	vadd.s32 v1, v4;
	_ =	sdelay $0x3  }
0x86: {  	s7 =	simm.s32 $0xF100;
	v3 =	vperm.xlane v3, v2  }
0x87: {  	[tilespmem:s7], [sflag:$0x2] =	stream.indirect_vreg.gather [hbm4b:s1+s3], $0x80, v4, vm0, $0xb8;
	[tilespmem:$0x18100] =	vst v63  }
0x88: {  	s14 =	simm.s32 $0xF900;
	v3 =	vadd.s32 v1, v3  }
0x89: {  	[tilespmem:s14], [sflag:$0x2] =	stream.indirect_vreg.gather [hbm4b:s5+s3], $0x80, v4, vm0, $0xb8;
	[tilespmem:$0x18100] =	vst v63  }
0x8a: {  	s7 =	simm.s32 $0x10100  }
0x8b: {  	[tilespmem:s7], [sflag:$0x2] =	stream.indirect_vreg.gather [hbm4b:s6+s3], $0x80, v4, vm0, $0xb8;
	[tilespmem:$0x18100] =	vst v63  }
0x8c: {  	s14 =	simm.s32 $0x10900  }
0x8d: {  	[tilespmem:s14], [sflag:$0x2] =	stream.indirect_vreg.gather [hbm4b:s1+s3], $0x80, v3, vm0, $0xb8;
	[tilespmem:$0x18100] =	vst v63  }
0x8e: {  	s7 =	simm.s32 $0x11100  }
0x8f: {  	[tilespmem:s7], [sflag:$0x2] =	stream.indirect_vreg.gather [hbm4b:s5+s3], $0x80, v3, vm0, $0xb8;
	[tilespmem:$0x18100] =	vst v63  }
0x90: {  	s14 =	simm.s32 $0x11900  }
0x91: {  	[tilespmem:s14], [sflag:$0x2] =	stream.indirect_vreg.gather [hbm4b:s6+s3], $0x80, v3, vm0, $0xb8;
	[tilespmem:$0x18100] =	vst v63  }
0x92: {  	v3 =	vld [tilespmem:$0x60];
	_ =	sdelay $0x4  }
0x93: {  	v54 =	vshrl.u32 v3, $0x3  }
0x94: {  	v4 =	vmul.u32 $0x30, v54  }
0x95: {  	v3 =	vand.u32 $0x7, v3  }
0x96: {  	v3 =	vor.u32 v3, v4  }
0x97: {  	v4 =	vperm.xlane v3, v0;
	_ =	sdelay $0x1  }
0x98: {  	v4 =	vadd.s32 v1, v4;
	_ =	sdelay $0x3  }
0x99: {  	s7 =	simm.s32 $0x12100;
	v3 =	vperm.xlane v3, v2  }
0x9a: {  	[tilespmem:s7], [sflag:$0x2] =	stream.indirect_vreg.gather [hbm4b:s1+s3], $0x80, v4, vm0, $0xb8;
	[tilespmem:$0x18100] =	vst v63  }
0x9b: {  	s14 =	simm.s32 $0x12900;
	v3 =	vadd.s32 v1, v3  }
0x9c: {  	[tilespmem:s14], [sflag:$0x2] =	stream.indirect_vreg.gather [hbm4b:s5+s3], $0x80, v4, vm0, $0xb8;
	[tilespmem:$0x18100] =	vst v63  }
0x9d: {  	s7 =	simm.s32 $0x13100  }
0x9e: {  	[tilespmem:s7], [sflag:$0x2] =	stream.indirect_vreg.gather [hbm4b:s6+s3], $0x80, v4, vm0, $0xb8;
	[tilespmem:$0x18100] =	vst v63  }
0x9f: {  	s14 =	simm.s32 $0x13900  }
0xa0: {  	[tilespmem:s14], [sflag:$0x2] =	stream.indirect_vreg.gather [hbm4b:s1+s3], $0x80, v3, vm0, $0xb8;
	[tilespmem:$0x18100] =	vst v63  }
0xa1: {  	s7 =	simm.s32 $0x14100  }
0xa2: {  	[tilespmem:s7], [sflag:$0x2] =	stream.indirect_vreg.gather [hbm4b:s5+s3], $0x80, v3, vm0, $0xb8;
	[tilespmem:$0x18100] =	vst v63  }
0xa3: {  	s14 =	simm.s32 $0x14900  }
0xa4: {  	[tilespmem:s14], [sflag:$0x2] =	stream.indirect_vreg.gather [hbm4b:s6+s3], $0x80, v3, vm0, $0xb8;
	[tilespmem:$0x18100] =	vst v63  }
0xa5: {  	v3 =	vld [tilespmem:$0x70];
	_ =	sdelay $0x4  }
0xa6: {  	v55 =	vshrl.u32 v3, $0x3  }
0xa7: {  	v4 =	vmul.u32 $0x30, v55  }
0xa8: {  	v3 =	vand.u32 $0x7, v3  }
0xa9: {  	v3 =	vor.u32 v3, v4  }
0xaa: {  	v4 =	vperm.xlane v3, v0;
	_ =	sdelay $0x1  }
0xab: {  	v4 =	vadd.s32 v1, v4;
	_ =	sdelay $0x3  }
0xac: {  	s7 =	simm.s32 $0x15100;
	v3 =	vperm.xlane v3, v2  }
0xad: {  	[tilespmem:s7], [sflag:$0x2] =	stream.indirect_vreg.gather [hbm4b:s1+s3], $0x80, v4, vm0, $0xb8;
	[tilespmem:$0x18100] =	vst v63  }
0xae: {  	s14 =	simm.s32 $0x15900;
	v3 =	vadd.s32 v1, v3  }
0xaf: {  	[tilespmem:s14], [sflag:$0x2] =	stream.indirect_vreg.gather [hbm4b:s5+s3], $0x80, v4, vm0, $0xb8;
	[tilespmem:$0x18100] =	vst v63  }
0xb0: {  	s7 =	simm.s32 $0x16100  }
0xb1: {  	[tilespmem:s7], [sflag:$0x2] =	stream.indirect_vreg.gather [hbm4b:s6+s3], $0x80, v4, vm0, $0xb8;
	[tilespmem:$0x18100] =	vst v63  }
0xb2: {  	s14 =	simm.s32 $0x16900  }
0xb3: {  	[tilespmem:s14], [sflag:$0x2] =	stream.indirect_vreg.gather [hbm4b:s1+s3], $0x80, v3, vm0, $0xb8;
	[tilespmem:$0x18100] =	vst v63  }
0xb4: {  	s7 =	simm.s32 $0x17100  }
0xb5: {  	[tilespmem:s7], [sflag:$0x2] =	stream.indirect_vreg.gather [hbm4b:s5+s3], $0x80, v3, vm0, $0xb8;
	[tilespmem:$0x18100] =	vst v63  }
0xb6: {  	s14 =	simm.s32 $0x17900  }
0xb7: {  	[tilespmem:s14], [sflag:$0x2] =	stream.indirect_vreg.gather [hbm4b:s6+s3], $0x80, v3, vm0, $0xb8;
	[tilespmem:$0x18100] =	vst v63  }
0xb8: {  	_ =	swait.ge [sflag:s13], $0xC000  }
0xb9: {  	[sflag:s13] =	ssyncset.done $0x0  }
0xba: {  	s7 =	simm.s32 $0x100;
	s0 =	rddreg [dreg:$0xa];
	[sflag:s13] =	ssyncadd.s32 $0xFFFF4000  }
0xbb: {  	[hbm4b:s0+s3] =	stream.linear.scatter [tilespmem:s7], [sflag:$0x3], $0xC000, $0x38;
	[tilespmem:$0x18100] =	vst v63  }
0xbc: {  	s0 =	simm.s32 $0x3  }
0xbd: {  	_ =	swait.ge [sflag:s0], $0xC000  }
0xbe: {  	[sflag:s0] =	ssyncset.done $0x0  }
0xbf: {  	[sflag:s0] =	ssyncadd.s32 $0xFFFF4000  }
0xc0: {  	v3 =	vld [tilespmem:$0x80];
	_ =	sdelay $0x4  }
0xc1: {  	v56 =	vshrl.u32 v3, $0x3  }
0xc2: {  	v4 =	vmul.u32 $0x30, v56  }
0xc3: {  	v3 =	vand.u32 $0x7, v3  }
0xc4: {  	v3 =	vor.u32 v3, v4  }
0xc5: {  	v4 =	vperm.xlane v3, v0;
	_ =	sdelay $0x1  }
0xc6: {  	v4 =	vadd.s32 v1, v4;
	_ =	sdelay $0x3  }
0xc7: {  	v3 =	vperm.xlane v3, v2  }
0xc8: {  	[tilespmem:s7], [sflag:$0x1] =	stream.indirect_vreg.gather [hbm4b:s1+s3], $0x80, v4, vm0, $0xb8;
	[tilespmem:$0x18100] =	vst v63  }
0xc9: {  	v3 =	vadd.s32 v1, v3  }
0xca: {  	[tilespmem:s15], [sflag:$0x1] =	stream.indirect_vreg.gather [hbm4b:s5+s3], $0x80, v4, vm0, $0xb8;
	[tilespmem:$0x18100] =	vst v63  }
0xcb: {  	_ = 	snop  }
0xcc: {  	[tilespmem:s16], [sflag:$0x1] =	stream.indirect_vreg.gather [hbm4b:s6+s3], $0x80, v4, vm0, $0xb8;
	[tilespmem:$0x18100] =	vst v63  }
0xcd: {  	_ = 	snop  }
0xce: {  	[tilespmem:s17], [sflag:$0x1] =	stream.indirect_vreg.gather [hbm4b:s1+s3], $0x80, v3, vm0, $0xb8;
	[tilespmem:$0x18100] =	vst v63  }
0xcf: {  	_ = 	snop  }
0xd0: {  	[tilespmem:s18], [sflag:$0x1] =	stream.indirect_vreg.gather [hbm4b:s5+s3], $0x80, v3, vm0, $0xb8;
	[tilespmem:$0x18100] =	vst v63  }
0xd1: {  	_ = 	snop  }
0xd2: {  	[tilespmem:s19], [sflag:$0x1] =	stream.indirect_vreg.gather [hbm4b:s6+s3], $0x80, v3, vm0, $0xb8;
	[tilespmem:$0x18100] =	vst v63  }
0xd3: {  	v3 =	vld [tilespmem:$0x90];
	_ =	sdelay $0x4  }
0xd4: {  	v57 =	vshrl.u32 v3, $0x3  }
0xd5: {  	v4 =	vmul.u32 $0x30, v57  }
0xd6: {  	v3 =	vand.u32 $0x7, v3  }
0xd7: {  	v3 =	vor.u32 v3, v4  }
0xd8: {  	v4 =	vperm.xlane v3, v0;
	_ =	sdelay $0x1  }
0xd9: {  	v4 =	vadd.s32 v1, v4;
	_ =	sdelay $0x3  }
0xda: {  	v3 =	vperm.xlane v3, v2  }
0xdb: {  	[tilespmem:s20], [sflag:$0x1] =	stream.indirect_vreg.gather [hbm4b:s1+s3], $0x80, v4, vm0, $0xb8;
	[tilespmem:$0x18100] =	vst v63  }
0xdc: {  	v3 =	vadd.s32 v1, v3  }
0xdd: {  	[tilespmem:s21], [sflag:$0x1] =	stream.indirect_vreg.gather [hbm4b:s5+s3], $0x80, v4, vm0, $0xb8;
	[tilespmem:$0x18100] =	vst v63  }
0xde: {  	_ = 	snop  }
0xdf: {  	[tilespmem:s22], [sflag:$0x1] =	stream.indirect_vreg.gather [hbm4b:s6+s3], $0x80, v4, vm0, $0xb8;
	[tilespmem:$0x18100] =	vst v63  }
0xe0: {  	_ = 	snop  }
0xe1: {  	[tilespmem:s23], [sflag:$0x1] =	stream.indirect_vreg.gather [hbm4b:s1+s3], $0x80, v3, vm0, $0xb8;
	[tilespmem:$0x18100] =	vst v63  }
0xe2: {  	_ = 	snop  }
0xe3: {  	[tilespmem:s24], [sflag:$0x1] =	stream.indirect_vreg.gather [hbm4b:s5+s3], $0x80, v3, vm0, $0xb8;
	[tilespmem:$0x18100] =	vst v63  }
0xe4: {  	_ = 	snop  }
0xe5: {  	[tilespmem:s25], [sflag:$0x1] =	stream.indirect_vreg.gather [hbm4b:s6+s3], $0x80, v3, vm0, $0xb8;
	[tilespmem:$0x18100] =	vst v63  }
0xe6: {  	v3 =	vld [tilespmem:$0xA0];
	_ =	sdelay $0x4  }
0xe7: {  	v58 =	vshrl.u32 v3, $0x3  }
0xe8: {  	v4 =	vmul.u32 $0x30, v58  }
0xe9: {  	v3 =	vand.u32 $0x7, v3  }
0xea: {  	v3 =	vor.u32 v3, v4  }
0xeb: {  	v4 =	vperm.xlane v3, v0;
	_ =	sdelay $0x1  }
0xec: {  	v4 =	vadd.s32 v1, v4;
	_ =	sdelay $0x3  }
0xed: {  	v3 =	vperm.xlane v3, v2  }
0xee: {  	[tilespmem:s26], [sflag:$0x1] =	stream.indirect_vreg.gather [hbm4b:s1+s3], $0x80, v4, vm0, $0xb8;
	[tilespmem:$0x18100] =	vst v63  }
0xef: {  	v3 =	vadd.s32 v1, v3  }
0xf0: {  	[tilespmem:s28], [sflag:$0x1] =	stream.indirect_vreg.gather [hbm4b:s5+s3], $0x80, v4, vm0, $0xb8;
	[tilespmem:$0x18100] =	vst v63  }
0xf1: {  	_ = 	snop  }
0xf2: {  	[tilespmem:s29], [sflag:$0x1] =	stream.indirect_vreg.gather [hbm4b:s6+s3], $0x80, v4, vm0, $0xb8;
	[tilespmem:$0x18100] =	vst v63  }
0xf3: {  	_ = 	snop  }
0xf4: {  	[tilespmem:s30], [sflag:$0x1] =	stream.indirect_vreg.gather [hbm4b:s1+s3], $0x80, v3, vm0, $0xb8;
	[tilespmem:$0x18100] =	vst v63  }
0xf5: {  	_ = 	snop  }
0xf6: {  	[tilespmem:s31], [sflag:$0x1] =	stream.indirect_vreg.gather [hbm4b:s5+s3], $0x80, v3, vm0, $0xb8;
	[tilespmem:$0x18100] =	vst v63  }
0xf7: {  	s15 =	simm.s32 $0x8900  }
0xf8: {  	[tilespmem:s15], [sflag:$0x1] =	stream.indirect_vreg.gather [hbm4b:s6+s3], $0x80, v3, vm0, $0xb8;
	[tilespmem:$0x18100] =	vst v63  }
0xf9: {  	v3 =	vld [tilespmem:$0xB0];
	_ =	sdelay $0x4  }
0xfa: {  	v59 =	vshrl.u32 v3, $0x3  }
0xfb: {  	v4 =	vmul.u32 $0x30, v59  }
0xfc: {  	v3 =	vand.u32 $0x7, v3  }
0xfd: {  	v3 =	vor.u32 v3, v4  }
0xfe: {  	v4 =	vperm.xlane v3, v0;
	_ =	sdelay $0x1  }
0xff: {  	v4 =	vadd.s32 v1, v4;
	_ =	sdelay $0x3  }
0x100: {  	v3 =	vperm.xlane v3, v2  }
0x101: {  	[tilespmem:s2], [sflag:$0x1] =	stream.indirect_vreg.gather [hbm4b:s1+s3], $0x80, v4, vm0, $0xb8;
	[tilespmem:$0x18100] =	vst v63  }
0x102: {  	s16 =	simm.s32 $0x9900;
	v3 =	vadd.s32 v1, v3  }
0x103: {  	[tilespmem:s16], [sflag:$0x1] =	stream.indirect_vreg.gather [hbm4b:s5+s3], $0x80, v4, vm0, $0xb8;
	[tilespmem:$0x18100] =	vst v63  }
0x104: {  	_ = 	snop  }
0x105: {  	[tilespmem:s9], [sflag:$0x1] =	stream.indirect_vreg.gather [hbm4b:s6+s3], $0x80, v4, vm0, $0xb8;
	[tilespmem:$0x18100] =	vst v63  }
0x106: {  	_ = 	snop  }
0x107: {  	[tilespmem:s4], [sflag:$0x1] =	stream.indirect_vreg.gather [hbm4b:s1+s3], $0x80, v3, vm0, $0xb8;
	[tilespmem:$0x18100] =	vst v63  }
0x108: {  	_ = 	snop  }
0x109: {  	[tilespmem:s10], [sflag:$0x1] =	stream.indirect_vreg.gather [hbm4b:s5+s3], $0x80, v3, vm0, $0xb8;
	[tilespmem:$0x18100] =	vst v63  }
0x10a: {  	s2 =	simm.s32 $0x2  }
0x10b: {  	[tilespmem:s11], [sflag:$0x1] =	stream.indirect_vreg.gather [hbm4b:s6+s3], $0x80, v3, vm0, $0xb8;
	[tilespmem:$0x18100] =	vst v63  }
0x10c: {  	_ =	swait.ge [sflag:s2], $0xC000  }
0x10d: {  	[sflag:s2] =	ssyncset.done $0x0  }
0x10e: {  	s4 =	simm.s32 $0x4;
	s7 =	rddreg [dreg:$0x5];
	[sflag:s2] =	ssyncadd.s32 $0xFFFF4000  }
0x10f: {  	[hbm4b:s7+s3] =	stream.linear.scatter [tilespmem:s12], [sflag:$0x4], $0xC000, $0x38;
	[tilespmem:$0x18100] =	vst v63  }
0x110: {  	_ =	swait.ge [sflag:s4], $0xC000  }
0x111: {  	[sflag:s4] =	ssyncset.done $0x0  }
0x112: {  	[sflag:s4] =	ssyncadd.s32 $0xFFFF4000  }
0x113: {  	v3 =	vld [tilespmem:$0xC0];
	_ =	sdelay $0x4  }
0x114: {  	v60 =	vshrl.u32 v3, $0x3  }
0x115: {  	v4 =	vmul.u32 $0x30, v60  }
0x116: {  	v3 =	vand.u32 $0x7, v3  }
0x117: {  	v3 =	vor.u32 v3, v4  }
0x118: {  	v4 =	vperm.xlane v3, v0;
	_ =	sdelay $0x1  }
0x119: {  	v4 =	vadd.s32 v1, v4;
	_ =	sdelay $0x3  }
0x11a: {  	v3 =	vperm.xlane v3, v2  }
0x11b: {  	[tilespmem:s12], [sflag:$0x2] =	stream.indirect_vreg.gather [hbm4b:s1+s3], $0x80, v4, vm0, $0xb8;
	[tilespmem:$0x18100] =	vst v63  }
0x11c: {  	s15 =	simm.s32 $0xC900;
	v3 =	vadd.s32 v1, v3  }
0x11d: {  	[tilespmem:s15], [sflag:$0x2] =	stream.indirect_vreg.gather [hbm4b:s5+s3], $0x80, v4, vm0, $0xb8;
	[tilespmem:$0x18100] =	vst v63  }
0x11e: {  	s16 =	simm.s32 $0xD100  }
0x11f: {  	[tilespmem:s16], [sflag:$0x2] =	stream.indirect_vreg.gather [hbm4b:s6+s3], $0x80, v4, vm0, $0xb8;
	[tilespmem:$0x18100] =	vst v63  }
0x120: {  	s14 =	simm.s32 $0xD900  }
0x121: {  	[tilespmem:s14], [sflag:$0x2] =	stream.indirect_vreg.gather [hbm4b:s1+s3], $0x80, v3, vm0, $0xb8;
	[tilespmem:$0x18100] =	vst v63  }
0x122: {  	s15 =	simm.s32 $0xE100  }
0x123: {  	[tilespmem:s15], [sflag:$0x2] =	stream.indirect_vreg.gather [hbm4b:s5+s3], $0x80, v3, vm0, $0xb8;
	[tilespmem:$0x18100] =	vst v63  }
0x124: {  	s16 =	simm.s32 $0xE900  }
0x125: {  	[tilespmem:s16], [sflag:$0x2] =	stream.indirect_vreg.gather [hbm4b:s6+s3], $0x80, v3, vm0, $0xb8;
	[tilespmem:$0x18100] =	vst v63  }
0x126: {  	v3 =	vld [tilespmem:$0xD0];
	_ =	sdelay $0x4  }
0x127: {  	v61 =	vshrl.u32 v3, $0x3  }
0x128: {  	v4 =	vmul.u32 $0x30, v61  }
0x129: {  	v3 =	vand.u32 $0x7, v3  }
0x12a: {  	v3 =	vor.u32 v3, v4  }
0x12b: {  	v4 =	vperm.xlane v3, v0;
	_ =	sdelay $0x1  }
0x12c: {  	v4 =	vadd.s32 v1, v4;
	_ =	sdelay $0x3  }
0x12d: {  	s14 =	simm.s32 $0xF100;
	v3 =	vperm.xlane v3, v2  }
0x12e: {  	[tilespmem:s14], [sflag:$0x2] =	stream.indirect_vreg.gather [hbm4b:s1+s3], $0x80, v4, vm0, $0xb8;
	[tilespmem:$0x18100] =	vst v63  }
0x12f: {  	s15 =	simm.s32 $0xF900;
	v3 =	vadd.s32 v1, v3  }
0x130: {  	[tilespmem:s15], [sflag:$0x2] =	stream.indirect_vreg.gather [hbm4b:s5+s3], $0x80, v4, vm0, $0xb8;
	[tilespmem:$0x18100] =	vst v63  }
0x131: {  	s16 =	simm.s32 $0x10100  }
0x132: {  	[tilespmem:s16], [sflag:$0x2] =	stream.indirect_vreg.gather [hbm4b:s6+s3], $0x80, v4, vm0, $0xb8;
	[tilespmem:$0x18100] =	vst v63  }
0x133: {  	s14 =	simm.s32 $0x10900  }
0x134: {  	[tilespmem:s14], [sflag:$0x2] =	stream.indirect_vreg.gather [hbm4b:s1+s3], $0x80, v3, vm0, $0xb8;
	[tilespmem:$0x18100] =	vst v63  }
0x135: {  	s15 =	simm.s32 $0x11100  }
0x136: {  	[tilespmem:s15], [sflag:$0x2] =	stream.indirect_vreg.gather [hbm4b:s5+s3], $0x80, v3, vm0, $0xb8;
	[tilespmem:$0x18100] =	vst v63  }
0x137: {  	s16 =	simm.s32 $0x11900  }
0x138: {  	[tilespmem:s16], [sflag:$0x2] =	stream.indirect_vreg.gather [hbm4b:s6+s3], $0x80, v3, vm0, $0xb8;
	[tilespmem:$0x18100] =	vst v63  }
0x139: {  	v3 =	vld [tilespmem:$0xE0];
	_ =	sdelay $0x4  }
0x13a: {  	v62 =	vshrl.u32 v3, $0x3  }
0x13b: {  	v4 =	vmul.u32 $0x30, v62  }
0x13c: {  	v3 =	vand.u32 $0x7, v3  }
0x13d: {  	v3 =	vor.u32 v3, v4  }
0x13e: {  	v4 =	vperm.xlane v3, v0;
	_ =	sdelay $0x1  }
0x13f: {  	v4 =	vadd.s32 v1, v4;
	_ =	sdelay $0x3  }
0x140: {  	s14 =	simm.s32 $0x12100;
	v3 =	vperm.xlane v3, v2  }
0x141: {  	[tilespmem:s14], [sflag:$0x2] =	stream.indirect_vreg.gather [hbm4b:s1+s3], $0x80, v4, vm0, $0xb8;
	[tilespmem:$0x18100] =	vst v63  }
0x142: {  	s15 =	simm.s32 $0x12900;
	v3 =	vadd.s32 v1, v3  }
0x143: {  	[tilespmem:s15], [sflag:$0x2] =	stream.indirect_vreg.gather [hbm4b:s5+s3], $0x80, v4, vm0, $0xb8;
	[tilespmem:$0x18100] =	vst v63  }
0x144: {  	s16 =	simm.s32 $0x13100  }
0x145: {  	[tilespmem:s16], [sflag:$0x2] =	stream.indirect_vreg.gather [hbm4b:s6+s3], $0x80, v4, vm0, $0xb8;
	[tilespmem:$0x18100] =	vst v63  }
0x146: {  	s14 =	simm.s32 $0x13900  }
0x147: {  	[tilespmem:s14], [sflag:$0x2] =	stream.indirect_vreg.gather [hbm4b:s1+s3], $0x80, v3, vm0, $0xb8;
	[tilespmem:$0x18100] =	vst v63  }
0x148: {  	s15 =	simm.s32 $0x14100  }
0x149: {  	[tilespmem:s15], [sflag:$0x2] =	stream.indirect_vreg.gather [hbm4b:s5+s3], $0x80, v3, vm0, $0xb8;
	[tilespmem:$0x18100] =	vst v63  }
0x14a: {  	s16 =	simm.s32 $0x14900  }
0x14b: {  	[tilespmem:s16], [sflag:$0x2] =	stream.indirect_vreg.gather [hbm4b:s6+s3], $0x80, v3, vm0, $0xb8;
	[tilespmem:$0x18100] =	vst v63  }
0x14c: {  	v3 =	vld [tilespmem:$0xF0];
	_ =	sdelay $0x4  }
0x14d: {  	v63 =	vshrl.u32 v3, $0x3  }
0x14e: {  	v4 =	vmul.u32 $0x30, v63  }
0x14f: {  	v3 =	vand.u32 $0x7, v3  }
0x150: {  	v3 =	vor.u32 v3, v4  }
0x151: {  	v4 =	vperm.xlane v3, v0;
	_ =	sdelay $0x1  }
0x152: {  	v4 =	vadd.s32 v1, v4;
	_ =	sdelay $0x3  }
0x153: {  	s14 =	simm.s32 $0x15100;
	v3 =	vperm.xlane v3, v2  }
0x154: {  	[tilespmem:s14], [sflag:$0x2] =	stream.indirect_vreg.gather [hbm4b:s1+s3], $0x80, v4, vm0, $0xb8;
	[tilespmem:$0x18100] =	vst v63  }
0x155: {  	s15 =	simm.s32 $0x15900;
	v3 =	vadd.s32 v1, v3  }
0x156: {  	[tilespmem:s15], [sflag:$0x2] =	stream.indirect_vreg.gather [hbm4b:s5+s3], $0x80, v4, vm0, $0xb8;
	[tilespmem:$0x18100] =	vst v63  }
0x157: {  	s16 =	simm.s32 $0x16100  }
0x158: {  	[tilespmem:s16], [sflag:$0x2] =	stream.indirect_vreg.gather [hbm4b:s6+s3], $0x80, v4, vm0, $0xb8;
	[tilespmem:$0x18100] =	vst v63  }
0x159: {  	s14 =	simm.s32 $0x16900  }
0x15a: {  	[tilespmem:s14], [sflag:$0x2] =	stream.indirect_vreg.gather [hbm4b:s1+s3], $0x80, v3, vm0, $0xb8;
	[tilespmem:$0x18100] =	vst v63  }
0x15b: {  	s15 =	simm.s32 $0x17100  }
0x15c: {  	[tilespmem:s15], [sflag:$0x2] =	stream.indirect_vreg.gather [hbm4b:s5+s3], $0x80, v3, vm0, $0xb8;
	[tilespmem:$0x18100] =	vst v63  }
0x15d: {  	s16 =	simm.s32 $0x17900  }
0x15e: {  	[tilespmem:s16], [sflag:$0x2] =	stream.indirect_vreg.gather [hbm4b:s6+s3], $0x80, v3, vm0, $0xb8;
	[tilespmem:$0x18100] =	vst v63  }
0x15f: {  	_ =	swait.ge [sflag:s13], $0xC000  }
0x160: {  	[sflag:s13] =	ssyncset.done $0x0  }
0x161: {  	s15 =	simm.s32 $0x100;
	s7 =	rddreg [dreg:$0x6];
	[sflag:s13] =	ssyncadd.s32 $0xFFFF4000  }
0x162: {  	[hbm4b:s7+s3] =	stream.linear.scatter [tilespmem:s15], [sflag:$0x3], $0xC000, $0x38;
	[tilespmem:$0x18100] =	vst v63  }
0x163: {  	_ =	swait.ge [sflag:s2], $0xC000  }
0x164: {  	[sflag:s2] =	ssyncset.done $0x0  }
0x165: {  	s16 =	rddreg [dreg:$0x7];
	[sflag:s2] =	ssyncadd.s32 $0xFFFF4000  }
0x166: {  	[hbm4b:s16+s3] =	stream.linear.scatter [tilespmem:s12], [sflag:$0x4], $0xC000, $0x38;
	[tilespmem:$0x18100] =	vst v63  }
0x167: {  	p0 =	sne.s32 s8, $0x1;
	_ =	swait.ge [sflag:s0], $0xC000  }
.Ltmp0:
0x168: {  	[sflag:s0] =	ssyncset.done $0x0;
	(pc) =	sbr.rel @p0 .LBB2_1-.Ltmp0, $4  }
0x169: {  	[sflag:s0] =	ssyncadd.s32 $0xFFFF4000  }
0x16a: {  	_ =	swait.ge [sflag:s4], $0xC000  }
0x16b: {  	[sflag:s4] =	ssyncset.done $0x0  }
0x16c: {  	s8 =	sadd.s32 $0xFFFFFFFF, s8;
	[sflag:s4] =	ssyncadd.s32 $0xFFFF4000  }
0x16d: {  	_ =	sfence.sel $0x180000  }
0x16e: {  	[bflag:$0x0] =	sbarrier.arrive $0xFFFF  }
0x16f: {  	_ =	strace $0x9000004A  }
0x170: {  	s0 =	stileid.u32;
	[bflag:$0x2] =	sbarrier.arrive $0xFFFF  }
0x171: {  	p0 =	sne.s32 s0, $0x0;
	s0 =	rddreg [dreg:$0x3]  }
0x172: {  	s0 =	sadd.s32 @!p0 $0x100000, s0  }
0x173: {  	[sflag:s0] =	ssyncadd.tile.s32 @!p0 $0x1;
	_ =	shalt  }
.Lfunc_end2:
_tile_overlayer_lowered:
.L_overlay_start_2:
0x174: {  	(tag) =	ssettag $0x2  }
0x175: {  	s0 =	rddreg [dreg:$0x0];
	s2 =	stileid.u32  }
0x176: {  	s1 =	rddreg [dreg:$0x1];
	p0 =	sne.s32 s2, $0x0  }
0x177: {  	s3 =	rddreg [dreg:$0x2];
	[bflag:$0x3] =	sbarrier.arrive $0xFFFF;
	s2 =	simm.s32 @!p0 $0x1C05  }
0x178: {  	[timem:s3], [sflag:s2] =	dma.local @!p0 [hbm:s0], s1  }
0x179: {  	s0 =	simm.s32 @!p0 $0x5  }
0x17a: {  	_ =	swait.ge @!p0 [sflag:s0], s1  }
0x17b: {  	s1 =	ssub.s32 @!p0 $0x0, s1;
	[sflag:s0] =	ssyncset.done @!p0 $0x0  }
0x17c: {  	[sflag:s0] =	ssyncadd.s32 @!p0 s1  }
0x17d: {  	[bflag:$0x3] =	sbarrier.arrive $0xFFFF  }
0x17e: {  	_ =	shalt  }

// kernel: kernel.16.cloned.1.call-start
scs
__scs_entry_jumppad:
0x0: {  	(pc) =	sbr.rel $0x88, $3  }
0x1: {  	(tag) =	ssettag $0x0;
	lr =	simm.s32 $0x1  }
0x2: {  	[smem:$0x3F9A] =	sst lr;
	_ =	strace $0xD0000000  }
0x3: {  	_ = 	snop  }
0x4: {  	_ = 	snop  }
0x5: {  	_ = 	snop  }
0x6: {  	_ = 	snop  }
0x7: {  	_ = 	snop  }
__scs_overlays_trampoline_lowered:
0x8: {  	[smem:$0x3FA9] =	sst s0  }
0x9: {  	[smem:$0x3FAA] =	sst s1  }
0xa: {  	[smem:$0x3FAB] =	sst s2  }
0xb: {  	[smem:$0x3FAC] =	sst s3  }
0xc: {  	[smem:$0x3FAD] =	sst s4  }
0xd: {  	[smem:$0x3FAE] =	sst s5  }
0xe: {  	[smem:$0x3FAF] =	sst s6  }
0xf: {  	[smem:$0x3FB0] =	sst s7  }
0x10: {  	[smem:$0x3FB1] =	sst s8  }
0x11: {  	[smem:$0x3FB2] =	sst s9;
	s0 =	simm.s32 @!p0 $0x0  }
0x12: {  	s1 =	sld [smem:$0x3F98];
	s0 =	simm.s32 @p0 $0x1  }
0x13: {  	[smem:$0x3FB3] =	sst s0;
	s0 =	simm.s32 @!p1 $0x0  }
0x14: {  	s2 =	sld [smem:$0x3F97];
	s0 =	simm.s32 @p1 $0x1  }
0x15: {  	[smem:$0x3FB4] =	sst s0;
	s0 =	simm.s32 @!p2 $0x0  }
0x16: {  	s3 =	sld [smem:$0x3FDB];
	s0 =	simm.s32 @p2 $0x1  }
0x17: {  	s4 =	simm.s32 $0x1BF5;
	[smem:$0x3FB6] =	sst s0  }
0x18: {  	s0 =	sld [smem:$0x3F99];
	_ =	swait.ge [sflag:s4], $0x0  }
0x19: {  	s7 =	sld [smem:$0x3F9A]  }
0x1a: {  	s8 =	sadd.s32 $0xFFFFE003, lr  }
0x1b: {  	s9 =	sadd.s32 $0xFFFFFEF7, lr;
	s5 =	simm.s32 $0xFFFFFFFF;
	p2 =	slt.u32 s8, $0xFFFFF086  }
0x1c: {  	p1 =	slt.u32 s9, $0xF7A;
	s5 =	simm.s32 @!p2 $0x0  }
0x1d: {  	s5 =	simm.s32 @p1 $0x1;
	p0 =	seq.s32 s7, s2  }
0x1e: {  	s7 =	smul.u32 @!p0 $0xF7A, s2;
	p2 =	seq.s32 @!p0 s5, $0x0  }
0x1f: {  	s9 =	smul.u32 $0xF7A, s1;
	s8 =	simm.s32 @!p0 $0x1BF5;
	p2 =	por !p2, p0  }
0x20: {  	[sflag:s8] =	ssyncset.s32 @!p0 $0xFFFFF086;
	s6 =	sadd.s32 @!p0 s3, s7;
	s7 =	simm.s32 @!p0 $0x108  }
0x21: {  	s3 =	sadd.s32 s3, s9;
	s6 =	sadd.s32 @!p0 $0x88, s6;
	s7 =	simm.s32 @p2 $0x1082  }
0x22: {  	[simem:s7], [sflag:s8] =	dma.local @!p0 [hbm:s6], $0xF7A  }
0x23: {  	s9 =	sor.u32 $0xD0000000, s2;
	s6 =	simm.s32 $0x108;
	_ =	swait.ge @!p0 [sflag:s8], $0x0  }
0x24: {  	s3 =	sadd.s32 $0x88, s3;
	s6 =	simm.s32 @!p1 $0x1082;
	[sflag:s4] =	ssyncset.s32 $0xFFFFF086  }
0x25: {  	[simem:s6], [sflag:s4] =	dma.local [hbm:s3], $0xF7A  }
0x26: {  	[smem:$0x3F9A] =	sst s1;
	(tag) =	ssettag s2;
	_ =	strace s9  }
0x27: {  	s1 =	sld [smem:$0x3FAA]  }
0x28: {  	s2 =	sld [smem:$0x3FAB]  }
0x29: {  	s4 =	sld [smem:$0x3FAD]  }
0x2a: {  	p0 =	seq.s32 s5, $0x0;
	s5 =	sld [smem:$0x3FAE]  }
0x2b: {  	s6 =	sld [smem:$0x3FAF]  }
0x2c: {  	s7 =	sld [smem:$0x3FB0]  }
0x2d: {  	s3 =	simm.s32 $0x108;
	s8 =	sld [smem:$0x3FB1]  }
0x2e: {  	s3 =	simm.s32 @!p0 $0x1082;
	s9 =	sld [smem:$0x3FB2]  }
0x2f: {  	lr =	sadd.s32 s0, s3;
	s0 =	sld [smem:$0x3FA9]  }
0x30: {  	s3 =	sld [smem:$0x3FAC]  }
0x31: {  	[smem:$0x3FB5] =	sst s10  }
0x32: {  	s10 =	sld [smem:$0x3FB3];
	_ =	sdelay $0x3  }
0x33: {  	p0 =	seq.s32 s10, $0x1;
	s10 =	sld [smem:$0x3FB5];
	_ =	sdelay $0x3  }
0x34: {  	[smem:$0x3FB5] =	sst s10  }
0x35: {  	s10 =	sld [smem:$0x3FB4];
	_ =	sdelay $0x3  }
0x36: {  	p1 =	seq.s32 s10, $0x1;
	s10 =	sld [smem:$0x3FB5];
	_ =	sdelay $0x3  }
0x37: {  	[smem:$0x3FB5] =	sst s10  }
0x38: {  	s10 =	sld [smem:$0x3FB6]  }
0x39: {  	_ = 	snop;
	(pc) =	sbr.ind lr, $3  }
0x3a: {  	_ = 	snop  }
0x3b: {  	_ = 	snop  }
0x3c: {  	p2 =	seq.s32 s10, $0x1;
	s10 =	sld [smem:$0x3FB5]  }
0x3d: {  	_ =	shalt  }
0x3e: {  	_ =	shalt  }
0x3f: {  	_ =	shalt  }
0x40: {  	_ =	shalt  }
0x41: {  	_ =	shalt  }
0x42: {  	_ =	shalt  }
0x43: {  	_ =	shalt  }
0x44: {  	_ =	shalt  }
0x45: {  	_ =	shalt  }
0x46: {  	_ =	shalt  }
0x47: {  	_ =	shalt  }
0x48: {  	_ =	shalt  }
0x49: {  	_ =	shalt  }
0x4a: {  	_ =	shalt  }
0x4b: {  	_ =	shalt  }
0x4c: {  	_ =	shalt  }
0x4d: {  	_ =	shalt  }
0x4e: {  	_ =	shalt  }
0x4f: {  	_ =	shalt  }
0x50: {  	_ =	shalt  }
0x51: {  	_ =	shalt  }
0x52: {  	_ =	shalt  }
0x53: {  	_ =	shalt  }
0x54: {  	_ =	shalt  }
0x55: {  	_ =	shalt  }
0x56: {  	_ =	shalt  }
0x57: {  	_ =	shalt  }
0x58: {  	_ =	shalt  }
0x59: {  	_ =	shalt  }
0x5a: {  	_ =	shalt  }
0x5b: {  	_ =	shalt  }
0x5c: {  	_ =	shalt  }
0x5d: {  	_ =	shalt  }
0x5e: {  	_ =	shalt  }
0x5f: {  	_ =	shalt  }
0x60: {  	_ =	shalt  }
0x61: {  	_ =	shalt  }
0x62: {  	_ =	shalt  }
0x63: {  	_ =	shalt  }
0x64: {  	_ =	shalt  }
0x65: {  	_ =	shalt  }
0x66: {  	_ =	shalt  }
0x67: {  	_ =	shalt  }
0x68: {  	_ =	shalt  }
0x69: {  	_ =	shalt  }
0x6a: {  	_ =	shalt  }
0x6b: {  	_ =	shalt  }
0x6c: {  	_ =	shalt  }
0x6d: {  	_ =	shalt  }
0x6e: {  	_ =	shalt  }
0x6f: {  	_ =	shalt  }
0x70: {  	_ =	shalt  }
0x71: {  	_ =	shalt  }
0x72: {  	_ =	shalt  }
0x73: {  	_ =	shalt  }
0x74: {  	_ =	shalt  }
0x75: {  	_ =	shalt  }
0x76: {  	_ =	shalt  }
0x77: {  	_ =	shalt  }
0x78: {  	_ =	shalt  }
0x79: {  	_ =	shalt  }
0x7a: {  	_ =	shalt  }
0x7b: {  	_ =	shalt  }
0x7c: {  	_ =	shalt  }
0x7d: {  	_ =	shalt  }
0x7e: {  	_ =	shalt  }
0x7f: {  	_ =	shalt  }
0x80: {  	_ =	shalt  }
0x81: {  	_ =	shalt  }
0x82: {  	_ =	shalt  }
0x83: {  	_ =	shalt  }
0x84: {  	_ =	shalt  }
0x85: {  	_ =	shalt  }
0x86: {  	_ =	shalt  }
0x87: {  	_ =	shalt  }
.Lfunc_end0:
.L_simem_size_0:
called_computation.2_lowered:
.L_overlay_start_0:
0x88: {  	s2 =	sld [smem:$0x3FD9]  }
0x89: {  	s3 =	sld [smem:$0x3FFE];
	_ =	sdelay $0x1  }
0x8a: {  	s1 =	srdreg.scid  }
0x8b: {  	s0 =	sand.u32 $0x1, s1  }
0x8c: {  	s17 =	sshll.u32 s0, $0xA;
	s2 =	sadd.s32 s3, s2  }
0x8d: {  	s2 =	sadd.s32 s2, s17  }
0x8e: {  	[smem:$0x3FC1] =	sst s2  }
0x8f: {  	_ = 	snop  }
0x90: {  	s18 =	sld [smem:$0x3FC9]  }
0x91: {  	s4 =	sld [smem:$0x3FC7];
	(tm) =	ssettm $0x1  }
0x92: {  	s19 =	sld [smem:$0x3FFB];
	_ =	sdelay $0x3  }
0x93: {  	_ =	strace s19  }
0x94: {  	s2 =	sld [smem:$0x3FFC];
	_ =	sdelay $0x3  }
0x95: {  	_ =	strace s2  }
0x96: {  	s2 =	sld [smem:$0x3FFD];
	_ =	sdelay $0x3  }
0x97: {  	_ =	strace s2  }
0x98: {  	_ =	strace $0x8FFFFFFF  }
0x99: {  	s20 =	sld [smem:$0x3FDB];
	_ =	sdelay $0x1  }
0x9a: {  	s5 =	simm.s32 $_scs_section_size  }
0x9b: {  	s6 =	simm.s32 $_size__tile_overlayer_lowered;
	s7 =	simm.s32 $_tile_overlayer_lowered  }
0x9c: {  	s8 =	simm.s32 $0x1BFF;
	s21 =	sshll.u32 s7, $0x1;
	s5 =	sadd.s32 s5, s20  }
0x9d: {  	s22 =	simm.s32 $0x0;
	s6 =	sshll.u32 s6, $0x1;
	s7 =	sadd.s32 s21, s5  }
0x9e: {  	[timem:s22], [sflag:s8] =	dma.local [hbm:s7], s6  }
0x9f: {  	_ =	swait.ge [sflag:s8], s6  }
0xa0: {  	s6 =	ssub.s32 $0x0, s6;
	[sflag:s8] =	ssyncset.done $0x0  }
0xa1: {  	[sflag:s8] =	ssyncadd.s32 s6;
	_ =	sdelay $0x1  }
0xa2: {  	s23 =	simm.s32 $0x1B8B  }
0xa3: {  	_ =	swait.ge [sflag:s23], $0x1  }
0xa4: {  	[sflag:s23] =	ssyncset.done $0x0  }
0xa5: {  	[sflag:s23] =	ssyncadd.s32 $0xFFFFFFFF  }
0xa6: {  	s6 =	sld [smem:$0x0]  }
0xa7: {  	s7 =	sand.u32 $0xFFFFFFFE, s1  }
0xa8: {  	p0 =	sne.s32 s1, s7  }
0xa9: {  	s7 =	sshll.u32 @p0 s7, $0xE  }
0xaa: {  	s7 =	sadd.s32 @p0 $0x11B8D, s7;
	s8 =	sshll.u32 @p0 s6, $0x11  }
0xab: {  	s7 =	sor.u32 @p0 s8, s7  }
0xac: {  	[sflag:s7] =	ssyncadd.remote.s32 @p0 $0x1;
	_ =	sdelay $0x1  }
0xad: {  	s7 =	simm.s32 @p0 $0x1B8D  }
0xae: {  	_ =	swait.eq @p0 [sflag:s7], $0x1  }
0xaf: {  	[sflag:s7] =	ssyncadd.s32 @p0 $0xFFFFFFFF  }
0xb0: {  	s8 =	sshll.u32 @!p0 s1, $0xE  }
0xb1: {  	s8 =	sor.u32 @!p0 $0x4000, s8;
	s7 =	simm.s32 @!p0 $0x1B8D  }
0xb2: {  	s6 =	sshll.u32 @!p0 s6, $0x11;
	s8 =	sadd.s32 @!p0 $0x11B8D, s8;
	_ =	swait.eq @!p0 [sflag:s7], $0x1  }
0xb3: {  	s6 =	sor.u32 @!p0 s6, s8;
	[sflag:s7] =	ssyncadd.s32 @!p0 $0xFFFFFFFF  }
0xb4: {  	s25 =	simm.s32 $0x1B8E;
	s24 =	sld [smem:$0x3FFE];
	[sflag:s6] =	ssyncadd.remote.s32 @!p0 $0x1  }
0xb5: {  	s26 =	simm.s32 $execute0_lowered;
	[smem:$0x3FD2] =	sst s25  }
0xb6: {  	s7 =	sshll.u32 s26, $0x1;
	_ =	strace $0x8000004C;
	[dreg:$0x1] =	wrdreg $0xFFFFFFFF  }
0xb7: {  	s28 =	simm.s32 $_size_execute0_lowered;
	s5 =	sadd.s32 s5, s7;
	[dreg:$0x0] =	wrdreg $0x0  }
0xb8: {  	s7 =	sshll.u32 s28, $0x1;
	[dreg:$0x2] =	wrdreg s5  }
0xb9: {  	[dreg:$0x3] =	wrdreg s7  }
0xba: {  	[dreg:$0x4] =	wrdreg $0xC0  }
0xbb: {  	_ =	task [dreg:s22], $0x5FFFF  }
0xbc: {  	[dreg:$0x1] =	wrdreg $0xFFFFFFFF  }
0xbd: {  	[dreg:$0x0] =	wrdreg $0x60  }
0xbe: {  	[dreg:$0x2] =	wrdreg s4  }
0xbf: {  	[dreg:$0x3] =	wrdreg s18  }
0xc0: {  	[dreg:$0x4] =	wrdreg s24  }
0xc1: {  	[dreg:$0x5] =	wrdreg $0xB  }
0xc2: {  	_ =	task.clear_ibuf [dreg:s22], $0x6FFFF;
	_ =	strace $0x9000004C  }
0xc3: {  	s29 =	simm.s32 $0xB;
	_ =	strace $0x8000004E  }
0xc4: {  	_ =	swait.ge [sflag:s29], $0x1  }
0xc5: {  	[sflag:s29] =	ssyncadd.s32 $0xFFFFFFFF  }
0xc6: {  	_ =	strace $0x9000004E  }
0xc7: {  	_ =	sfence  }
0xc8: {  	s30 =	sld [smem:$0x0];
	_ =	sdelay $0x2  }
0xc9: {  	s31 =	sshll.u32 s1, $0xD;
	s1 =	sshrl.u32 s1, $0x2  }
0xca: {  	s4 =	sand.u32 $0x4000, s31;
	s1 =	sadd.s32 s1, s30  }
0xcb: {  	s0 =	sor.u32 s4, s0;
	s1 =	sshll.u32 s1, $0x11  }
0xcc: {  	s0 =	sor.u32 s1, s0  }
0xcd: {  	s0 =	sadd.s32 $0x8F2B, s0  }
0xce: {  	[sflag:s0] =	ssyncadd.remote.s32 $0x1  }
0xcf: {  	_ =	sfence.sel $0xFFFF  }
0xd0: {  	[dreg:$0x0] =	wrdreg $0xFFFFFFFF;
	(pc) =	sbr.abs _section_cstart, $3  }
0xd1: {  	[dreg:$0x1] =	wrdreg $0xFFFFFFFF  }
0xd2: {  	_ =	task.clear_ibuf [dreg:s22], $0x2FFFF;
	_ =	strace $0x9FFFFFFF  }
0xd3: {  	(tm) =	ssettm $0x7FFFFFFF  }
tec
execute0_lowered:
.L_overlay_start_1:
0x0: {  	(tag) =	ssettag $0x1  }
0x1: {  	s1 =	rddreg [dreg:$0x0]  }
0x2: {  	s0 =	rddreg [dreg:$0x1]  }
0x3: {  	s2 =	rddreg [dreg:$0x2]  }
0x4: {  	s3 =	srdreg.scid;
	s8 =	stileid.u32  }
0x5: {  	s25 =	simm.s32 $0x80;
	s26 =	simm.s32 $0x400;
	s17 =	simm.s32 $0x1900  }
0x6: {  	s28 =	simm.s32 $0x6900;
	s29 =	simm.s32 $0x7100;
	s30 =	simm.s32 $0x7900  }
0x7: {  	s31 =	simm.s32 $0x8100;
	s9 =	simm.s32 $0xA100;
	s10 =	simm.s32 $0xB100  }
0x8: {  	s11 =	simm.s32 $0xB900;
	s12 =	simm.s32 $0xC100;
	s13 =	simm.s32 $0x1  }
0x9: {  	s4 =	sand.u32 $0x1, s3;
	s3 =	simm.s32 $0x0;
	s5 =	sshll.u32 s8, $0x9  }
0xa: {  	s8 =	sshll.u32 s8, $0x7;
	s2 =	sadd.s32 $0x182200, s2;
	s6 =	sshll.u32 s4, $0x8  }
0xb: {  	[smem:$0x7FF] =	sst s3;
	s7 =	sshll.u32 s4, $0xB;
	s18 =	sand.u32 $0x380, s8  }
0xc: {  	s4 =	ssub.s32 $0x2, s4;
	s6 =	sor.u32 s6, s5;
	s5 =	sand.u32 $0x1000, s5  }
0xd: {  	_ =	strace $0x8000004D;
	s20 =	sshrl.u32 s4, $0x1;
	[dreg:$0x8] =	wrdreg s25  }
0xe: {  	[dreg:$0x9] =	wrdreg s26;
	s25 =	simm.s32 $0x5900;
	s26 =	simm.s32 $0x6100  }
0xf: {  	s5 =	sor.u32 s7, s5;
	s6 =	sshrl.u32 s6, $0x3;
	s4 =	ssub.s32 s4, s20  }
0x10: {  	s20 =	simm.s32 $0x3100;
	s5 =	sor.u32 s18, s5;
	s19 =	smul.u32 $0x300, s6  }
0x11: {  	s6 =	smul.u32 $0x1800, s6;
	s8 =	smax.u32 s4, $0x1;
	s5 =	sshrl.u32 s5, $0x3  }
0x12: {  	s18 =	simm.s32 $0x2100;
	s0 =	sadd.s32 s5, s0;
	s7 =	sadd.s32 s2, s19  }
0x13: {  	s21 =	sshrl.u32 s6, $0x3;
	s5 =	sadd.s32 $0x100, s1;
	s6 =	sadd.s32 $0x200, s1  }
0x14: {  	s19 =	simm.s32 $0x2900;
	s0 =	sadd.s32 $0x800, s0;
	[dreg:$0xa] =	wrdreg s7  }
0x15: {  	s22 =	sadd.s32 $0x1800, s7;
	s2 =	sadd.s32 s2, s21;
	[dreg:$0x4] =	wrdreg s0  }
0x16: {  	v2 =	vlaneseq.u32;
	s21 =	simm.s32 $0x3900;
	[dreg:$0x5] =	wrdreg s22;
	s23 =	sadd.s32 $0x3000, s2  }
0x17: {  	vm0 =	vmmov $0xffff;
	v1 =	vshrl.u32 v2, $0x3;
	s24 =	sadd.s32 $0x4800, s2;
	s22 =	simm.s32 $0x4100;
	[dreg:$0x6] =	wrdreg s23  }
0x18: {  	v0 =	vand.u32 $0x7, v2;
	v2 =	vor.u32 $0x8, v2;
	v1 =	vmul.u32 $0x8, v1;
	[dreg:$0x7] =	wrdreg s24;
	s23 =	simm.s32 $0x4900;
	s24 =	simm.s32 $0x5100  }
.LBB2_1:
0x19: {  	s14 =	rddreg [dreg:$0x4]  }
0x1a: {  	s15 =	rddreg [dreg:$0x8]  }
0x1b: {  	s16 =	rddreg [dreg:$0x9];
	s0 =	simm.s32 $0x5  }
0x1c: {  	[tilespmem:s3], [sflag:$0x5] =	stream.strided.gather [hbm4b:s14+s15], $0x100, s16, s15, $0x38;
	[tilespmem:$0x18100] =	vst v63  }
0x1d: {  	_ =	swait.ge [sflag:s0], $0x100  }
0x1e: {  	[sflag:s0] =	ssyncset.done $0x0  }
0x1f: {  	[sflag:s0] =	ssyncadd.s32 $0xFFFFFF00  }
0x20: {  	v3 =	vld [tilespmem:$0x0];
	_ =	sdelay $0x4  }
0x21: {  	v4 =	vshrl.u32 v3, $0x3  }
0x22: {  	v4 =	vmul.u32 $0x30, v4  }
0x23: {  	v3 =	vand.u32 $0x7, v3  }
0x24: {  	v3 =	vor.u32 v3, v4  }
0x25: {  	v4 =	vperm.xlane v3, v0;
	_ =	sdelay $0x1  }
0x26: {  	v4 =	vadd.s32 v1, v4;
	_ =	sdelay $0x3  }
0x27: {  	s2 =	simm.s32 $0x100;
	v3 =	vperm.xlane v3, v2  }
0x28: {  	[tilespmem:s2], [sflag:$0x1] =	stream.indirect_vreg.gather [hbm4b:s1+s3], $0x80, v4, vm0, $0xb8;
	[tilespmem:$0x18100] =	vst v63  }
0x29: {  	s15 =	simm.s32 $0x900;
	v3 =	vadd.s32 v1, v3  }
0x2a: {  	[tilespmem:s15], [sflag:$0x1] =	stream.indirect_vreg.gather [hbm4b:s5+s3], $0x80, v4, vm0, $0xb8;
	[tilespmem:$0x18100] =	vst v63  }
0x2b: {  	s16 =	simm.s32 $0x1100  }
0x2c: {  	[tilespmem:s16], [sflag:$0x1] =	stream.indirect_vreg.gather [hbm4b:s6+s3], $0x80, v4, vm0, $0xb8;
	[tilespmem:$0x18100] =	vst v63  }
0x2d: {  	_ = 	snop  }
0x2e: {  	[tilespmem:s17], [sflag:$0x1] =	stream.indirect_vreg.gather [hbm4b:s1+s3], $0x80, v3, vm0, $0xb8;
	[tilespmem:$0x18100] =	vst v63  }
0x2f: {  	_ = 	snop  }
0x30: {  	[tilespmem:s18], [sflag:$0x1] =	stream.indirect_vreg.gather [hbm4b:s5+s3], $0x80, v3, vm0, $0xb8;
	[tilespmem:$0x18100] =	vst v63  }
0x31: {  	_ = 	snop  }
0x32: {  	[tilespmem:s19], [sflag:$0x1] =	stream.indirect_vreg.gather [hbm4b:s6+s3], $0x80, v3, vm0, $0xb8;
	[tilespmem:$0x18100] =	vst v63  }
0x33: {  	v3 =	vld [tilespmem:$0x10];
	_ =	sdelay $0x4  }
0x34: {  	v49 =	vshrl.u32 v3, $0x3  }
0x35: {  	v4 =	vmul.u32 $0x30, v49  }
0x36: {  	v3 =	vand.u32 $0x7, v3  }
0x37: {  	v3 =	vor.u32 v3, v4  }
0x38: {  	v4 =	vperm.xlane v3, v0;
	_ =	sdelay $0x1  }
0x39: {  	v4 =	vadd.s32 v1, v4;
	_ =	sdelay $0x3  }
0x3a: {  	v3 =	vperm.xlane v3, v2  }
0x3b: {  	[tilespmem:s20], [sflag:$0x1] =	stream.indirect_vreg.gather [hbm4b:s1+s3], $0x80, v4, vm0, $0xb8;
	[tilespmem:$0x18100] =	vst v63  }
0x3c: {  	v3 =	vadd.s32 v1, v3  }
0x3d: {  	[tilespmem:s21], [sflag:$0x1] =	stream.indirect_vreg.gather [hbm4b:s5+s3], $0x80, v4, vm0, $0xb8;
	[tilespmem:$0x18100] =	vst v63  }
0x3e: {  	_ = 	snop  }
0x3f: {  	[tilespmem:s22], [sflag:$0x1] =	stream.indirect_vreg.gather [hbm4b:s6+s3], $0x80, v4, vm0, $0xb8;
	[tilespmem:$0x18100] =	vst v63  }
0x40: {  	_ = 	snop  }
0x41: {  	[tilespmem:s23], [sflag:$0x1] =	stream.indirect_vreg.gather [hbm4b:s1+s3], $0x80, v3, vm0, $0xb8;
	[tilespmem:$0x18100] =	vst v63  }
0x42: {  	_ = 	snop  }
0x43: {  	[tilespmem:s24], [sflag:$0x1] =	stream.indirect_vreg.gather [hbm4b:s5+s3], $0x80, v3, vm0, $0xb8;
	[tilespmem:$0x18100] =	vst v63  }
0x44: {  	_ = 	snop  }
0x45: {  	[tilespmem:s25], [sflag:$0x1] =	stream.indirect_vreg.gather [hbm4b:s6+s3], $0x80, v3, vm0, $0xb8;
	[tilespmem:$0x18100] =	vst v63  }
0x46: {  	v3 =	vld [tilespmem:$0x20];
	_ =	sdelay $0x4  }
0x47: {  	v50 =	vshrl.u32 v3, $0x3  }
0x48: {  	v4 =	vmul.u32 $0x30, v50  }
0x49: {  	v3 =	vand.u32 $0x7, v3  }
0x4a: {  	v3 =	vor.u32 v3, v4  }
0x4b: {  	v4 =	vperm.xlane v3, v0;
	_ =	sdelay $0x1  }
0x4c: {  	v4 =	vadd.s32 v1, v4;
	_ =	sdelay $0x3  }
0x4d: {  	v3 =	vperm.xlane v3, v2  }
0x4e: {  	[tilespmem:s26], [sflag:$0x1] =	stream.indirect_vreg.gather [hbm4b:s1+s3], $0x80, v4, vm0, $0xb8;
	[tilespmem:$0x18100] =	vst v63  }
0x4f: {  	v3 =	vadd.s32 v1, v3  }
0x50: {  	[tilespmem:s28], [sflag:$0x1] =	stream.indirect_vreg.gather [hbm4b:s5+s3], $0x80, v4, vm0, $0xb8;
	[tilespmem:$0x18100] =	vst v63  }
0x51: {  	_ = 	snop  }
0x52: {  	[tilespmem:s29], [sflag:$0x1] =	stream.indirect_vreg.gather [hbm4b:s6+s3], $0x80, v4, vm0, $0xb8;
	[tilespmem:$0x18100] =	vst v63  }
0x53: {  	_ = 	snop  }
0x54: {  	[tilespmem:s30], [sflag:$0x1] =	stream.indirect_vreg.gather [hbm4b:s1+s3], $0x80, v3, vm0, $0xb8;
	[tilespmem:$0x18100] =	vst v63  }
0x55: {  	_ = 	snop  }
0x56: {  	[tilespmem:s31], [sflag:$0x1] =	stream.indirect_vreg.gather [hbm4b:s5+s3], $0x80, v3, vm0, $0xb8;
	[tilespmem:$0x18100] =	vst v63  }
0x57: {  	s4 =	simm.s32 $0x8900  }
0x58: {  	[tilespmem:s4], [sflag:$0x1] =	stream.indirect_vreg.gather [hbm4b:s6+s3], $0x80, v3, vm0, $0xb8;
	[tilespmem:$0x18100] =	vst v63  }
0x59: {  	v3 =	vld [tilespmem:$0x30];
	_ =	sdelay $0x4  }
0x5a: {  	v51 =	vshrl.u32 v3, $0x3  }
0x5b: {  	v4 =	vmul.u32 $0x30, v51  }
0x5c: {  	v3 =	vand.u32 $0x7, v3  }
0x5d: {  	v3 =	vor.u32 v3, v4  }
0x5e: {  	v4 =	vperm.xlane v3, v0;
	_ =	sdelay $0x1  }
0x5f: {  	v4 =	vadd.s32 v1, v4;
	_ =	sdelay $0x3  }
0x60: {  	s2 =	simm.s32 $0x9100;
	v3 =	vperm.xlane v3, v2  }
0x61: {  	[tilespmem:s2], [sflag:$0x1] =	stream.indirect_vreg.gather [hbm4b:s1+s3], $0x80, v4, vm0, $0xb8;
	[tilespmem:$0x18100] =	vst v63  }
0x62: {  	s7 =	simm.s32 $0x9900;
	v3 =	vadd.s32 v1, v3  }
0x63: {  	[tilespmem:s7], [sflag:$0x1] =	stream.indirect_vreg.gather [hbm4b:s5+s3], $0x80, v4, vm0, $0xb8;
	[tilespmem:$0x18100] =	vst v63  }
0x64: {  	_ = 	snop  }
0x65: {  	[tilespmem:s9], [sflag:$0x1] =	stream.indirect_vreg.gather [hbm4b:s6+s3], $0x80, v4, vm0, $0xb8;
	[tilespmem:$0x18100] =	vst v63  }
0x66: {  	s4 =	simm.s32 $0xA900  }
0x67: {  	[tilespmem:s4], [sflag:$0x1] =	stream.indirect_vreg.gather [hbm4b:s1+s3], $0x80, v3, vm0, $0xb8;
	[tilespmem:$0x18100] =	vst v63  }
0x68: {  	_ = 	snop  }
0x69: {  	[tilespmem:s10], [sflag:$0x1] =	stream.indirect_vreg.gather [hbm4b:s5+s3], $0x80, v3, vm0, $0xb8;
	[tilespmem:$0x18100] =	vst v63  }
0x6a: {  	_ = 	snop  }
0x6b: {  	[tilespmem:s11], [sflag:$0x1] =	stream.indirect_vreg.gather [hbm4b:s6+s3], $0x80, v3, vm0, $0xb8;
	[tilespmem:$0x18100] =	vst v63  }
0x6c: {  	v3 =	vld [tilespmem:$0x40];
	_ =	sdelay $0x4  }
0x6d: {  	v52 =	vshrl.u32 v3, $0x3  }
0x6e: {  	v4 =	vmul.u32 $0x30, v52  }
0x6f: {  	v3 =	vand.u32 $0x7, v3  }
0x70: {  	v3 =	vor.u32 v3, v4  }
0x71: {  	v4 =	vperm.xlane v3, v0;
	_ =	sdelay $0x1  }
0x72: {  	v4 =	vadd.s32 v1, v4;
	_ =	sdelay $0x3  }
0x73: {  	v3 =	vperm.xlane v3, v2  }
0x74: {  	[tilespmem:s12], [sflag:$0x2] =	stream.indirect_vreg.gather [hbm4b:s1+s3], $0x80, v4, vm0, $0xb8;
	[tilespmem:$0x18100] =	vst v63  }
0x75: {  	s14 =	simm.s32 $0xC900;
	v3 =	vadd.s32 v1, v3  }
0x76: {  	[tilespmem:s14], [sflag:$0x2] =	stream.indirect_vreg.gather [hbm4b:s5+s3], $0x80, v4, vm0, $0xb8;
	[tilespmem:$0x18100] =	vst v63  }
0x77: {  	s7 =	simm.s32 $0xD100  }
0x78: {  	[tilespmem:s7], [sflag:$0x2] =	stream.indirect_vreg.gather [hbm4b:s6+s3], $0x80, v4, vm0, $0xb8;
	[tilespmem:$0x18100] =	vst v63  }
0x79: {  	s14 =	simm.s32 $0xD900  }
0x7a: {  	[tilespmem:s14], [sflag:$0x2] =	stream.indirect_vreg.gather [hbm4b:s1+s3], $0x80, v3, vm0, $0xb8;
	[tilespmem:$0x18100] =	vst v63  }
0x7b: {  	s7 =	simm.s32 $0xE100  }
0x7c: {  	[tilespmem:s7], [sflag:$0x2] =	stream.indirect_vreg.gather [hbm4b:s5+s3], $0x80, v3, vm0, $0xb8;
	[tilespmem:$0x18100] =	vst v63  }
0x7d: {  	s14 =	simm.s32 $0xE900  }
0x7e: {  	[tilespmem:s14], [sflag:$0x2] =	stream.indirect_vreg.gather [hbm4b:s6+s3], $0x80, v3, vm0, $0xb8;
	[tilespmem:$0x18100] =	vst v63  }
0x7f: {  	v3 =	vld [tilespmem:$0x50];
	_ =	sdelay $0x4  }
0x80: {  	v53 =	vshrl.u32 v3, $0x3  }
0x81: {  	v4 =	vmul.u32 $0x30, v53  }
0x82: {  	v3 =	vand.u32 $0x7, v3  }
0x83: {  	v3 =	vor.u32 v3, v4  }
0x84: {  	v4 =	vperm.xlane v3, v0;
	_ =	sdelay $0x1  }
0x85: {  	v4 =	vadd.s32 v1, v4;
	_ =	sdelay $0x3  }
0x86: {  	s7 =	simm.s32 $0xF100;
	v3 =	vperm.xlane v3, v2  }
0x87: {  	[tilespmem:s7], [sflag:$0x2] =	stream.indirect_vreg.gather [hbm4b:s1+s3], $0x80, v4, vm0, $0xb8;
	[tilespmem:$0x18100] =	vst v63  }
0x88: {  	s14 =	simm.s32 $0xF900;
	v3 =	vadd.s32 v1, v3  }
0x89: {  	[tilespmem:s14], [sflag:$0x2] =	stream.indirect_vreg.gather [hbm4b:s5+s3], $0x80, v4, vm0, $0xb8;
	[tilespmem:$0x18100] =	vst v63  }
0x8a: {  	s7 =	simm.s32 $0x10100  }
0x8b: {  	[tilespmem:s7], [sflag:$0x2] =	stream.indirect_vreg.gather [hbm4b:s6+s3], $0x80, v4, vm0, $0xb8;
	[tilespmem:$0x18100] =	vst v63  }
0x8c: {  	s14 =	simm.s32 $0x10900  }
0x8d: {  	[tilespmem:s14], [sflag:$0x2] =	stream.indirect_vreg.gather [hbm4b:s1+s3], $0x80, v3, vm0, $0xb8;
	[tilespmem:$0x18100] =	vst v63  }
0x8e: {  	s7 =	simm.s32 $0x11100  }
0x8f: {  	[tilespmem:s7], [sflag:$0x2] =	stream.indirect_vreg.gather [hbm4b:s5+s3], $0x80, v3, vm0, $0xb8;
	[tilespmem:$0x18100] =	vst v63  }
0x90: {  	s14 =	simm.s32 $0x11900  }
0x91: {  	[tilespmem:s14], [sflag:$0x2] =	stream.indirect_vreg.gather [hbm4b:s6+s3], $0x80, v3, vm0, $0xb8;
	[tilespmem:$0x18100] =	vst v63  }
0x92: {  	v3 =	vld [tilespmem:$0x60];
	_ =	sdelay $0x4  }
0x93: {  	v54 =	vshrl.u32 v3, $0x3  }
0x94: {  	v4 =	vmul.u32 $0x30, v54  }
0x95: {  	v3 =	vand.u32 $0x7, v3  }
0x96: {  	v3 =	vor.u32 v3, v4  }
0x97: {  	v4 =	vperm.xlane v3, v0;
	_ =	sdelay $0x1  }
0x98: {  	v4 =	vadd.s32 v1, v4;
	_ =	sdelay $0x3  }
0x99: {  	s7 =	simm.s32 $0x12100;
	v3 =	vperm.xlane v3, v2  }
0x9a: {  	[tilespmem:s7], [sflag:$0x2] =	stream.indirect_vreg.gather [hbm4b:s1+s3], $0x80, v4, vm0, $0xb8;
	[tilespmem:$0x18100] =	vst v63  }
0x9b: {  	s14 =	simm.s32 $0x12900;
	v3 =	vadd.s32 v1, v3  }
0x9c: {  	[tilespmem:s14], [sflag:$0x2] =	stream.indirect_vreg.gather [hbm4b:s5+s3], $0x80, v4, vm0, $0xb8;
	[tilespmem:$0x18100] =	vst v63  }
0x9d: {  	s7 =	simm.s32 $0x13100  }
0x9e: {  	[tilespmem:s7], [sflag:$0x2] =	stream.indirect_vreg.gather [hbm4b:s6+s3], $0x80, v4, vm0, $0xb8;
	[tilespmem:$0x18100] =	vst v63  }
0x9f: {  	s14 =	simm.s32 $0x13900  }
0xa0: {  	[tilespmem:s14], [sflag:$0x2] =	stream.indirect_vreg.gather [hbm4b:s1+s3], $0x80, v3, vm0, $0xb8;
	[tilespmem:$0x18100] =	vst v63  }
0xa1: {  	s7 =	simm.s32 $0x14100  }
0xa2: {  	[tilespmem:s7], [sflag:$0x2] =	stream.indirect_vreg.gather [hbm4b:s5+s3], $0x80, v3, vm0, $0xb8;
	[tilespmem:$0x18100] =	vst v63  }
0xa3: {  	s14 =	simm.s32 $0x14900  }
0xa4: {  	[tilespmem:s14], [sflag:$0x2] =	stream.indirect_vreg.gather [hbm4b:s6+s3], $0x80, v3, vm0, $0xb8;
	[tilespmem:$0x18100] =	vst v63  }
0xa5: {  	v3 =	vld [tilespmem:$0x70];
	_ =	sdelay $0x4  }
0xa6: {  	v55 =	vshrl.u32 v3, $0x3  }
0xa7: {  	v4 =	vmul.u32 $0x30, v55  }
0xa8: {  	v3 =	vand.u32 $0x7, v3  }
0xa9: {  	v3 =	vor.u32 v3, v4  }
0xaa: {  	v4 =	vperm.xlane v3, v0;
	_ =	sdelay $0x1  }
0xab: {  	v4 =	vadd.s32 v1, v4;
	_ =	sdelay $0x3  }
0xac: {  	s7 =	simm.s32 $0x15100;
	v3 =	vperm.xlane v3, v2  }
0xad: {  	[tilespmem:s7], [sflag:$0x2] =	stream.indirect_vreg.gather [hbm4b:s1+s3], $0x80, v4, vm0, $0xb8;
	[tilespmem:$0x18100] =	vst v63  }
0xae: {  	s14 =	simm.s32 $0x15900;
	v3 =	vadd.s32 v1, v3  }
0xaf: {  	[tilespmem:s14], [sflag:$0x2] =	stream.indirect_vreg.gather [hbm4b:s5+s3], $0x80, v4, vm0, $0xb8;
	[tilespmem:$0x18100] =	vst v63  }
0xb0: {  	s7 =	simm.s32 $0x16100  }
0xb1: {  	[tilespmem:s7], [sflag:$0x2] =	stream.indirect_vreg.gather [hbm4b:s6+s3], $0x80, v4, vm0, $0xb8;
	[tilespmem:$0x18100] =	vst v63  }
0xb2: {  	s14 =	simm.s32 $0x16900  }
0xb3: {  	[tilespmem:s14], [sflag:$0x2] =	stream.indirect_vreg.gather [hbm4b:s1+s3], $0x80, v3, vm0, $0xb8;
	[tilespmem:$0x18100] =	vst v63  }
0xb4: {  	s7 =	simm.s32 $0x17100  }
0xb5: {  	[tilespmem:s7], [sflag:$0x2] =	stream.indirect_vreg.gather [hbm4b:s5+s3], $0x80, v3, vm0, $0xb8;
	[tilespmem:$0x18100] =	vst v63  }
0xb6: {  	s14 =	simm.s32 $0x17900  }
0xb7: {  	[tilespmem:s14], [sflag:$0x2] =	stream.indirect_vreg.gather [hbm4b:s6+s3], $0x80, v3, vm0, $0xb8;
	[tilespmem:$0x18100] =	vst v63  }
0xb8: {  	_ =	swait.ge [sflag:s13], $0xC000  }
0xb9: {  	[sflag:s13] =	ssyncset.done $0x0  }
0xba: {  	s7 =	simm.s32 $0x100;
	s0 =	rddreg [dreg:$0xa];
	[sflag:s13] =	ssyncadd.s32 $0xFFFF4000  }
0xbb: {  	[hbm4b:s0+s3] =	stream.linear.scatter [tilespmem:s7], [sflag:$0x3], $0xC000, $0x38;
	[tilespmem:$0x18100] =	vst v63  }
0xbc: {  	s0 =	simm.s32 $0x3  }
0xbd: {  	_ =	swait.ge [sflag:s0], $0xC000  }
0xbe: {  	[sflag:s0] =	ssyncset.done $0x0  }
0xbf: {  	[sflag:s0] =	ssyncadd.s32 $0xFFFF4000  }
0xc0: {  	v3 =	vld [tilespmem:$0x80];
	_ =	sdelay $0x4  }
0xc1: {  	v56 =	vshrl.u32 v3, $0x3  }
0xc2: {  	v4 =	vmul.u32 $0x30, v56  }
0xc3: {  	v3 =	vand.u32 $0x7, v3  }
0xc4: {  	v3 =	vor.u32 v3, v4  }
0xc5: {  	v4 =	vperm.xlane v3, v0;
	_ =	sdelay $0x1  }
0xc6: {  	v4 =	vadd.s32 v1, v4;
	_ =	sdelay $0x3  }
0xc7: {  	v3 =	vperm.xlane v3, v2  }
0xc8: {  	[tilespmem:s7], [sflag:$0x1] =	stream.indirect_vreg.gather [hbm4b:s1+s3], $0x80, v4, vm0, $0xb8;
	[tilespmem:$0x18100] =	vst v63  }
0xc9: {  	v3 =	vadd.s32 v1, v3  }
0xca: {  	[tilespmem:s15], [sflag:$0x1] =	stream.indirect_vreg.gather [hbm4b:s5+s3], $0x80, v4, vm0, $0xb8;
	[tilespmem:$0x18100] =	vst v63  }
0xcb: {  	_ = 	snop  }
0xcc: {  	[tilespmem:s16], [sflag:$0x1] =	stream.indirect_vreg.gather [hbm4b:s6+s3], $0x80, v4, vm0, $0xb8;
	[tilespmem:$0x18100] =	vst v63  }
0xcd: {  	_ = 	snop  }
0xce: {  	[tilespmem:s17], [sflag:$0x1] =	stream.indirect_vreg.gather [hbm4b:s1+s3], $0x80, v3, vm0, $0xb8;
	[tilespmem:$0x18100] =	vst v63  }
0xcf: {  	_ = 	snop  }
0xd0: {  	[tilespmem:s18], [sflag:$0x1] =	stream.indirect_vreg.gather [hbm4b:s5+s3], $0x80, v3, vm0, $0xb8;
	[tilespmem:$0x18100] =	vst v63  }
0xd1: {  	_ = 	snop  }
0xd2: {  	[tilespmem:s19], [sflag:$0x1] =	stream.indirect_vreg.gather [hbm4b:s6+s3], $0x80, v3, vm0, $0xb8;
	[tilespmem:$0x18100] =	vst v63  }
0xd3: {  	v3 =	vld [tilespmem:$0x90];
	_ =	sdelay $0x4  }
0xd4: {  	v57 =	vshrl.u32 v3, $0x3  }
0xd5: {  	v4 =	vmul.u32 $0x30, v57  }
0xd6: {  	v3 =	vand.u32 $0x7, v3  }
0xd7: {  	v3 =	vor.u32 v3, v4  }
0xd8: {  	v4 =	vperm.xlane v3, v0;
	_ =	sdelay $0x1  }
0xd9: {  	v4 =	vadd.s32 v1, v4;
	_ =	sdelay $0x3  }
0xda: {  	v3 =	vperm.xlane v3, v2  }
0xdb: {  	[tilespmem:s20], [sflag:$0x1] =	stream.indirect_vreg.gather [hbm4b:s1+s3], $0x80, v4, vm0, $0xb8;
	[tilespmem:$0x18100] =	vst v63  }
0xdc: {  	v3 =	vadd.s32 v1, v3  }
0xdd: {  	[tilespmem:s21], [sflag:$0x1] =	stream.indirect_vreg.gather [hbm4b:s5+s3], $0x80, v4, vm0, $0xb8;
	[tilespmem:$0x18100] =	vst v63  }
0xde: {  	_ = 	snop  }
0xdf: {  	[tilespmem:s22], [sflag:$0x1] =	stream.indirect_vreg.gather [hbm4b:s6+s3], $0x80, v4, vm0, $0xb8;
	[tilespmem:$0x18100] =	vst v63  }
0xe0: {  	_ = 	snop  }
0xe1: {  	[tilespmem:s23], [sflag:$0x1] =	stream.indirect_vreg.gather [hbm4b:s1+s3], $0x80, v3, vm0, $0xb8;
	[tilespmem:$0x18100] =	vst v63  }
0xe2: {  	_ = 	snop  }
0xe3: {  	[tilespmem:s24], [sflag:$0x1] =	stream.indirect_vreg.gather [hbm4b:s5+s3], $0x80, v3, vm0, $0xb8;
	[tilespmem:$0x18100] =	vst v63  }
0xe4: {  	_ = 	snop  }
0xe5: {  	[tilespmem:s25], [sflag:$0x1] =	stream.indirect_vreg.gather [hbm4b:s6+s3], $0x80, v3, vm0, $0xb8;
	[tilespmem:$0x18100] =	vst v63  }
0xe6: {  	v3 =	vld [tilespmem:$0xA0];
	_ =	sdelay $0x4  }
0xe7: {  	v58 =	vshrl.u32 v3, $0x3  }
0xe8: {  	v4 =	vmul.u32 $0x30, v58  }
0xe9: {  	v3 =	vand.u32 $0x7, v3  }
0xea: {  	v3 =	vor.u32 v3, v4  }
0xeb: {  	v4 =	vperm.xlane v3, v0;
	_ =	sdelay $0x1  }
0xec: {  	v4 =	vadd.s32 v1, v4;
	_ =	sdelay $0x3  }
0xed: {  	v3 =	vperm.xlane v3, v2  }
0xee: {  	[tilespmem:s26], [sflag:$0x1] =	stream.indirect_vreg.gather [hbm4b:s1+s3], $0x80, v4, vm0, $0xb8;
	[tilespmem:$0x18100] =	vst v63  }
0xef: {  	v3 =	vadd.s32 v1, v3  }
0xf0: {  	[tilespmem:s28], [sflag:$0x1] =	stream.indirect_vreg.gather [hbm4b:s5+s3], $0x80, v4, vm0, $0xb8;
	[tilespmem:$0x18100] =	vst v63  }
0xf1: {  	_ = 	snop  }
0xf2: {  	[tilespmem:s29], [sflag:$0x1] =	stream.indirect_vreg.gather [hbm4b:s6+s3], $0x80, v4, vm0, $0xb8;
	[tilespmem:$0x18100] =	vst v63  }
0xf3: {  	_ = 	snop  }
0xf4: {  	[tilespmem:s30], [sflag:$0x1] =	stream.indirect_vreg.gather [hbm4b:s1+s3], $0x80, v3, vm0, $0xb8;
	[tilespmem:$0x18100] =	vst v63  }
0xf5: {  	_ = 	snop  }
0xf6: {  	[tilespmem:s31], [sflag:$0x1] =	stream.indirect_vreg.gather [hbm4b:s5+s3], $0x80, v3, vm0, $0xb8;
	[tilespmem:$0x18100] =	vst v63  }
0xf7: {  	s15 =	simm.s32 $0x8900  }
0xf8: {  	[tilespmem:s15], [sflag:$0x1] =	stream.indirect_vreg.gather [hbm4b:s6+s3], $0x80, v3, vm0, $0xb8;
	[tilespmem:$0x18100] =	vst v63  }
0xf9: {  	v3 =	vld [tilespmem:$0xB0];
	_ =	sdelay $0x4  }
0xfa: {  	v59 =	vshrl.u32 v3, $0x3  }
0xfb: {  	v4 =	vmul.u32 $0x30, v59  }
0xfc: {  	v3 =	vand.u32 $0x7, v3  }
0xfd: {  	v3 =	vor.u32 v3, v4  }
0xfe: {  	v4 =	vperm.xlane v3, v0;
	_ =	sdelay $0x1  }
0xff: {  	v4 =	vadd.s32 v1, v4;
	_ =	sdelay $0x3  }
0x100: {  	v3 =	vperm.xlane v3, v2  }
0x101: {  	[tilespmem:s2], [sflag:$0x1] =	stream.indirect_vreg.gather [hbm4b:s1+s3], $0x80, v4, vm0, $0xb8;
	[tilespmem:$0x18100] =	vst v63  }
0x102: {  	s16 =	simm.s32 $0x9900;
	v3 =	vadd.s32 v1, v3  }
0x103: {  	[tilespmem:s16], [sflag:$0x1] =	stream.indirect_vreg.gather [hbm4b:s5+s3], $0x80, v4, vm0, $0xb8;
	[tilespmem:$0x18100] =	vst v63  }
0x104: {  	_ = 	snop  }
0x105: {  	[tilespmem:s9], [sflag:$0x1] =	stream.indirect_vreg.gather [hbm4b:s6+s3], $0x80, v4, vm0, $0xb8;
	[tilespmem:$0x18100] =	vst v63  }
0x106: {  	_ = 	snop  }
0x107: {  	[tilespmem:s4], [sflag:$0x1] =	stream.indirect_vreg.gather [hbm4b:s1+s3], $0x80, v3, vm0, $0xb8;
	[tilespmem:$0x18100] =	vst v63  }
0x108: {  	_ = 	snop  }
0x109: {  	[tilespmem:s10], [sflag:$0x1] =	stream.indirect_vreg.gather [hbm4b:s5+s3], $0x80, v3, vm0, $0xb8;
	[tilespmem:$0x18100] =	vst v63  }
0x10a: {  	s2 =	simm.s32 $0x2  }
0x10b: {  	[tilespmem:s11], [sflag:$0x1] =	stream.indirect_vreg.gather [hbm4b:s6+s3], $0x80, v3, vm0, $0xb8;
	[tilespmem:$0x18100] =	vst v63  }
0x10c: {  	_ =	swait.ge [sflag:s2], $0xC000  }
0x10d: {  	[sflag:s2] =	ssyncset.done $0x0  }
0x10e: {  	s4 =	simm.s32 $0x4;
	s7 =	rddreg [dreg:$0x5];
	[sflag:s2] =	ssyncadd.s32 $0xFFFF4000  }
0x10f: {  	[hbm4b:s7+s3] =	stream.linear.scatter [tilespmem:s12], [sflag:$0x4], $0xC000, $0x38;
	[tilespmem:$0x18100] =	vst v63  }
0x110: {  	_ =	swait.ge [sflag:s4], $0xC000  }
0x111: {  	[sflag:s4] =	ssyncset.done $0x0  }
0x112: {  	[sflag:s4] =	ssyncadd.s32 $0xFFFF4000  }
0x113: {  	v3 =	vld [tilespmem:$0xC0];
	_ =	sdelay $0x4  }
0x114: {  	v60 =	vshrl.u32 v3, $0x3  }
0x115: {  	v4 =	vmul.u32 $0x30, v60  }
0x116: {  	v3 =	vand.u32 $0x7, v3  }
0x117: {  	v3 =	vor.u32 v3, v4  }
0x118: {  	v4 =	vperm.xlane v3, v0;
	_ =	sdelay $0x1  }
0x119: {  	v4 =	vadd.s32 v1, v4;
	_ =	sdelay $0x3  }
0x11a: {  	v3 =	vperm.xlane v3, v2  }
0x11b: {  	[tilespmem:s12], [sflag:$0x2] =	stream.indirect_vreg.gather [hbm4b:s1+s3], $0x80, v4, vm0, $0xb8;
	[tilespmem:$0x18100] =	vst v63  }
0x11c: {  	s15 =	simm.s32 $0xC900;
	v3 =	vadd.s32 v1, v3  }
0x11d: {  	[tilespmem:s15], [sflag:$0x2] =	stream.indirect_vreg.gather [hbm4b:s5+s3], $0x80, v4, vm0, $0xb8;
	[tilespmem:$0x18100] =	vst v63  }
0x11e: {  	s16 =	simm.s32 $0xD100  }
0x11f: {  	[tilespmem:s16], [sflag:$0x2] =	stream.indirect_vreg.gather [hbm4b:s6+s3], $0x80, v4, vm0, $0xb8;
	[tilespmem:$0x18100] =	vst v63  }
0x120: {  	s14 =	simm.s32 $0xD900  }
0x121: {  	[tilespmem:s14], [sflag:$0x2] =	stream.indirect_vreg.gather [hbm4b:s1+s3], $0x80, v3, vm0, $0xb8;
	[tilespmem:$0x18100] =	vst v63  }
0x122: {  	s15 =	simm.s32 $0xE100  }
0x123: {  	[tilespmem:s15], [sflag:$0x2] =	stream.indirect_vreg.gather [hbm4b:s5+s3], $0x80, v3, vm0, $0xb8;
	[tilespmem:$0x18100] =	vst v63  }
0x124: {  	s16 =	simm.s32 $0xE900  }
0x125: {  	[tilespmem:s16], [sflag:$0x2] =	stream.indirect_vreg.gather [hbm4b:s6+s3], $0x80, v3, vm0, $0xb8;
	[tilespmem:$0x18100] =	vst v63  }
0x126: {  	v3 =	vld [tilespmem:$0xD0];
	_ =	sdelay $0x4  }
0x127: {  	v61 =	vshrl.u32 v3, $0x3  }
0x128: {  	v4 =	vmul.u32 $0x30, v61  }
0x129: {  	v3 =	vand.u32 $0x7, v3  }
0x12a: {  	v3 =	vor.u32 v3, v4  }
0x12b: {  	v4 =	vperm.xlane v3, v0;
	_ =	sdelay $0x1  }
0x12c: {  	v4 =	vadd.s32 v1, v4;
	_ =	sdelay $0x3  }
0x12d: {  	s14 =	simm.s32 $0xF100;
	v3 =	vperm.xlane v3, v2  }
0x12e: {  	[tilespmem:s14], [sflag:$0x2] =	stream.indirect_vreg.gather [hbm4b:s1+s3], $0x80, v4, vm0, $0xb8;
	[tilespmem:$0x18100] =	vst v63  }
0x12f: {  	s15 =	simm.s32 $0xF900;
	v3 =	vadd.s32 v1, v3  }
0x130: {  	[tilespmem:s15], [sflag:$0x2] =	stream.indirect_vreg.gather [hbm4b:s5+s3], $0x80, v4, vm0, $0xb8;
	[tilespmem:$0x18100] =	vst v63  }
0x131: {  	s16 =	simm.s32 $0x10100  }
0x132: {  	[tilespmem:s16], [sflag:$0x2] =	stream.indirect_vreg.gather [hbm4b:s6+s3], $0x80, v4, vm0, $0xb8;
	[tilespmem:$0x18100] =	vst v63  }
0x133: {  	s14 =	simm.s32 $0x10900  }
0x134: {  	[tilespmem:s14], [sflag:$0x2] =	stream.indirect_vreg.gather [hbm4b:s1+s3], $0x80, v3, vm0, $0xb8;
	[tilespmem:$0x18100] =	vst v63  }
0x135: {  	s15 =	simm.s32 $0x11100  }
0x136: {  	[tilespmem:s15], [sflag:$0x2] =	stream.indirect_vreg.gather [hbm4b:s5+s3], $0x80, v3, vm0, $0xb8;
	[tilespmem:$0x18100] =	vst v63  }
0x137: {  	s16 =	simm.s32 $0x11900  }
0x138: {  	[tilespmem:s16], [sflag:$0x2] =	stream.indirect_vreg.gather [hbm4b:s6+s3], $0x80, v3, vm0, $0xb8;
	[tilespmem:$0x18100] =	vst v63  }
0x139: {  	v3 =	vld [tilespmem:$0xE0];
	_ =	sdelay $0x4  }
0x13a: {  	v62 =	vshrl.u32 v3, $0x3  }
0x13b: {  	v4 =	vmul.u32 $0x30, v62  }
0x13c: {  	v3 =	vand.u32 $0x7, v3  }
0x13d: {  	v3 =	vor.u32 v3, v4  }
0x13e: {  	v4 =	vperm.xlane v3, v0;
	_ =	sdelay $0x1  }
0x13f: {  	v4 =	vadd.s32 v1, v4;
	_ =	sdelay $0x3  }
0x140: {  	s14 =	simm.s32 $0x12100;
	v3 =	vperm.xlane v3, v2  }
0x141: {  	[tilespmem:s14], [sflag:$0x2] =	stream.indirect_vreg.gather [hbm4b:s1+s3], $0x80, v4, vm0, $0xb8;
	[tilespmem:$0x18100] =	vst v63  }
0x142: {  	s15 =	simm.s32 $0x12900;
	v3 =	vadd.s32 v1, v3  }
0x143: {  	[tilespmem:s15], [sflag:$0x2] =	stream.indirect_vreg.gather [hbm4b:s5+s3], $0x80, v4, vm0, $0xb8;
	[tilespmem:$0x18100] =	vst v63  }
0x144: {  	s16 =	simm.s32 $0x13100  }
0x145: {  	[tilespmem:s16], [sflag:$0x2] =	stream.indirect_vreg.gather [hbm4b:s6+s3], $0x80, v4, vm0, $0xb8;
	[tilespmem:$0x18100] =	vst v63  }
0x146: {  	s14 =	simm.s32 $0x13900  }
0x147: {  	[tilespmem:s14], [sflag:$0x2] =	stream.indirect_vreg.gather [hbm4b:s1+s3], $0x80, v3, vm0, $0xb8;
	[tilespmem:$0x18100] =	vst v63  }
0x148: {  	s15 =	simm.s32 $0x14100  }
0x149: {  	[tilespmem:s15], [sflag:$0x2] =	stream.indirect_vreg.gather [hbm4b:s5+s3], $0x80, v3, vm0, $0xb8;
	[tilespmem:$0x18100] =	vst v63  }
0x14a: {  	s16 =	simm.s32 $0x14900  }
0x14b: {  	[tilespmem:s16], [sflag:$0x2] =	stream.indirect_vreg.gather [hbm4b:s6+s3], $0x80, v3, vm0, $0xb8;
	[tilespmem:$0x18100] =	vst v63  }
0x14c: {  	v3 =	vld [tilespmem:$0xF0];
	_ =	sdelay $0x4  }
0x14d: {  	v63 =	vshrl.u32 v3, $0x3  }
0x14e: {  	v4 =	vmul.u32 $0x30, v63  }
0x14f: {  	v3 =	vand.u32 $0x7, v3  }
0x150: {  	v3 =	vor.u32 v3, v4  }
0x151: {  	v4 =	vperm.xlane v3, v0;
	_ =	sdelay $0x1  }
0x152: {  	v4 =	vadd.s32 v1, v4;
	_ =	sdelay $0x3  }
0x153: {  	s14 =	simm.s32 $0x15100;
	v3 =	vperm.xlane v3, v2  }
0x154: {  	[tilespmem:s14], [sflag:$0x2] =	stream.indirect_vreg.gather [hbm4b:s1+s3], $0x80, v4, vm0, $0xb8;
	[tilespmem:$0x18100] =	vst v63  }
0x155: {  	s15 =	simm.s32 $0x15900;
	v3 =	vadd.s32 v1, v3  }
0x156: {  	[tilespmem:s15], [sflag:$0x2] =	stream.indirect_vreg.gather [hbm4b:s5+s3], $0x80, v4, vm0, $0xb8;
	[tilespmem:$0x18100] =	vst v63  }
0x157: {  	s16 =	simm.s32 $0x16100  }
0x158: {  	[tilespmem:s16], [sflag:$0x2] =	stream.indirect_vreg.gather [hbm4b:s6+s3], $0x80, v4, vm0, $0xb8;
	[tilespmem:$0x18100] =	vst v63  }
0x159: {  	s14 =	simm.s32 $0x16900  }
0x15a: {  	[tilespmem:s14], [sflag:$0x2] =	stream.indirect_vreg.gather [hbm4b:s1+s3], $0x80, v3, vm0, $0xb8;
	[tilespmem:$0x18100] =	vst v63  }
0x15b: {  	s15 =	simm.s32 $0x17100  }
0x15c: {  	[tilespmem:s15], [sflag:$0x2] =	stream.indirect_vreg.gather [hbm4b:s5+s3], $0x80, v3, vm0, $0xb8;
	[tilespmem:$0x18100] =	vst v63  }
0x15d: {  	s16 =	simm.s32 $0x17900  }
0x15e: {  	[tilespmem:s16], [sflag:$0x2] =	stream.indirect_vreg.gather [hbm4b:s6+s3], $0x80, v3, vm0, $0xb8;
	[tilespmem:$0x18100] =	vst v63  }
0x15f: {  	_ =	swait.ge [sflag:s13], $0xC000  }
0x160: {  	[sflag:s13] =	ssyncset.done $0x0  }
0x161: {  	s15 =	simm.s32 $0x100;
	s7 =	rddreg [dreg:$0x6];
	[sflag:s13] =	ssyncadd.s32 $0xFFFF4000  }
0x162: {  	[hbm4b:s7+s3] =	stream.linear.scatter [tilespmem:s15], [sflag:$0x3], $0xC000, $0x38;
	[tilespmem:$0x18100] =	vst v63  }
0x163: {  	_ =	swait.ge [sflag:s2], $0xC000  }
0x164: {  	[sflag:s2] =	ssyncset.done $0x0  }
0x165: {  	s16 =	rddreg [dreg:$0x7];
	[sflag:s2] =	ssyncadd.s32 $0xFFFF4000  }
0x166: {  	[hbm4b:s16+s3] =	stream.linear.scatter [tilespmem:s12], [sflag:$0x4], $0xC000, $0x38;
	[tilespmem:$0x18100] =	vst v63  }
0x167: {  	p0 =	sne.s32 s8, $0x1;
	_ =	swait.ge [sflag:s0], $0xC000  }
.Ltmp0:
0x168: {  	[sflag:s0] =	ssyncset.done $0x0;
	(pc) =	sbr.rel @p0 .LBB2_1-.Ltmp0, $4  }
0x169: {  	[sflag:s0] =	ssyncadd.s32 $0xFFFF4000  }
0x16a: {  	_ =	swait.ge [sflag:s4], $0xC000  }
0x16b: {  	[sflag:s4] =	ssyncset.done $0x0  }
0x16c: {  	s8 =	sadd.s32 $0xFFFFFFFF, s8;
	[sflag:s4] =	ssyncadd.s32 $0xFFFF4000  }
0x16d: {  	_ =	sfence.sel $0x180000  }
0x16e: {  	[bflag:$0x0] =	sbarrier.arrive $0xFFFF  }
0x16f: {  	_ =	strace $0x9000004D  }
0x170: {  	s0 =	stileid.u32;
	[bflag:$0x2] =	sbarrier.arrive $0xFFFF  }
0x171: {  	p0 =	sne.s32 s0, $0x0;
	s0 =	rddreg [dreg:$0x3]  }
0x172: {  	s0 =	sadd.s32 @!p0 $0x100000, s0  }
0x173: {  	[sflag:s0] =	ssyncadd.tile.s32 @!p0 $0x1;
	_ =	shalt  }
.Lfunc_end2:
_tile_overlayer_lowered:
.L_overlay_start_2:
0x174: {  	(tag) =	ssettag $0x2  }
0x175: {  	s0 =	rddreg [dreg:$0x0];
	s2 =	stileid.u32  }
0x176: {  	s1 =	rddreg [dreg:$0x1];
	p0 =	sne.s32 s2, $0x0  }
0x177: {  	s3 =	rddreg [dreg:$0x2];
	[bflag:$0x3] =	sbarrier.arrive $0xFFFF;
	s2 =	simm.s32 @!p0 $0x1C05  }
0x178: {  	[timem:s3], [sflag:s2] =	dma.local @!p0 [hbm:s0], s1  }
0x179: {  	s0 =	simm.s32 @!p0 $0x5  }
0x17a: {  	_ =	swait.ge @!p0 [sflag:s0], s1  }
0x17b: {  	s1 =	ssub.s32 @!p0 $0x0, s1;
	[sflag:s0] =	ssyncset.done @!p0 $0x0  }
0x17c: {  	[sflag:s0] =	ssyncadd.s32 @!p0 s1  }
0x17d: {  	[bflag:$0x3] =	sbarrier.arrive $0xFFFF  }
0x17e: {  	_ =	shalt  }

// kernel: kernel.19.cloned.1.call-start
scs
__scs_entry_jumppad:
0x0: {  	(pc) =	sbr.rel $0x88, $3  }
0x1: {  	(tag) =	ssettag $0x0;
	lr =	simm.s32 $0x1  }
0x2: {  	[smem:$0x3F9A] =	sst lr;
	_ =	strace $0xD0000000  }
0x3: {  	_ = 	snop  }
0x4: {  	_ = 	snop  }
0x5: {  	_ = 	snop  }
0x6: {  	_ = 	snop  }
0x7: {  	_ = 	snop  }
__scs_overlays_trampoline_lowered:
0x8: {  	[smem:$0x3FA9] =	sst s0  }
0x9: {  	[smem:$0x3FAA] =	sst s1  }
0xa: {  	[smem:$0x3FAB] =	sst s2  }
0xb: {  	[smem:$0x3FAC] =	sst s3  }
0xc: {  	[smem:$0x3FAD] =	sst s4  }
0xd: {  	[smem:$0x3FAE] =	sst s5  }
0xe: {  	[smem:$0x3FAF] =	sst s6  }
0xf: {  	[smem:$0x3FB0] =	sst s7  }
0x10: {  	[smem:$0x3FB1] =	sst s8  }
0x11: {  	[smem:$0x3FB2] =	sst s9;
	s0 =	simm.s32 @!p0 $0x0  }
0x12: {  	s1 =	sld [smem:$0x3F98];
	s0 =	simm.s32 @p0 $0x1  }
0x13: {  	[smem:$0x3FB3] =	sst s0;
	s0 =	simm.s32 @!p1 $0x0  }
0x14: {  	s2 =	sld [smem:$0x3F97];
	s0 =	simm.s32 @p1 $0x1  }
0x15: {  	[smem:$0x3FB4] =	sst s0;
	s0 =	simm.s32 @!p2 $0x0  }
0x16: {  	s3 =	sld [smem:$0x3FDB];
	s0 =	simm.s32 @p2 $0x1  }
0x17: {  	s4 =	simm.s32 $0x1BF5;
	[smem:$0x3FB6] =	sst s0  }
0x18: {  	s0 =	sld [smem:$0x3F99];
	_ =	swait.ge [sflag:s4], $0x0  }
0x19: {  	s7 =	sld [smem:$0x3F9A]  }
0x1a: {  	s8 =	sadd.s32 $0xFFFFE003, lr  }
0x1b: {  	s9 =	sadd.s32 $0xFFFFFEF7, lr;
	s5 =	simm.s32 $0xFFFFFFFF;
	p2 =	slt.u32 s8, $0xFFFFF086  }
0x1c: {  	p1 =	slt.u32 s9, $0xF7A;
	s5 =	simm.s32 @!p2 $0x0  }
0x1d: {  	s5 =	simm.s32 @p1 $0x1;
	p0 =	seq.s32 s7, s2  }
0x1e: {  	s7 =	smul.u32 @!p0 $0xF7A, s2;
	p2 =	seq.s32 @!p0 s5, $0x0  }
0x1f: {  	s9 =	smul.u32 $0xF7A, s1;
	s8 =	simm.s32 @!p0 $0x1BF5;
	p2 =	por !p2, p0  }
0x20: {  	[sflag:s8] =	ssyncset.s32 @!p0 $0xFFFFF086;
	s6 =	sadd.s32 @!p0 s3, s7;
	s7 =	simm.s32 @!p0 $0x108  }
0x21: {  	s3 =	sadd.s32 s3, s9;
	s6 =	sadd.s32 @!p0 $0x88, s6;
	s7 =	simm.s32 @p2 $0x1082  }
0x22: {  	[simem:s7], [sflag:s8] =	dma.local @!p0 [hbm:s6], $0xF7A  }
0x23: {  	s9 =	sor.u32 $0xD0000000, s2;
	s6 =	simm.s32 $0x108;
	_ =	swait.ge @!p0 [sflag:s8], $0x0  }
0x24: {  	s3 =	sadd.s32 $0x88, s3;
	s6 =	simm.s32 @!p1 $0x1082;
	[sflag:s4] =	ssyncset.s32 $0xFFFFF086  }
0x25: {  	[simem:s6], [sflag:s4] =	dma.local [hbm:s3], $0xF7A  }
0x26: {  	[smem:$0x3F9A] =	sst s1;
	(tag) =	ssettag s2;
	_ =	strace s9  }
0x27: {  	s1 =	sld [smem:$0x3FAA]  }
0x28: {  	s2 =	sld [smem:$0x3FAB]  }
0x29: {  	s4 =	sld [smem:$0x3FAD]  }
0x2a: {  	p0 =	seq.s32 s5, $0x0;
	s5 =	sld [smem:$0x3FAE]  }
0x2b: {  	s6 =	sld [smem:$0x3FAF]  }
0x2c: {  	s7 =	sld [smem:$0x3FB0]  }
0x2d: {  	s3 =	simm.s32 $0x108;
	s8 =	sld [smem:$0x3FB1]  }
0x2e: {  	s3 =	simm.s32 @!p0 $0x1082;
	s9 =	sld [smem:$0x3FB2]  }
0x2f: {  	lr =	sadd.s32 s0, s3;
	s0 =	sld [smem:$0x3FA9]  }
0x30: {  	s3 =	sld [smem:$0x3FAC]  }
0x31: {  	[smem:$0x3FB5] =	sst s10  }
0x32: {  	s10 =	sld [smem:$0x3FB3];
	_ =	sdelay $0x3  }
0x33: {  	p0 =	seq.s32 s10, $0x1;
	s10 =	sld [smem:$0x3FB5];
	_ =	sdelay $0x3  }
0x34: {  	[smem:$0x3FB5] =	sst s10  }
0x35: {  	s10 =	sld [smem:$0x3FB4];
	_ =	sdelay $0x3  }
0x36: {  	p1 =	seq.s32 s10, $0x1;
	s10 =	sld [smem:$0x3FB5];
	_ =	sdelay $0x3  }
0x37: {  	[smem:$0x3FB5] =	sst s10  }
0x38: {  	s10 =	sld [smem:$0x3FB6]  }
0x39: {  	_ = 	snop;
	(pc) =	sbr.ind lr, $3  }
0x3a: {  	_ = 	snop  }
0x3b: {  	_ = 	snop  }
0x3c: {  	p2 =	seq.s32 s10, $0x1;
	s10 =	sld [smem:$0x3FB5]  }
0x3d: {  	_ =	shalt  }
0x3e: {  	_ =	shalt  }
0x3f: {  	_ =	shalt  }
0x40: {  	_ =	shalt  }
0x41: {  	_ =	shalt  }
0x42: {  	_ =	shalt  }
0x43: {  	_ =	shalt  }
0x44: {  	_ =	shalt  }
0x45: {  	_ =	shalt  }
0x46: {  	_ =	shalt  }
0x47: {  	_ =	shalt  }
0x48: {  	_ =	shalt  }
0x49: {  	_ =	shalt  }
0x4a: {  	_ =	shalt  }
0x4b: {  	_ =	shalt  }
0x4c: {  	_ =	shalt  }
0x4d: {  	_ =	shalt  }
0x4e: {  	_ =	shalt  }
0x4f: {  	_ =	shalt  }
0x50: {  	_ =	shalt  }
0x51: {  	_ =	shalt  }
0x52: {  	_ =	shalt  }
0x53: {  	_ =	shalt  }
0x54: {  	_ =	shalt  }
0x55: {  	_ =	shalt  }
0x56: {  	_ =	shalt  }
0x57: {  	_ =	shalt  }
0x58: {  	_ =	shalt  }
0x59: {  	_ =	shalt  }
0x5a: {  	_ =	shalt  }
0x5b: {  	_ =	shalt  }
0x5c: {  	_ =	shalt  }
0x5d: {  	_ =	shalt  }
0x5e: {  	_ =	shalt  }
0x5f: {  	_ =	shalt  }
0x60: {  	_ =	shalt  }
0x61: {  	_ =	shalt  }
0x62: {  	_ =	shalt  }
0x63: {  	_ =	shalt  }
0x64: {  	_ =	shalt  }
0x65: {  	_ =	shalt  }
0x66: {  	_ =	shalt  }
0x67: {  	_ =	shalt  }
0x68: {  	_ =	shalt  }
0x69: {  	_ =	shalt  }
0x6a: {  	_ =	shalt  }
0x6b: {  	_ =	shalt  }
0x6c: {  	_ =	shalt  }
0x6d: {  	_ =	shalt  }
0x6e: {  	_ =	shalt  }
0x6f: {  	_ =	shalt  }
0x70: {  	_ =	shalt  }
0x71: {  	_ =	shalt  }
0x72: {  	_ =	shalt  }
0x73: {  	_ =	shalt  }
0x74: {  	_ =	shalt  }
0x75: {  	_ =	shalt  }
0x76: {  	_ =	shalt  }
0x77: {  	_ =	shalt  }
0x78: {  	_ =	shalt  }
0x79: {  	_ =	shalt  }
0x7a: {  	_ =	shalt  }
0x7b: {  	_ =	shalt  }
0x7c: {  	_ =	shalt  }
0x7d: {  	_ =	shalt  }
0x7e: {  	_ =	shalt  }
0x7f: {  	_ =	shalt  }
0x80: {  	_ =	shalt  }
0x81: {  	_ =	shalt  }
0x82: {  	_ =	shalt  }
0x83: {  	_ =	shalt  }
0x84: {  	_ =	shalt  }
0x85: {  	_ =	shalt  }
0x86: {  	_ =	shalt  }
0x87: {  	_ =	shalt  }
.Lfunc_end0:
.L_simem_size_0:
called_computation.3_lowered:
.L_overlay_start_0:
0x88: {  	s2 =	sld [smem:$0x3FD9]  }
0x89: {  	s3 =	sld [smem:$0x3FFE];
	_ =	sdelay $0x1  }
0x8a: {  	s1 =	srdreg.scid  }
0x8b: {  	s0 =	sand.u32 $0x1, s1  }
0x8c: {  	s17 =	sshll.u32 s0, $0xA;
	s2 =	sadd.s32 s3, s2  }
0x8d: {  	s2 =	sadd.s32 s2, s17  }
0x8e: {  	[smem:$0x3FC1] =	sst s2  }
0x8f: {  	_ = 	snop  }
0x90: {  	s18 =	sld [smem:$0x3FC9]  }
0x91: {  	s4 =	sld [smem:$0x3FC7];
	(tm) =	ssettm $0x1  }
0x92: {  	s19 =	sld [smem:$0x3FFB];
	_ =	sdelay $0x3  }
0x93: {  	_ =	strace s19  }
0x94: {  	s2 =	sld [smem:$0x3FFC];
	_ =	sdelay $0x3  }
0x95: {  	_ =	strace s2  }
0x96: {  	s2 =	sld [smem:$0x3FFD];
	_ =	sdelay $0x3  }
0x97: {  	_ =	strace s2  }
0x98: {  	_ =	strace $0x8FFFFFFF  }
0x99: {  	s20 =	sld [smem:$0x3FDB];
	_ =	sdelay $0x1  }
0x9a: {  	s5 =	simm.s32 $_scs_section_size  }
0x9b: {  	s6 =	simm.s32 $_size__tile_overlayer_lowered;
	s7 =	simm.s32 $_tile_overlayer_lowered  }
0x9c: {  	s8 =	simm.s32 $0x1BFF;
	s21 =	sshll.u32 s7, $0x1;
	s5 =	sadd.s32 s5, s20  }
0x9d: {  	s22 =	simm.s32 $0x0;
	s6 =	sshll.u32 s6, $0x1;
	s7 =	sadd.s32 s21, s5  }
0x9e: {  	[timem:s22], [sflag:s8] =	dma.local [hbm:s7], s6  }
0x9f: {  	_ =	swait.ge [sflag:s8], s6  }
0xa0: {  	s6 =	ssub.s32 $0x0, s6;
	[sflag:s8] =	ssyncset.done $0x0  }
0xa1: {  	[sflag:s8] =	ssyncadd.s32 s6;
	_ =	sdelay $0x1  }
0xa2: {  	s23 =	simm.s32 $0x1B8B  }
0xa3: {  	_ =	swait.ge [sflag:s23], $0x1  }
0xa4: {  	[sflag:s23] =	ssyncset.done $0x0  }
0xa5: {  	[sflag:s23] =	ssyncadd.s32 $0xFFFFFFFF  }
0xa6: {  	s6 =	sld [smem:$0x0]  }
0xa7: {  	s7 =	sand.u32 $0xFFFFFFFE, s1  }
0xa8: {  	p0 =	sne.s32 s1, s7  }
0xa9: {  	s7 =	sshll.u32 @p0 s7, $0xE  }
0xaa: {  	s7 =	sadd.s32 @p0 $0x11B8D, s7;
	s8 =	sshll.u32 @p0 s6, $0x11  }
0xab: {  	s7 =	sor.u32 @p0 s8, s7  }
0xac: {  	[sflag:s7] =	ssyncadd.remote.s32 @p0 $0x1;
	_ =	sdelay $0x1  }
0xad: {  	s7 =	simm.s32 @p0 $0x1B8D  }
0xae: {  	_ =	swait.eq @p0 [sflag:s7], $0x1  }
0xaf: {  	[sflag:s7] =	ssyncadd.s32 @p0 $0xFFFFFFFF  }
0xb0: {  	s8 =	sshll.u32 @!p0 s1, $0xE  }
0xb1: {  	s8 =	sor.u32 @!p0 $0x4000, s8;
	s7 =	simm.s32 @!p0 $0x1B8D  }
0xb2: {  	s6 =	sshll.u32 @!p0 s6, $0x11;
	s8 =	sadd.s32 @!p0 $0x11B8D, s8;
	_ =	swait.eq @!p0 [sflag:s7], $0x1  }
0xb3: {  	s6 =	sor.u32 @!p0 s6, s8;
	[sflag:s7] =	ssyncadd.s32 @!p0 $0xFFFFFFFF  }
0xb4: {  	s25 =	simm.s32 $0x1B8E;
	s24 =	sld [smem:$0x3FFE];
	[sflag:s6] =	ssyncadd.remote.s32 @!p0 $0x1  }
0xb5: {  	s26 =	simm.s32 $execute0_lowered;
	[smem:$0x3FD2] =	sst s25  }
0xb6: {  	s7 =	sshll.u32 s26, $0x1;
	_ =	strace $0x8000004F;
	[dreg:$0x1] =	wrdreg $0xFFFFFFFF  }
0xb7: {  	s28 =	simm.s32 $_size_execute0_lowered;
	s5 =	sadd.s32 s5, s7;
	[dreg:$0x0] =	wrdreg $0x0  }
0xb8: {  	s7 =	sshll.u32 s28, $0x1;
	[dreg:$0x2] =	wrdreg s5  }
0xb9: {  	[dreg:$0x3] =	wrdreg s7  }
0xba: {  	[dreg:$0x4] =	wrdreg $0xC0  }
0xbb: {  	_ =	task [dreg:s22], $0x5FFFF  }
0xbc: {  	[dreg:$0x1] =	wrdreg $0xFFFFFFFF  }
0xbd: {  	[dreg:$0x0] =	wrdreg $0x60  }
0xbe: {  	[dreg:$0x2] =	wrdreg s4  }
0xbf: {  	[dreg:$0x3] =	wrdreg s18  }
0xc0: {  	[dreg:$0x4] =	wrdreg s24  }
0xc1: {  	[dreg:$0x5] =	wrdreg $0xC  }
0xc2: {  	_ =	task.clear_ibuf [dreg:s22], $0x6FFFF;
	_ =	strace $0x9000004F  }
0xc3: {  	s29 =	simm.s32 $0xC;
	_ =	strace $0x80000051  }
0xc4: {  	_ =	swait.ge [sflag:s29], $0x1  }
0xc5: {  	[sflag:s29] =	ssyncadd.s32 $0xFFFFFFFF  }
0xc6: {  	_ =	strace $0x90000051  }
0xc7: {  	_ =	sfence  }
0xc8: {  	s30 =	sld [smem:$0x0];
	_ =	sdelay $0x2  }
0xc9: {  	s31 =	sshll.u32 s1, $0xD;
	s1 =	sshrl.u32 s1, $0x2  }
0xca: {  	s4 =	sand.u32 $0x4000, s31;
	s1 =	sadd.s32 s1, s30  }
0xcb: {  	s0 =	sor.u32 s4, s0;
	s1 =	sshll.u32 s1, $0x11  }
0xcc: {  	s0 =	sor.u32 s1, s0  }
0xcd: {  	s0 =	sadd.s32 $0x8F2B, s0  }
0xce: {  	[sflag:s0] =	ssyncadd.remote.s32 $0x1  }
0xcf: {  	_ =	sfence.sel $0xFFFF  }
0xd0: {  	[dreg:$0x0] =	wrdreg $0xFFFFFFFF;
	(pc) =	sbr.abs _section_cstart, $3  }
0xd1: {  	[dreg:$0x1] =	wrdreg $0xFFFFFFFF  }
0xd2: {  	_ =	task.clear_ibuf [dreg:s22], $0x2FFFF;
	_ =	strace $0x9FFFFFFF  }
0xd3: {  	(tm) =	ssettm $0x7FFFFFFF  }
tec
execute0_lowered:
.L_overlay_start_1:
0x0: {  	(tag) =	ssettag $0x1  }
0x1: {  	s1 =	rddreg [dreg:$0x0]  }
0x2: {  	s0 =	rddreg [dreg:$0x1]  }
0x3: {  	s2 =	rddreg [dreg:$0x2]  }
0x4: {  	s3 =	srdreg.scid;
	s8 =	stileid.u32  }
0x5: {  	s25 =	simm.s32 $0x80;
	s26 =	simm.s32 $0x400;
	s17 =	simm.s32 $0x1900  }
0x6: {  	s28 =	simm.s32 $0x6900;
	s29 =	simm.s32 $0x7100;
	s30 =	simm.s32 $0x7900  }
0x7: {  	s31 =	simm.s32 $0x8100;
	s9 =	simm.s32 $0xA100;
	s10 =	simm.s32 $0xB100  }
0x8: {  	s11 =	simm.s32 $0xB900;
	s12 =	simm.s32 $0xC100;
	s13 =	simm.s32 $0x1  }
0x9: {  	s4 =	sand.u32 $0x1, s3;
	s3 =	simm.s32 $0x0;
	s5 =	sshll.u32 s8, $0x9  }
0xa: {  	s8 =	sshll.u32 s8, $0x7;
	s2 =	sadd.s32 $0x242200, s2;
	s6 =	sshll.u32 s4, $0x8  }
0xb: {  	[smem:$0x7FF] =	sst s3;
	s7 =	sshll.u32 s4, $0xB;
	s18 =	sand.u32 $0x380, s8  }
0xc: {  	s4 =	ssub.s32 $0x2, s4;
	s6 =	sor.u32 s6, s5;
	s5 =	sand.u32 $0x1000, s5  }
0xd: {  	_ =	strace $0x80000050;
	s20 =	sshrl.u32 s4, $0x1;
	[dreg:$0x8] =	wrdreg s25  }
0xe: {  	[dreg:$0x9] =	wrdreg s26;
	s25 =	simm.s32 $0x5900;
	s26 =	simm.s32 $0x6100  }
0xf: {  	s5 =	sor.u32 s7, s5;
	s6 =	sshrl.u32 s6, $0x3;
	s4 =	ssub.s32 s4, s20  }
0x10: {  	s20 =	simm.s32 $0x3100;
	s5 =	sor.u32 s18, s5;
	s19 =	smul.u32 $0x300, s6  }
0x11: {  	s6 =	smul.u32 $0x1800, s6;
	s8 =	smax.u32 s4, $0x1;
	s5 =	sshrl.u32 s5, $0x3  }
0x12: {  	s18 =	simm.s32 $0x2100;
	s0 =	sadd.s32 s5, s0;
	s7 =	sadd.s32 s2, s19  }
0x13: {  	s21 =	sshrl.u32 s6, $0x3;
	s5 =	sadd.s32 $0x100, s1;
	s6 =	sadd.s32 $0x200, s1  }
0x14: {  	s19 =	simm.s32 $0x2900;
	s0 =	sadd.s32 $0xC00, s0;
	[dreg:$0xa] =	wrdreg s7  }
0x15: {  	s22 =	sadd.s32 $0x1800, s7;
	s2 =	sadd.s32 s2, s21;
	[dreg:$0x4] =	wrdreg s0  }
0x16: {  	v2 =	vlaneseq.u32;
	s21 =	simm.s32 $0x3900;
	[dreg:$0x5] =	wrdreg s22;
	s23 =	sadd.s32 $0x3000, s2  }
0x17: {  	vm0 =	vmmov $0xffff;
	v1 =	vshrl.u32 v2, $0x3;
	s24 =	sadd.s32 $0x4800, s2;
	s22 =	simm.s32 $0x4100;
	[dreg:$0x6] =	wrdreg s23  }
0x18: {  	v0 =	vand.u32 $0x7, v2;
	v2 =	vor.u32 $0x8, v2;
	v1 =	vmul.u32 $0x8, v1;
	[dreg:$0x7] =	wrdreg s24;
	s23 =	simm.s32 $0x4900;
	s24 =	simm.s32 $0x5100  }
.LBB2_1:
0x19: {  	s14 =	rddreg [dreg:$0x4]  }
0x1a: {  	s15 =	rddreg [dreg:$0x8]  }
0x1b: {  	s16 =	rddreg [dreg:$0x9];
	s0 =	simm.s32 $0x5  }
0x1c: {  	[tilespmem:s3], [sflag:$0x5] =	stream.strided.gather [hbm4b:s14+s15], $0x100, s16, s15, $0x38;
	[tilespmem:$0x18100] =	vst v63  }
0x1d: {  	_ =	swait.ge [sflag:s0], $0x100  }
0x1e: {  	[sflag:s0] =	ssyncset.done $0x0  }
0x1f: {  	[sflag:s0] =	ssyncadd.s32 $0xFFFFFF00  }
0x20: {  	v3 =	vld [tilespmem:$0x0];
	_ =	sdelay $0x4  }
0x21: {  	v4 =	vshrl.u32 v3, $0x3  }
0x22: {  	v4 =	vmul.u32 $0x30, v4  }
0x23: {  	v3 =	vand.u32 $0x7, v3  }
0x24: {  	v3 =	vor.u32 v3, v4  }
0x25: {  	v4 =	vperm.xlane v3, v0;
	_ =	sdelay $0x1  }
0x26: {  	v4 =	vadd.s32 v1, v4;
	_ =	sdelay $0x3  }
0x27: {  	s2 =	simm.s32 $0x100;
	v3 =	vperm.xlane v3, v2  }
0x28: {  	[tilespmem:s2], [sflag:$0x1] =	stream.indirect_vreg.gather [hbm4b:s1+s3], $0x80, v4, vm0, $0xb8;
	[tilespmem:$0x18100] =	vst v63  }
0x29: {  	s15 =	simm.s32 $0x900;
	v3 =	vadd.s32 v1, v3  }
0x2a: {  	[tilespmem:s15], [sflag:$0x1] =	stream.indirect_vreg.gather [hbm4b:s5+s3], $0x80, v4, vm0, $0xb8;
	[tilespmem:$0x18100] =	vst v63  }
0x2b: {  	s16 =	simm.s32 $0x1100  }
0x2c: {  	[tilespmem:s16], [sflag:$0x1] =	stream.indirect_vreg.gather [hbm4b:s6+s3], $0x80, v4, vm0, $0xb8;
	[tilespmem:$0x18100] =	vst v63  }
0x2d: {  	_ = 	snop  }
0x2e: {  	[tilespmem:s17], [sflag:$0x1] =	stream.indirect_vreg.gather [hbm4b:s1+s3], $0x80, v3, vm0, $0xb8;
	[tilespmem:$0x18100] =	vst v63  }
0x2f: {  	_ = 	snop  }
0x30: {  	[tilespmem:s18], [sflag:$0x1] =	stream.indirect_vreg.gather [hbm4b:s5+s3], $0x80, v3, vm0, $0xb8;
	[tilespmem:$0x18100] =	vst v63  }
0x31: {  	_ = 	snop  }
0x32: {  	[tilespmem:s19], [sflag:$0x1] =	stream.indirect_vreg.gather [hbm4b:s6+s3], $0x80, v3, vm0, $0xb8;
	[tilespmem:$0x18100] =	vst v63  }
0x33: {  	v3 =	vld [tilespmem:$0x10];
	_ =	sdelay $0x4  }
0x34: {  	v49 =	vshrl.u32 v3, $0x3  }
0x35: {  	v4 =	vmul.u32 $0x30, v49  }
0x36: {  	v3 =	vand.u32 $0x7, v3  }
0x37: {  	v3 =	vor.u32 v3, v4  }
0x38: {  	v4 =	vperm.xlane v3, v0;
	_ =	sdelay $0x1  }
0x39: {  	v4 =	vadd.s32 v1, v4;
	_ =	sdelay $0x3  }
0x3a: {  	v3 =	vperm.xlane v3, v2  }
0x3b: {  	[tilespmem:s20], [sflag:$0x1] =	stream.indirect_vreg.gather [hbm4b:s1+s3], $0x80, v4, vm0, $0xb8;
	[tilespmem:$0x18100] =	vst v63  }
0x3c: {  	v3 =	vadd.s32 v1, v3  }
0x3d: {  	[tilespmem:s21], [sflag:$0x1] =	stream.indirect_vreg.gather [hbm4b:s5+s3], $0x80, v4, vm0, $0xb8;
	[tilespmem:$0x18100] =	vst v63  }
0x3e: {  	_ = 	snop  }
0x3f: {  	[tilespmem:s22], [sflag:$0x1] =	stream.indirect_vreg.gather [hbm4b:s6+s3], $0x80, v4, vm0, $0xb8;
	[tilespmem:$0x18100] =	vst v63  }
0x40: {  	_ = 	snop  }
0x41: {  	[tilespmem:s23], [sflag:$0x1] =	stream.indirect_vreg.gather [hbm4b:s1+s3], $0x80, v3, vm0, $0xb8;
	[tilespmem:$0x18100] =	vst v63  }
0x42: {  	_ = 	snop  }
0x43: {  	[tilespmem:s24], [sflag:$0x1] =	stream.indirect_vreg.gather [hbm4b:s5+s3], $0x80, v3, vm0, $0xb8;
	[tilespmem:$0x18100] =	vst v63  }
0x44: {  	_ = 	snop  }
0x45: {  	[tilespmem:s25], [sflag:$0x1] =	stream.indirect_vreg.gather [hbm4b:s6+s3], $0x80, v3, vm0, $0xb8;
	[tilespmem:$0x18100] =	vst v63  }
0x46: {  	v3 =	vld [tilespmem:$0x20];
	_ =	sdelay $0x4  }
0x47: {  	v50 =	vshrl.u32 v3, $0x3  }
0x48: {  	v4 =	vmul.u32 $0x30, v50  }
0x49: {  	v3 =	vand.u32 $0x7, v3  }
0x4a: {  	v3 =	vor.u32 v3, v4  }
0x4b: {  	v4 =	vperm.xlane v3, v0;
	_ =	sdelay $0x1  }
0x4c: {  	v4 =	vadd.s32 v1, v4;
	_ =	sdelay $0x3  }
0x4d: {  	v3 =	vperm.xlane v3, v2  }
0x4e: {  	[tilespmem:s26], [sflag:$0x1] =	stream.indirect_vreg.gather [hbm4b:s1+s3], $0x80, v4, vm0, $0xb8;
	[tilespmem:$0x18100] =	vst v63  }
0x4f: {  	v3 =	vadd.s32 v1, v3  }
0x50: {  	[tilespmem:s28], [sflag:$0x1] =	stream.indirect_vreg.gather [hbm4b:s5+s3], $0x80, v4, vm0, $0xb8;
	[tilespmem:$0x18100] =	vst v63  }
0x51: {  	_ = 	snop  }
0x52: {  	[tilespmem:s29], [sflag:$0x1] =	stream.indirect_vreg.gather [hbm4b:s6+s3], $0x80, v4, vm0, $0xb8;
	[tilespmem:$0x18100] =	vst v63  }
0x53: {  	_ = 	snop  }
0x54: {  	[tilespmem:s30], [sflag:$0x1] =	stream.indirect_vreg.gather [hbm4b:s1+s3], $0x80, v3, vm0, $0xb8;
	[tilespmem:$0x18100] =	vst v63  }
0x55: {  	_ = 	snop  }
0x56: {  	[tilespmem:s31], [sflag:$0x1] =	stream.indirect_vreg.gather [hbm4b:s5+s3], $0x80, v3, vm0, $0xb8;
	[tilespmem:$0x18100] =	vst v63  }
0x57: {  	s4 =	simm.s32 $0x8900  }
0x58: {  	[tilespmem:s4], [sflag:$0x1] =	stream.indirect_vreg.gather [hbm4b:s6+s3], $0x80, v3, vm0, $0xb8;
	[tilespmem:$0x18100] =	vst v63  }
0x59: {  	v3 =	vld [tilespmem:$0x30];
	_ =	sdelay $0x4  }
0x5a: {  	v51 =	vshrl.u32 v3, $0x3  }
0x5b: {  	v4 =	vmul.u32 $0x30, v51  }
0x5c: {  	v3 =	vand.u32 $0x7, v3  }
0x5d: {  	v3 =	vor.u32 v3, v4  }
0x5e: {  	v4 =	vperm.xlane v3, v0;
	_ =	sdelay $0x1  }
0x5f: {  	v4 =	vadd.s32 v1, v4;
	_ =	sdelay $0x3  }
0x60: {  	s2 =	simm.s32 $0x9100;
	v3 =	vperm.xlane v3, v2  }
0x61: {  	[tilespmem:s2], [sflag:$0x1] =	stream.indirect_vreg.gather [hbm4b:s1+s3], $0x80, v4, vm0, $0xb8;
	[tilespmem:$0x18100] =	vst v63  }
0x62: {  	s7 =	simm.s32 $0x9900;
	v3 =	vadd.s32 v1, v3  }
0x63: {  	[tilespmem:s7], [sflag:$0x1] =	stream.indirect_vreg.gather [hbm4b:s5+s3], $0x80, v4, vm0, $0xb8;
	[tilespmem:$0x18100] =	vst v63  }
0x64: {  	_ = 	snop  }
0x65: {  	[tilespmem:s9], [sflag:$0x1] =	stream.indirect_vreg.gather [hbm4b:s6+s3], $0x80, v4, vm0, $0xb8;
	[tilespmem:$0x18100] =	vst v63  }
0x66: {  	s4 =	simm.s32 $0xA900  }
0x67: {  	[tilespmem:s4], [sflag:$0x1] =	stream.indirect_vreg.gather [hbm4b:s1+s3], $0x80, v3, vm0, $0xb8;
	[tilespmem:$0x18100] =	vst v63  }
0x68: {  	_ = 	snop  }
0x69: {  	[tilespmem:s10], [sflag:$0x1] =	stream.indirect_vreg.gather [hbm4b:s5+s3], $0x80, v3, vm0, $0xb8;
	[tilespmem:$0x18100] =	vst v63  }
0x6a: {  	_ = 	snop  }
0x6b: {  	[tilespmem:s11], [sflag:$0x1] =	stream.indirect_vreg.gather [hbm4b:s6+s3], $0x80, v3, vm0, $0xb8;
	[tilespmem:$0x18100] =	vst v63  }
0x6c: {  	v3 =	vld [tilespmem:$0x40];
	_ =	sdelay $0x4  }
0x6d: {  	v52 =	vshrl.u32 v3, $0x3  }
0x6e: {  	v4 =	vmul.u32 $0x30, v52  }
0x6f: {  	v3 =	vand.u32 $0x7, v3  }
0x70: {  	v3 =	vor.u32 v3, v4  }
0x71: {  	v4 =	vperm.xlane v3, v0;
	_ =	sdelay $0x1  }
0x72: {  	v4 =	vadd.s32 v1, v4;
	_ =	sdelay $0x3  }
0x73: {  	v3 =	vperm.xlane v3, v2  }
0x74: {  	[tilespmem:s12], [sflag:$0x2] =	stream.indirect_vreg.gather [hbm4b:s1+s3], $0x80, v4, vm0, $0xb8;
	[tilespmem:$0x18100] =	vst v63  }
0x75: {  	s14 =	simm.s32 $0xC900;
	v3 =	vadd.s32 v1, v3  }
0x76: {  	[tilespmem:s14], [sflag:$0x2] =	stream.indirect_vreg.gather [hbm4b:s5+s3], $0x80, v4, vm0, $0xb8;
	[tilespmem:$0x18100] =	vst v63  }
0x77: {  	s7 =	simm.s32 $0xD100  }
0x78: {  	[tilespmem:s7], [sflag:$0x2] =	stream.indirect_vreg.gather [hbm4b:s6+s3], $0x80, v4, vm0, $0xb8;
	[tilespmem:$0x18100] =	vst v63  }
0x79: {  	s14 =	simm.s32 $0xD900  }
0x7a: {  	[tilespmem:s14], [sflag:$0x2] =	stream.indirect_vreg.gather [hbm4b:s1+s3], $0x80, v3, vm0, $0xb8;
	[tilespmem:$0x18100] =	vst v63  }
0x7b: {  	s7 =	simm.s32 $0xE100  }
0x7c: {  	[tilespmem:s7], [sflag:$0x2] =	stream.indirect_vreg.gather [hbm4b:s5+s3], $0x80, v3, vm0, $0xb8;
	[tilespmem:$0x18100] =	vst v63  }
0x7d: {  	s14 =	simm.s32 $0xE900  }
0x7e: {  	[tilespmem:s14], [sflag:$0x2] =	stream.indirect_vreg.gather [hbm4b:s6+s3], $0x80, v3, vm0, $0xb8;
	[tilespmem:$0x18100] =	vst v63  }
0x7f: {  	v3 =	vld [tilespmem:$0x50];
	_ =	sdelay $0x4  }
0x80: {  	v53 =	vshrl.u32 v3, $0x3  }
0x81: {  	v4 =	vmul.u32 $0x30, v53  }
0x82: {  	v3 =	vand.u32 $0x7, v3  }
0x83: {  	v3 =	vor.u32 v3, v4  }
0x84: {  	v4 =	vperm.xlane v3, v0;
	_ =	sdelay $0x1  }
0x85: {  	v4 =	vadd.s32 v1, v4;
	_ =	sdelay $0x3  }
0x86: {  	s7 =	simm.s32 $0xF100;
	v3 =	vperm.xlane v3, v2  }
0x87: {  	[tilespmem:s7], [sflag:$0x2] =	stream.indirect_vreg.gather [hbm4b:s1+s3], $0x80, v4, vm0, $0xb8;
	[tilespmem:$0x18100] =	vst v63  }
0x88: {  	s14 =	simm.s32 $0xF900;
	v3 =	vadd.s32 v1, v3  }
0x89: {  	[tilespmem:s14], [sflag:$0x2] =	stream.indirect_vreg.gather [hbm4b:s5+s3], $0x80, v4, vm0, $0xb8;
	[tilespmem:$0x18100] =	vst v63  }
0x8a: {  	s7 =	simm.s32 $0x10100  }
0x8b: {  	[tilespmem:s7], [sflag:$0x2] =	stream.indirect_vreg.gather [hbm4b:s6+s3], $0x80, v4, vm0, $0xb8;
	[tilespmem:$0x18100] =	vst v63  }
0x8c: {  	s14 =	simm.s32 $0x10900  }
0x8d: {  	[tilespmem:s14], [sflag:$0x2] =	stream.indirect_vreg.gather [hbm4b:s1+s3], $0x80, v3, vm0, $0xb8;
	[tilespmem:$0x18100] =	vst v63  }
0x8e: {  	s7 =	simm.s32 $0x11100  }
0x8f: {  	[tilespmem:s7], [sflag:$0x2] =	stream.indirect_vreg.gather [hbm4b:s5+s3], $0x80, v3, vm0, $0xb8;
	[tilespmem:$0x18100] =	vst v63  }
0x90: {  	s14 =	simm.s32 $0x11900  }
0x91: {  	[tilespmem:s14], [sflag:$0x2] =	stream.indirect_vreg.gather [hbm4b:s6+s3], $0x80, v3, vm0, $0xb8;
	[tilespmem:$0x18100] =	vst v63  }
0x92: {  	v3 =	vld [tilespmem:$0x60];
	_ =	sdelay $0x4  }
0x93: {  	v54 =	vshrl.u32 v3, $0x3  }
0x94: {  	v4 =	vmul.u32 $0x30, v54  }
0x95: {  	v3 =	vand.u32 $0x7, v3  }
0x96: {  	v3 =	vor.u32 v3, v4  }
0x97: {  	v4 =	vperm.xlane v3, v0;
	_ =	sdelay $0x1  }
0x98: {  	v4 =	vadd.s32 v1, v4;
	_ =	sdelay $0x3  }
0x99: {  	s7 =	simm.s32 $0x12100;
	v3 =	vperm.xlane v3, v2  }
0x9a: {  	[tilespmem:s7], [sflag:$0x2] =	stream.indirect_vreg.gather [hbm4b:s1+s3], $0x80, v4, vm0, $0xb8;
	[tilespmem:$0x18100] =	vst v63  }
0x9b: {  	s14 =	simm.s32 $0x12900;
	v3 =	vadd.s32 v1, v3  }
0x9c: {  	[tilespmem:s14], [sflag:$0x2] =	stream.indirect_vreg.gather [hbm4b:s5+s3], $0x80, v4, vm0, $0xb8;
	[tilespmem:$0x18100] =	vst v63  }
0x9d: {  	s7 =	simm.s32 $0x13100  }
0x9e: {  	[tilespmem:s7], [sflag:$0x2] =	stream.indirect_vreg.gather [hbm4b:s6+s3], $0x80, v4, vm0, $0xb8;
	[tilespmem:$0x18100] =	vst v63  }
0x9f: {  	s14 =	simm.s32 $0x13900  }
0xa0: {  	[tilespmem:s14], [sflag:$0x2] =	stream.indirect_vreg.gather [hbm4b:s1+s3], $0x80, v3, vm0, $0xb8;
	[tilespmem:$0x18100] =	vst v63  }
0xa1: {  	s7 =	simm.s32 $0x14100  }
0xa2: {  	[tilespmem:s7], [sflag:$0x2] =	stream.indirect_vreg.gather [hbm4b:s5+s3], $0x80, v3, vm0, $0xb8;
	[tilespmem:$0x18100] =	vst v63  }
0xa3: {  	s14 =	simm.s32 $0x14900  }
0xa4: {  	[tilespmem:s14], [sflag:$0x2] =	stream.indirect_vreg.gather [hbm4b:s6+s3], $0x80, v3, vm0, $0xb8;
	[tilespmem:$0x18100] =	vst v63  }
0xa5: {  	v3 =	vld [tilespmem:$0x70];
	_ =	sdelay $0x4  }
0xa6: {  	v55 =	vshrl.u32 v3, $0x3  }
0xa7: {  	v4 =	vmul.u32 $0x30, v55  }
0xa8: {  	v3 =	vand.u32 $0x7, v3  }
0xa9: {  	v3 =	vor.u32 v3, v4  }
0xaa: {  	v4 =	vperm.xlane v3, v0;
	_ =	sdelay $0x1  }
0xab: {  	v4 =	vadd.s32 v1, v4;
	_ =	sdelay $0x3  }
0xac: {  	s7 =	simm.s32 $0x15100;
	v3 =	vperm.xlane v3, v2  }
0xad: {  	[tilespmem:s7], [sflag:$0x2] =	stream.indirect_vreg.gather [hbm4b:s1+s3], $0x80, v4, vm0, $0xb8;
	[tilespmem:$0x18100] =	vst v63  }
0xae: {  	s14 =	simm.s32 $0x15900;
	v3 =	vadd.s32 v1, v3  }
0xaf: {  	[tilespmem:s14], [sflag:$0x2] =	stream.indirect_vreg.gather [hbm4b:s5+s3], $0x80, v4, vm0, $0xb8;
	[tilespmem:$0x18100] =	vst v63  }
0xb0: {  	s7 =	simm.s32 $0x16100  }
0xb1: {  	[tilespmem:s7], [sflag:$0x2] =	stream.indirect_vreg.gather [hbm4b:s6+s3], $0x80, v4, vm0, $0xb8;
	[tilespmem:$0x18100] =	vst v63  }
0xb2: {  	s14 =	simm.s32 $0x16900  }
0xb3: {  	[tilespmem:s14], [sflag:$0x2] =	stream.indirect_vreg.gather [hbm4b:s1+s3], $0x80, v3, vm0, $0xb8;
	[tilespmem:$0x18100] =	vst v63  }
0xb4: {  	s7 =	simm.s32 $0x17100  }
0xb5: {  	[tilespmem:s7], [sflag:$0x2] =	stream.indirect_vreg.gather [hbm4b:s5+s3], $0x80, v3, vm0, $0xb8;
	[tilespmem:$0x18100] =	vst v63  }
0xb6: {  	s14 =	simm.s32 $0x17900  }
0xb7: {  	[tilespmem:s14], [sflag:$0x2] =	stream.indirect_vreg.gather [hbm4b:s6+s3], $0x80, v3, vm0, $0xb8;
	[tilespmem:$0x18100] =	vst v63  }
0xb8: {  	_ =	swait.ge [sflag:s13], $0xC000  }
0xb9: {  	[sflag:s13] =	ssyncset.done $0x0  }
0xba: {  	s7 =	simm.s32 $0x100;
	s0 =	rddreg [dreg:$0xa];
	[sflag:s13] =	ssyncadd.s32 $0xFFFF4000  }
0xbb: {  	[hbm4b:s0+s3] =	stream.linear.scatter [tilespmem:s7], [sflag:$0x3], $0xC000, $0x38;
	[tilespmem:$0x18100] =	vst v63  }
0xbc: {  	s0 =	simm.s32 $0x3  }
0xbd: {  	_ =	swait.ge [sflag:s0], $0xC000  }
0xbe: {  	[sflag:s0] =	ssyncset.done $0x0  }
0xbf: {  	[sflag:s0] =	ssyncadd.s32 $0xFFFF4000  }
0xc0: {  	v3 =	vld [tilespmem:$0x80];
	_ =	sdelay $0x4  }
0xc1: {  	v56 =	vshrl.u32 v3, $0x3  }
0xc2: {  	v4 =	vmul.u32 $0x30, v56  }
0xc3: {  	v3 =	vand.u32 $0x7, v3  }
0xc4: {  	v3 =	vor.u32 v3, v4  }
0xc5: {  	v4 =	vperm.xlane v3, v0;
	_ =	sdelay $0x1  }
0xc6: {  	v4 =	vadd.s32 v1, v4;
	_ =	sdelay $0x3  }
0xc7: {  	v3 =	vperm.xlane v3, v2  }
0xc8: {  	[tilespmem:s7], [sflag:$0x1] =	stream.indirect_vreg.gather [hbm4b:s1+s3], $0x80, v4, vm0, $0xb8;
	[tilespmem:$0x18100] =	vst v63  }
0xc9: {  	v3 =	vadd.s32 v1, v3  }
0xca: {  	[tilespmem:s15], [sflag:$0x1] =	stream.indirect_vreg.gather [hbm4b:s5+s3], $0x80, v4, vm0, $0xb8;
	[tilespmem:$0x18100] =	vst v63  }
0xcb: {  	_ = 	snop  }
0xcc: {  	[tilespmem:s16], [sflag:$0x1] =	stream.indirect_vreg.gather [hbm4b:s6+s3], $0x80, v4, vm0, $0xb8;
	[tilespmem:$0x18100] =	vst v63  }
0xcd: {  	_ = 	snop  }
0xce: {  	[tilespmem:s17], [sflag:$0x1] =	stream.indirect_vreg.gather [hbm4b:s1+s3], $0x80, v3, vm0, $0xb8;
	[tilespmem:$0x18100] =	vst v63  }
0xcf: {  	_ = 	snop  }
0xd0: {  	[tilespmem:s18], [sflag:$0x1] =	stream.indirect_vreg.gather [hbm4b:s5+s3], $0x80, v3, vm0, $0xb8;
	[tilespmem:$0x18100] =	vst v63  }
0xd1: {  	_ = 	snop  }
0xd2: {  	[tilespmem:s19], [sflag:$0x1] =	stream.indirect_vreg.gather [hbm4b:s6+s3], $0x80, v3, vm0, $0xb8;
	[tilespmem:$0x18100] =	vst v63  }
0xd3: {  	v3 =	vld [tilespmem:$0x90];
	_ =	sdelay $0x4  }
0xd4: {  	v57 =	vshrl.u32 v3, $0x3  }
0xd5: {  	v4 =	vmul.u32 $0x30, v57  }
0xd6: {  	v3 =	vand.u32 $0x7, v3  }
0xd7: {  	v3 =	vor.u32 v3, v4  }
0xd8: {  	v4 =	vperm.xlane v3, v0;
	_ =	sdelay $0x1  }
0xd9: {  	v4 =	vadd.s32 v1, v4;
	_ =	sdelay $0x3  }
0xda: {  	v3 =	vperm.xlane v3, v2  }
0xdb: {  	[tilespmem:s20], [sflag:$0x1] =	stream.indirect_vreg.gather [hbm4b:s1+s3], $0x80, v4, vm0, $0xb8;
	[tilespmem:$0x18100] =	vst v63  }
0xdc: {  	v3 =	vadd.s32 v1, v3  }
0xdd: {  	[tilespmem:s21], [sflag:$0x1] =	stream.indirect_vreg.gather [hbm4b:s5+s3], $0x80, v4, vm0, $0xb8;
	[tilespmem:$0x18100] =	vst v63  }
0xde: {  	_ = 	snop  }
0xdf: {  	[tilespmem:s22], [sflag:$0x1] =	stream.indirect_vreg.gather [hbm4b:s6+s3], $0x80, v4, vm0, $0xb8;
	[tilespmem:$0x18100] =	vst v63  }
0xe0: {  	_ = 	snop  }
0xe1: {  	[tilespmem:s23], [sflag:$0x1] =	stream.indirect_vreg.gather [hbm4b:s1+s3], $0x80, v3, vm0, $0xb8;
	[tilespmem:$0x18100] =	vst v63  }
0xe2: {  	_ = 	snop  }
0xe3: {  	[tilespmem:s24], [sflag:$0x1] =	stream.indirect_vreg.gather [hbm4b:s5+s3], $0x80, v3, vm0, $0xb8;
	[tilespmem:$0x18100] =	vst v63  }
0xe4: {  	_ = 	snop  }
0xe5: {  	[tilespmem:s25], [sflag:$0x1] =	stream.indirect_vreg.gather [hbm4b:s6+s3], $0x80, v3, vm0, $0xb8;
	[tilespmem:$0x18100] =	vst v63  }
0xe6: {  	v3 =	vld [tilespmem:$0xA0];
	_ =	sdelay $0x4  }
0xe7: {  	v58 =	vshrl.u32 v3, $0x3  }
0xe8: {  	v4 =	vmul.u32 $0x30, v58  }
0xe9: {  	v3 =	vand.u32 $0x7, v3  }
0xea: {  	v3 =	vor.u32 v3, v4  }
0xeb: {  	v4 =	vperm.xlane v3, v0;
	_ =	sdelay $0x1  }
0xec: {  	v4 =	vadd.s32 v1, v4;
	_ =	sdelay $0x3  }
0xed: {  	v3 =	vperm.xlane v3, v2  }
0xee: {  	[tilespmem:s26], [sflag:$0x1] =	stream.indirect_vreg.gather [hbm4b:s1+s3], $0x80, v4, vm0, $0xb8;
	[tilespmem:$0x18100] =	vst v63  }
0xef: {  	v3 =	vadd.s32 v1, v3  }
0xf0: {  	[tilespmem:s28], [sflag:$0x1] =	stream.indirect_vreg.gather [hbm4b:s5+s3], $0x80, v4, vm0, $0xb8;
	[tilespmem:$0x18100] =	vst v63  }
0xf1: {  	_ = 	snop  }
0xf2: {  	[tilespmem:s29], [sflag:$0x1] =	stream.indirect_vreg.gather [hbm4b:s6+s3], $0x80, v4, vm0, $0xb8;
	[tilespmem:$0x18100] =	vst v63  }
0xf3: {  	_ = 	snop  }
0xf4: {  	[tilespmem:s30], [sflag:$0x1] =	stream.indirect_vreg.gather [hbm4b:s1+s3], $0x80, v3, vm0, $0xb8;
	[tilespmem:$0x18100] =	vst v63  }
0xf5: {  	_ = 	snop  }
0xf6: {  	[tilespmem:s31], [sflag:$0x1] =	stream.indirect_vreg.gather [hbm4b:s5+s3], $0x80, v3, vm0, $0xb8;
	[tilespmem:$0x18100] =	vst v63  }
0xf7: {  	s15 =	simm.s32 $0x8900  }
0xf8: {  	[tilespmem:s15], [sflag:$0x1] =	stream.indirect_vreg.gather [hbm4b:s6+s3], $0x80, v3, vm0, $0xb8;
	[tilespmem:$0x18100] =	vst v63  }
0xf9: {  	v3 =	vld [tilespmem:$0xB0];
	_ =	sdelay $0x4  }
0xfa: {  	v59 =	vshrl.u32 v3, $0x3  }
0xfb: {  	v4 =	vmul.u32 $0x30, v59  }
0xfc: {  	v3 =	vand.u32 $0x7, v3  }
0xfd: {  	v3 =	vor.u32 v3, v4  }
0xfe: {  	v4 =	vperm.xlane v3, v0;
	_ =	sdelay $0x1  }
0xff: {  	v4 =	vadd.s32 v1, v4;
	_ =	sdelay $0x3  }
0x100: {  	v3 =	vperm.xlane v3, v2  }
0x101: {  	[tilespmem:s2], [sflag:$0x1] =	stream.indirect_vreg.gather [hbm4b:s1+s3], $0x80, v4, vm0, $0xb8;
	[tilespmem:$0x18100] =	vst v63  }
0x102: {  	s16 =	simm.s32 $0x9900;
	v3 =	vadd.s32 v1, v3  }
0x103: {  	[tilespmem:s16], [sflag:$0x1] =	stream.indirect_vreg.gather [hbm4b:s5+s3], $0x80, v4, vm0, $0xb8;
	[tilespmem:$0x18100] =	vst v63  }
0x104: {  	_ = 	snop  }
0x105: {  	[tilespmem:s9], [sflag:$0x1] =	stream.indirect_vreg.gather [hbm4b:s6+s3], $0x80, v4, vm0, $0xb8;
	[tilespmem:$0x18100] =	vst v63  }
0x106: {  	_ = 	snop  }
0x107: {  	[tilespmem:s4], [sflag:$0x1] =	stream.indirect_vreg.gather [hbm4b:s1+s3], $0x80, v3, vm0, $0xb8;
	[tilespmem:$0x18100] =	vst v63  }
0x108: {  	_ = 	snop  }
0x109: {  	[tilespmem:s10], [sflag:$0x1] =	stream.indirect_vreg.gather [hbm4b:s5+s3], $0x80, v3, vm0, $0xb8;
	[tilespmem:$0x18100] =	vst v63  }
0x10a: {  	s2 =	simm.s32 $0x2  }
0x10b: {  	[tilespmem:s11], [sflag:$0x1] =	stream.indirect_vreg.gather [hbm4b:s6+s3], $0x80, v3, vm0, $0xb8;
	[tilespmem:$0x18100] =	vst v63  }
0x10c: {  	_ =	swait.ge [sflag:s2], $0xC000  }
0x10d: {  	[sflag:s2] =	ssyncset.done $0x0  }
0x10e: {  	s4 =	simm.s32 $0x4;
	s7 =	rddreg [dreg:$0x5];
	[sflag:s2] =	ssyncadd.s32 $0xFFFF4000  }
0x10f: {  	[hbm4b:s7+s3] =	stream.linear.scatter [tilespmem:s12], [sflag:$0x4], $0xC000, $0x38;
	[tilespmem:$0x18100] =	vst v63  }
0x110: {  	_ =	swait.ge [sflag:s4], $0xC000  }
0x111: {  	[sflag:s4] =	ssyncset.done $0x0  }
0x112: {  	[sflag:s4] =	ssyncadd.s32 $0xFFFF4000  }
0x113: {  	v3 =	vld [tilespmem:$0xC0];
	_ =	sdelay $0x4  }
0x114: {  	v60 =	vshrl.u32 v3, $0x3  }
0x115: {  	v4 =	vmul.u32 $0x30, v60  }
0x116: {  	v3 =	vand.u32 $0x7, v3  }
0x117: {  	v3 =	vor.u32 v3, v4  }
0x118: {  	v4 =	vperm.xlane v3, v0;
	_ =	sdelay $0x1  }
0x119: {  	v4 =	vadd.s32 v1, v4;
	_ =	sdelay $0x3  }
0x11a: {  	v3 =	vperm.xlane v3, v2  }
0x11b: {  	[tilespmem:s12], [sflag:$0x2] =	stream.indirect_vreg.gather [hbm4b:s1+s3], $0x80, v4, vm0, $0xb8;
	[tilespmem:$0x18100] =	vst v63  }
0x11c: {  	s15 =	simm.s32 $0xC900;
	v3 =	vadd.s32 v1, v3  }
0x11d: {  	[tilespmem:s15], [sflag:$0x2] =	stream.indirect_vreg.gather [hbm4b:s5+s3], $0x80, v4, vm0, $0xb8;
	[tilespmem:$0x18100] =	vst v63  }
0x11e: {  	s16 =	simm.s32 $0xD100  }
0x11f: {  	[tilespmem:s16], [sflag:$0x2] =	stream.indirect_vreg.gather [hbm4b:s6+s3], $0x80, v4, vm0, $0xb8;
	[tilespmem:$0x18100] =	vst v63  }
0x120: {  	s14 =	simm.s32 $0xD900  }
0x121: {  	[tilespmem:s14], [sflag:$0x2] =	stream.indirect_vreg.gather [hbm4b:s1+s3], $0x80, v3, vm0, $0xb8;
	[tilespmem:$0x18100] =	vst v63  }
0x122: {  	s15 =	simm.s32 $0xE100  }
0x123: {  	[tilespmem:s15], [sflag:$0x2] =	stream.indirect_vreg.gather [hbm4b:s5+s3], $0x80, v3, vm0, $0xb8;
	[tilespmem:$0x18100] =	vst v63  }
0x124: {  	s16 =	simm.s32 $0xE900  }
0x125: {  	[tilespmem:s16], [sflag:$0x2] =	stream.indirect_vreg.gather [hbm4b:s6+s3], $0x80, v3, vm0, $0xb8;
	[tilespmem:$0x18100] =	vst v63  }
0x126: {  	v3 =	vld [tilespmem:$0xD0];
	_ =	sdelay $0x4  }
0x127: {  	v61 =	vshrl.u32 v3, $0x3  }
0x128: {  	v4 =	vmul.u32 $0x30, v61  }
0x129: {  	v3 =	vand.u32 $0x7, v3  }
0x12a: {  	v3 =	vor.u32 v3, v4  }
0x12b: {  	v4 =	vperm.xlane v3, v0;
	_ =	sdelay $0x1  }
0x12c: {  	v4 =	vadd.s32 v1, v4;
	_ =	sdelay $0x3  }
0x12d: {  	s14 =	simm.s32 $0xF100;
	v3 =	vperm.xlane v3, v2  }
0x12e: {  	[tilespmem:s14], [sflag:$0x2] =	stream.indirect_vreg.gather [hbm4b:s1+s3], $0x80, v4, vm0, $0xb8;
	[tilespmem:$0x18100] =	vst v63  }
0x12f: {  	s15 =	simm.s32 $0xF900;
	v3 =	vadd.s32 v1, v3  }
0x130: {  	[tilespmem:s15], [sflag:$0x2] =	stream.indirect_vreg.gather [hbm4b:s5+s3], $0x80, v4, vm0, $0xb8;
	[tilespmem:$0x18100] =	vst v63  }
0x131: {  	s16 =	simm.s32 $0x10100  }
0x132: {  	[tilespmem:s16], [sflag:$0x2] =	stream.indirect_vreg.gather [hbm4b:s6+s3], $0x80, v4, vm0, $0xb8;
	[tilespmem:$0x18100] =	vst v63  }
0x133: {  	s14 =	simm.s32 $0x10900  }
0x134: {  	[tilespmem:s14], [sflag:$0x2] =	stream.indirect_vreg.gather [hbm4b:s1+s3], $0x80, v3, vm0, $0xb8;
	[tilespmem:$0x18100] =	vst v63  }
0x135: {  	s15 =	simm.s32 $0x11100  }
0x136: {  	[tilespmem:s15], [sflag:$0x2] =	stream.indirect_vreg.gather [hbm4b:s5+s3], $0x80, v3, vm0, $0xb8;
	[tilespmem:$0x18100] =	vst v63  }
0x137: {  	s16 =	simm.s32 $0x11900  }
0x138: {  	[tilespmem:s16], [sflag:$0x2] =	stream.indirect_vreg.gather [hbm4b:s6+s3], $0x80, v3, vm0, $0xb8;
	[tilespmem:$0x18100] =	vst v63  }
0x139: {  	v3 =	vld [tilespmem:$0xE0];
	_ =	sdelay $0x4  }
0x13a: {  	v62 =	vshrl.u32 v3, $0x3  }
0x13b: {  	v4 =	vmul.u32 $0x30, v62  }
0x13c: {  	v3 =	vand.u32 $0x7, v3  }
0x13d: {  	v3 =	vor.u32 v3, v4  }
0x13e: {  	v4 =	vperm.xlane v3, v0;
	_ =	sdelay $0x1  }
0x13f: {  	v4 =	vadd.s32 v1, v4;
	_ =	sdelay $0x3  }
0x140: {  	s14 =	simm.s32 $0x12100;
	v3 =	vperm.xlane v3, v2  }
0x141: {  	[tilespmem:s14], [sflag:$0x2] =	stream.indirect_vreg.gather [hbm4b:s1+s3], $0x80, v4, vm0, $0xb8;
	[tilespmem:$0x18100] =	vst v63  }
0x142: {  	s15 =	simm.s32 $0x12900;
	v3 =	vadd.s32 v1, v3  }
0x143: {  	[tilespmem:s15], [sflag:$0x2] =	stream.indirect_vreg.gather [hbm4b:s5+s3], $0x80, v4, vm0, $0xb8;
	[tilespmem:$0x18100] =	vst v63  }
0x144: {  	s16 =	simm.s32 $0x13100  }
0x145: {  	[tilespmem:s16], [sflag:$0x2] =	stream.indirect_vreg.gather [hbm4b:s6+s3], $0x80, v4, vm0, $0xb8;
	[tilespmem:$0x18100] =	vst v63  }
0x146: {  	s14 =	simm.s32 $0x13900  }
0x147: {  	[tilespmem:s14], [sflag:$0x2] =	stream.indirect_vreg.gather [hbm4b:s1+s3], $0x80, v3, vm0, $0xb8;
	[tilespmem:$0x18100] =	vst v63  }
0x148: {  	s15 =	simm.s32 $0x14100  }
0x149: {  	[tilespmem:s15], [sflag:$0x2] =	stream.indirect_vreg.gather [hbm4b:s5+s3], $0x80, v3, vm0, $0xb8;
	[tilespmem:$0x18100] =	vst v63  }
0x14a: {  	s16 =	simm.s32 $0x14900  }
0x14b: {  	[tilespmem:s16], [sflag:$0x2] =	stream.indirect_vreg.gather [hbm4b:s6+s3], $0x80, v3, vm0, $0xb8;
	[tilespmem:$0x18100] =	vst v63  }
0x14c: {  	v3 =	vld [tilespmem:$0xF0];
	_ =	sdelay $0x4  }
0x14d: {  	v63 =	vshrl.u32 v3, $0x3  }
0x14e: {  	v4 =	vmul.u32 $0x30, v63  }
0x14f: {  	v3 =	vand.u32 $0x7, v3  }
0x150: {  	v3 =	vor.u32 v3, v4  }
0x151: {  	v4 =	vperm.xlane v3, v0;
	_ =	sdelay $0x1  }
0x152: {  	v4 =	vadd.s32 v1, v4;
	_ =	sdelay $0x3  }
0x153: {  	s14 =	simm.s32 $0x15100;
	v3 =	vperm.xlane v3, v2  }
0x154: {  	[tilespmem:s14], [sflag:$0x2] =	stream.indirect_vreg.gather [hbm4b:s1+s3], $0x80, v4, vm0, $0xb8;
	[tilespmem:$0x18100] =	vst v63  }
0x155: {  	s15 =	simm.s32 $0x15900;
	v3 =	vadd.s32 v1, v3  }
0x156: {  	[tilespmem:s15], [sflag:$0x2] =	stream.indirect_vreg.gather [hbm4b:s5+s3], $0x80, v4, vm0, $0xb8;
	[tilespmem:$0x18100] =	vst v63  }
0x157: {  	s16 =	simm.s32 $0x16100  }
0x158: {  	[tilespmem:s16], [sflag:$0x2] =	stream.indirect_vreg.gather [hbm4b:s6+s3], $0x80, v4, vm0, $0xb8;
	[tilespmem:$0x18100] =	vst v63  }
0x159: {  	s14 =	simm.s32 $0x16900  }
0x15a: {  	[tilespmem:s14], [sflag:$0x2] =	stream.indirect_vreg.gather [hbm4b:s1+s3], $0x80, v3, vm0, $0xb8;
	[tilespmem:$0x18100] =	vst v63  }
0x15b: {  	s15 =	simm.s32 $0x17100  }
0x15c: {  	[tilespmem:s15], [sflag:$0x2] =	stream.indirect_vreg.gather [hbm4b:s5+s3], $0x80, v3, vm0, $0xb8;
	[tilespmem:$0x18100] =	vst v63  }
0x15d: {  	s16 =	simm.s32 $0x17900  }
0x15e: {  	[tilespmem:s16], [sflag:$0x2] =	stream.indirect_vreg.gather [hbm4b:s6+s3], $0x80, v3, vm0, $0xb8;
	[tilespmem:$0x18100] =	vst v63  }
0x15f: {  	_ =	swait.ge [sflag:s13], $0xC000  }
0x160: {  	[sflag:s13] =	ssyncset.done $0x0  }
0x161: {  	s15 =	simm.s32 $0x100;
	s7 =	rddreg [dreg:$0x6];
	[sflag:s13] =	ssyncadd.s32 $0xFFFF4000  }
0x162: {  	[hbm4b:s7+s3] =	stream.linear.scatter [tilespmem:s15], [sflag:$0x3], $0xC000, $0x38;
	[tilespmem:$0x18100] =	vst v63  }
0x163: {  	_ =	swait.ge [sflag:s2], $0xC000  }
0x164: {  	[sflag:s2] =	ssyncset.done $0x0  }
0x165: {  	s16 =	rddreg [dreg:$0x7];
	[sflag:s2] =	ssyncadd.s32 $0xFFFF4000  }
0x166: {  	[hbm4b:s16+s3] =	stream.linear.scatter [tilespmem:s12], [sflag:$0x4], $0xC000, $0x38;
	[tilespmem:$0x18100] =	vst v63  }
0x167: {  	p0 =	sne.s32 s8, $0x1;
	_ =	swait.ge [sflag:s0], $0xC000  }
.Ltmp0:
0x168: {  	[sflag:s0] =	ssyncset.done $0x0;
	(pc) =	sbr.rel @p0 .LBB2_1-.Ltmp0, $4  }
0x169: {  	[sflag:s0] =	ssyncadd.s32 $0xFFFF4000  }
0x16a: {  	_ =	swait.ge [sflag:s4], $0xC000  }
0x16b: {  	[sflag:s4] =	ssyncset.done $0x0  }
0x16c: {  	s8 =	sadd.s32 $0xFFFFFFFF, s8;
	[sflag:s4] =	ssyncadd.s32 $0xFFFF4000  }
0x16d: {  	_ =	sfence.sel $0x180000  }
0x16e: {  	[bflag:$0x0] =	sbarrier.arrive $0xFFFF  }
0x16f: {  	_ =	strace $0x90000050  }
0x170: {  	s0 =	stileid.u32;
	[bflag:$0x2] =	sbarrier.arrive $0xFFFF  }
0x171: {  	p0 =	sne.s32 s0, $0x0;
	s0 =	rddreg [dreg:$0x3]  }
0x172: {  	s0 =	sadd.s32 @!p0 $0x100000, s0  }
0x173: {  	[sflag:s0] =	ssyncadd.tile.s32 @!p0 $0x1;
	_ =	shalt  }
.Lfunc_end2:
_tile_overlayer_lowered:
.L_overlay_start_2:
0x174: {  	(tag) =	ssettag $0x2  }
0x175: {  	s0 =	rddreg [dreg:$0x0];
	s2 =	stileid.u32  }
0x176: {  	s1 =	rddreg [dreg:$0x1];
	p0 =	sne.s32 s2, $0x0  }
0x177: {  	s3 =	rddreg [dreg:$0x2];
	[bflag:$0x3] =	sbarrier.arrive $0xFFFF;
	s2 =	simm.s32 @!p0 $0x1C05  }
0x178: {  	[timem:s3], [sflag:s2] =	dma.local @!p0 [hbm:s0], s1  }
0x179: {  	s0 =	simm.s32 @!p0 $0x5  }
0x17a: {  	_ =	swait.ge @!p0 [sflag:s0], s1  }
0x17b: {  	s1 =	ssub.s32 @!p0 $0x0, s1;
	[sflag:s0] =	ssyncset.done @!p0 $0x0  }
0x17c: {  	[sflag:s0] =	ssyncadd.s32 @!p0 s1  }
0x17d: {  	[bflag:$0x3] =	sbarrier.arrive $0xFFFF  }
0x17e: {  	_ =	shalt  }

</sc_bundles>
